<compile_context>
chip_gen: v7x
topology: tpu7x:2x2x1
jax: 0.10.2.dev20260603
libtpu: 0.0.44.dev20260713+nightly
codegen_flags: <defaults>
</compile_context>

<pallas_src>
import functools

import jax
import jax.numpy as jnp
from jax import lax
from jax.experimental import pallas as pl
from jax.experimental.pallas import tpu as pltpu
from jax.experimental.pallas import tpu_sc as plsc

NUM_CORES = 2
NUM_SUBCORES = 16
LANES = 16
NW = NUM_CORES * NUM_SUBCORES

BATCH = 16384
COLS = BATCH // NW
GROUPS = COLS // LANES
NT = 100
NI, NV, NTG = 6, 10, 15

_PAIRS = [
    (0, 2), (0, 4), (0, 5), (0, 7), (0, 9), (1, 1), (1, 7), (2, 4), (2, 5),
    (2, 7), (2, 8), (2, 9), (3, 2), (3, 3), (3, 4), (3, 7), (3, 9), (4, 0),
    (4, 4), (4, 6), (4, 7), (4, 9), (5, 2), (5, 3), (5, 4), (5, 7),
]
_TRIP_PT = [
    (0, 0), (0, 2), (0, 3), (0, 4), (0, 5), (0, 6), (0, 8), (0, 10), (0, 12),
    (0, 13), (1, 1), (1, 3), (1, 4), (1, 6), (1, 8), (1, 12), (2, 6), (2, 10),
    (2, 14), (3, 11), (4, 4), (4, 5), (4, 8), (4, 10), (4, 12), (5, 2),
    (5, 3), (5, 4), (5, 5), (5, 6), (6, 11), (7, 6), (7, 8), (7, 12), (8, 3),
    (8, 4), (8, 5), (8, 6), (8, 8), (8, 9), (8, 10), (8, 12), (8, 13),
    (8, 14), (9, 11), (10, 8), (11, 4), (11, 5), (11, 6), (11, 8), (11, 9),
    (11, 10), (11, 12), (11, 13), (12, 2), (12, 3), (12, 4), (12, 5), (12, 6),
    (12, 8), (12, 10), (12, 12), (13, 2), (13, 13), (14, 2), (14, 3), (14, 4),
    (14, 6), (14, 8), (14, 12), (14, 13), (15, 11), (16, 8), (16, 10),
    (17, 7), (18, 4), (18, 5), (18, 6), (18, 8), (18, 12), (19, 0), (19, 5),
    (19, 10), (20, 11), (21, 8), (21, 10), (21, 12), (22, 12), (23, 1),
    (23, 2), (23, 3), (23, 4), (23, 6), (23, 10), (23, 12), (23, 13),
    (24, 6), (24, 8), (24, 12), (25, 11),
]

_mesh = plsc.VectorSubcoreMesh(core_axis_name="c", subcore_axis_name="s")


@functools.partial(
    pl.kernel,
    out_type=jax.ShapeDtypeStruct((NT, BATCH), jnp.float32),
    mesh=_mesh,
    compiler_params=pltpu.CompilerParams(needs_layout_passes=False),
    scratch_types=[
        pltpu.VMEM((NI, COLS), jnp.float32),
        pltpu.VMEM((NV, COLS), jnp.float32),
        pltpu.VMEM((NTG, COLS), jnp.float32),
        pltpu.VMEM((NT, COLS), jnp.float32),
        pltpu.VMEM((NT,), jnp.float32),
        pltpu.VMEM((3,), jnp.float32),
        pltpu.VMEM((NT, LANES), jnp.float32),
    ],
)
def _sc_combine(inst_hbm, verb_hbm, targ_hbm, bias_hbm, w_hbm, out_hbm,
                inst_v, verb_v, targ_v, out_v, bias_v, w_v, bias_bc):
    wid = lax.axis_index("s") * NUM_CORES + lax.axis_index("c")
    base = wid * COLS

    pltpu.sync_copy(bias_hbm, bias_v)
    pltpu.sync_copy(w_hbm, w_v)
    pltpu.sync_copy(inst_hbm.at[:, pl.ds(base, COLS)], inst_v)
    pltpu.sync_copy(verb_hbm.at[:, pl.ds(base, COLS)], verb_v)
    pltpu.sync_copy(targ_hbm.at[:, pl.ds(base, COLS)], targ_v)

    zero = jnp.zeros((LANES,), jnp.int32)
    r0 = plsc.load_gather(w_v, [zero])
    r1 = plsc.load_gather(w_v, [zero + 1])
    r2 = plsc.load_gather(w_v, [zero + 2])
    m = jnp.maximum(jnp.maximum(r0, r1), r2)
    e0 = jnp.exp(r0 - m)
    e1 = jnp.exp(r1 - m)
    e2 = jnp.exp(r2 - m)
    s = e0 + e1 + e2
    w0 = e0 / s
    w1 = e1 / s
    w2 = e2 / s

    for t in range(NT):
        bias_bc[t, :] = plsc.load_gather(bias_v, [zero + t])

    @plsc.parallel_loop(0, GROUPS, unroll=2)
    def g_body(g):
        c = pl.ds(g * LANES, LANES)
        si = [w0 * inst_v[r, c] for r in range(NI)]
        sv = [w1 * verb_v[r, c] for r in range(NV)]
        st = [w2 * targ_v[r, c] for r in range(NTG)]
        siv = [si[i] + sv[v] for (i, v) in _PAIRS]
        for t, (p, tt) in enumerate(_TRIP_PT):
            out_v[t, c] = siv[p] + st[tt] + bias_bc[t, :]

    pltpu.sync_copy(out_v, out_hbm.at[:, pl.ds(base, COLS)])


def kernel(instrument_logits, verb_logits, target_logits, triplet_to_ivt,
           triplet_bias, component_weights):
    del triplet_to_ivt
    out_t = _sc_combine(instrument_logits.T, verb_logits.T, target_logits.T,
                        triplet_bias, component_weights)
    return out_t.T

# --- scband reference (transcript-rebuilt; emitter-appended) ---
"""Pipeline reference for scband-triplet-combiner-v2-7670811591109 (READ-ONLY COPY).

The authoritative reference and input builder live on the scoring server;
editing this copy changes nothing except your own understanding.
"""

import jax, jax.numpy as jnp
import numpy as np

INSTRUMENTS = ['bipolar', 'clipper', 'grasper', 'hook', 'irrigator', 'scissors']
VERBS = ['aspirate', 'clip', 'coagulate', 'cut', 'dissect', 'grasp', 'irrigate', 'null-verb', 'pack', 'retract']
TARGETS = ['abdominal-wall/cavity', 'adhesion', 'blood-vessel', 'cystic-artery', 'cystic-duct', 'cystic-pedicle', 'cystic-plate', 'fluid', 'gallbladder', 'gut', 'liver', 'null-target', 'omentum', 'peritoneum', 'specimen-bag']
TRIPLET_CLASSES = [('bipolar', 'coagulate', 'abdominal-wall/cavity'), ('bipolar', 'coagulate', 'blood-vessel'), ('bipolar', 'coagulate', 'cystic-artery'), ('bipolar', 'coagulate', 'cystic-duct'), ('bipolar', 'coagulate', 'cystic-pedicle'), ('bipolar', 'coagulate', 'cystic-plate'), ('bipolar', 'coagulate', 'gallbladder'), ('bipolar', 'coagulate', 'liver'), ('bipolar', 'coagulate', 'omentum'), ('bipolar', 'coagulate', 'peritoneum'), ('bipolar', 'dissect', 'adhesion'), ('bipolar', 'dissect', 'cystic-artery'), ('bipolar', 'dissect', 'cystic-duct'), ('bipolar', 'dissect', 'cystic-plate'), ('bipolar', 'dissect', 'gallbladder'), ('bipolar', 'dissect', 'omentum'), ('bipolar', 'grasp', 'cystic-plate'), ('bipolar', 'grasp', 'liver'), ('bipolar', 'grasp', 'specimen-bag'), ('bipolar', 'null-verb', 'null-target'), ('bipolar', 'retract', 'cystic-duct'), ('bipolar', 'retract', 'cystic-pedicle'), ('bipolar', 'retract', 'gallbladder'), ('bipolar', 'retract', 'liver'), ('bipolar', 'retract', 'omentum'), ('clipper', 'clip', 'blood-vessel'), ('clipper', 'clip', 'cystic-artery'), ('clipper', 'clip', 'cystic-duct'), ('clipper', 'clip', 'cystic-pedicle'), ('clipper', 'clip', 'cystic-plate'), ('clipper', 'null-verb', 'null-target'), ('grasper', 'dissect', 'cystic-plate'), ('grasper', 'dissect', 'gallbladder'), ('grasper', 'dissect', 'omentum'), ('grasper', 'grasp', 'cystic-artery'), ('grasper', 'grasp', 'cystic-duct'), ('grasper', 'grasp', 'cystic-pedicle'), ('grasper', 'grasp', 'cystic-plate'), ('grasper', 'grasp', 'gallbladder'), ('grasper', 'grasp', 'gut'), ('grasper', 'grasp', 'liver'), ('grasper', 'grasp', 'omentum'), ('grasper', 'grasp', 'peritoneum'), ('grasper', 'grasp', 'specimen-bag'), ('grasper', 'null-verb', 'null-target'), ('grasper', 'pack', 'gallbladder'), ('grasper', 'retract', 'cystic-duct'), ('grasper', 'retract', 'cystic-pedicle'), ('grasper', 'retract', 'cystic-plate'), ('grasper', 'retract', 'gallbladder'), ('grasper', 'retract', 'gut'), ('grasper', 'retract', 'liver'), ('grasper', 'retract', 'omentum'), ('grasper', 'retract', 'peritoneum'), ('hook', 'coagulate', 'blood-vessel'), ('hook', 'coagulate', 'cystic-artery'), ('hook', 'coagulate', 'cystic-duct'), ('hook', 'coagulate', 'cystic-pedicle'), ('hook', 'coagulate', 'cystic-plate'), ('hook', 'coagulate', 'gallbladder'), ('hook', 'coagulate', 'liver'), ('hook', 'coagulate', 'omentum'), ('hook', 'cut', 'blood-vessel'), ('hook', 'cut', 'peritoneum'), ('hook', 'dissect', 'blood-vessel'), ('hook', 'dissect', 'cystic-artery'), ('hook', 'dissect', 'cystic-duct'), ('hook', 'dissect', 'cystic-plate'), ('hook', 'dissect', 'gallbladder'), ('hook', 'dissect', 'omentum'), ('hook', 'dissect', 'peritoneum'), ('hook', 'null-verb', 'null-target'), ('hook', 'retract', 'gallbladder'), ('hook', 'retract', 'liver'), ('irrigator', 'aspirate', 'fluid'), ('irrigator', 'dissect', 'cystic-duct'), ('irrigator', 'dissect', 'cystic-pedicle'), ('irrigator', 'dissect', 'cystic-plate'), ('irrigator', 'dissect', 'gallbladder'), ('irrigator', 'dissect', 'omentum'), ('irrigator', 'irrigate', 'abdominal-wall/cavity'), ('irrigator', 'irrigate', 'cystic-pedicle'), ('irrigator', 'irrigate', 'liver'), ('irrigator', 'null-verb', 'null-target'), ('irrigator', 'retract', 'gallbladder'), ('irrigator', 'retract', 'liver'), ('irrigator', 'retract', 'omentum'), ('scissors', 'coagulate', 'omentum'), ('scissors', 'cut', 'adhesion'), ('scissors', 'cut', 'blood-vessel'), ('scissors', 'cut', 'cystic-artery'), ('scissors', 'cut', 'cystic-duct'), ('scissors', 'cut', 'cystic-plate'), ('scissors', 'cut', 'liver'), ('scissors', 'cut', 'omentum'), ('scissors', 'cut', 'peritoneum'), ('scissors', 'dissect', 'cystic-plate'), ('scissors', 'dissect', 'gallbladder'), ('scissors', 'dissect', 'omentum'), ('scissors', 'null-verb', 'null-target')]

NUM_TRIPLETS = 100
BATCH = 16384

def _build_triplet_mapping():
    mapping = []
    for inst, verb, targ in TRIPLET_CLASSES:
        mapping.append([INSTRUMENTS.index(inst), VERBS.index(verb), TARGETS.index(targ)])
    return jnp.asarray(np.array(mapping, dtype=np.int64))


def setup_inputs(seed: int = 0) -> dict:
    key = jax.random.key(seed)
    k1, k2, k3 = jax.random.split(key, 3)
    instrument_logits = jax.random.normal(k1, (BATCH, len(INSTRUMENTS)), dtype=jnp.float32)
    verb_logits = jax.random.normal(k2, (BATCH, len(VERBS)), dtype=jnp.float32)
    target_logits = jax.random.normal(k3, (BATCH, len(TARGETS)), dtype=jnp.float32)
    triplet_to_ivt = _build_triplet_mapping()
    triplet_bias = jnp.zeros((NUM_TRIPLETS,), dtype=jnp.float32)
    component_weights = jnp.ones((3,), dtype=jnp.float32) / 3.0
    return {
        'instrument_logits': instrument_logits,
        'verb_logits': verb_logits,
        'target_logits': target_logits,
        'triplet_to_ivt': triplet_to_ivt,
        'triplet_bias': triplet_bias,
        'component_weights': component_weights,
    }


def reference(instrument_logits, verb_logits, target_logits, triplet_to_ivt, triplet_bias, component_weights):
    i_idx = triplet_to_ivt[:, 0]
    v_idx = triplet_to_ivt[:, 1]
    t_idx = triplet_to_ivt[:, 2]
    l_i = jnp.take(instrument_logits, i_idx, axis=1)
    l_v = jnp.take(verb_logits, v_idx, axis=1)
    l_t = jnp.take(target_logits, t_idx, axis=1)
    w = jax.nn.softmax(component_weights, axis=0)
    triplet_logits = w[0] * l_i + w[1] * l_v + w[2] * l_t + triplet_bias
    return triplet_logits

if __name__ == "__main__":
    import jax
    _d = setup_inputs()
    print(jax.jit(kernel)(*tuple(_d.values())))

</pallas_src>

<mosaic_0001>
#map = affine_map<(d0, d1) -> (0, 0)>
#map1 = affine_map<(d0, d1) -> (0)>
module attributes {stable_mosaic.version = 14 : i64} {
  func.func @_sc_combine(%arg0: i32, %arg1: i32, %arg2: memref<6x16384xf32, #tpu.memory_space<hbm>>, %arg3: memref<10x16384xf32, #tpu.memory_space<hbm>>, %arg4: memref<15x16384xf32, #tpu.memory_space<hbm>>, %arg5: memref<100xf32, #tpu.memory_space<hbm>>, %arg6: memref<3xf32, #tpu.memory_space<hbm>>, %arg7: memref<100x16384xf32, #tpu.memory_space<hbm>>, %arg8: memref<6x512xf32, #tpu.memory_space<vmem>>, %arg9: memref<10x512xf32, #tpu.memory_space<vmem>>, %arg10: memref<15x512xf32, #tpu.memory_space<vmem>>, %arg11: memref<100x512xf32, #tpu.memory_space<vmem>>, %arg12: memref<100xf32, #tpu.memory_space<vmem>>, %arg13: memref<3xf32, #tpu.memory_space<vmem>>, %arg14: memref<100x16xf32, #tpu.memory_space<vmem>>) attributes {dimension_semantics = [#tpu.dimension_semantics<core_parallel>, #tpu.dimension_semantics<subcore_parallel>], iteration_bounds = array<i64: 2, 16>, scalar_prefetch = 0 : i64, scratch_operands = 7 : i64, tpu.core_type = #tpu.core_type<sc_vector_subcore>, window_params = [{transform_indices = #map}, {transform_indices = #map}, {transform_indices = #map}, {transform_indices = #map1}, {transform_indices = #map1}, {transform_indices = #map}]} {
    %mul3A = arith.constant 2 : i32
    %mul3A_0 = arith.muli %arg1, %mul3A : i32
    %add3A = arith.addi %mul3A_0, %arg0 : i32
    %mul3A_1 = arith.constant 512 : i32
    %mul3A_2 = arith.muli %add3A, %mul3A_1 : i32
    "tpu.region"() ({
      %run_scoped3A = tpu.sem_alloc : memref<!tpu.dma_semaphore, #tpu.memory_space<semaphore_mem>>
      tpu.enqueue_dma source(%arg5 : memref<100xf32, #tpu.memory_space<hbm>>) target(%arg12 : memref<100xf32, #tpu.memory_space<vmem>>) target_semaphore(%run_scoped3A : memref<!tpu.dma_semaphore, #tpu.memory_space<semaphore_mem>>)
      tpu.wait_dma2 semaphore(%run_scoped3A : memref<!tpu.dma_semaphore, #tpu.memory_space<semaphore_mem>>) src(%arg5 : memref<100xf32, #tpu.memory_space<hbm>>) dst(%arg12 : memref<100xf32, #tpu.memory_space<vmem>>)
      tpu.yield
    }) : () -> ()
    "tpu.region"() ({
      %run_scoped3A = tpu.sem_alloc : memref<!tpu.dma_semaphore, #tpu.memory_space<semaphore_mem>>
      tpu.enqueue_dma source(%arg6 : memref<3xf32, #tpu.memory_space<hbm>>) target(%arg13 : memref<3xf32, #tpu.memory_space<vmem>>) target_semaphore(%run_scoped3A : memref<!tpu.dma_semaphore, #tpu.memory_space<semaphore_mem>>)
      tpu.wait_dma2 semaphore(%run_scoped3A : memref<!tpu.dma_semaphore, #tpu.memory_space<semaphore_mem>>) src(%arg6 : memref<3xf32, #tpu.memory_space<hbm>>) dst(%arg13 : memref<3xf32, #tpu.memory_space<vmem>>)
      tpu.yield
    }) : () -> ()
    "tpu.region"() ({
      %run_scoped3A = tpu.sem_alloc : memref<!tpu.dma_semaphore, #tpu.memory_space<semaphore_mem>>
      %dma_start3A = arith.constant 0 : i32
      %dma_start3A_822 = tpu.memref_slice %arg2[%dma_start3A, %mul3A_2] : memref<6x16384xf32, #tpu.memory_space<hbm>> -> memref<6x512xf32, #tpu.memory_space<hbm>>
      %dma_start3A_823 = arith.constant 0 : i32
      %dma_start3A_824 = tpu.memref_slice %arg2[%dma_start3A_823, %mul3A_2] : memref<6x16384xf32, #tpu.memory_space<hbm>> -> memref<6x512xf32, #tpu.memory_space<hbm>>
      tpu.enqueue_dma source(%dma_start3A_824 : memref<6x512xf32, #tpu.memory_space<hbm>>) target(%arg8 : memref<6x512xf32, #tpu.memory_space<vmem>>) target_semaphore(%run_scoped3A : memref<!tpu.dma_semaphore, #tpu.memory_space<semaphore_mem>>)
      %dma_wait3A = arith.constant 0 : i32
      %dma_wait3A_825 = tpu.memref_slice %arg2[%dma_wait3A, %mul3A_2] : memref<6x16384xf32, #tpu.memory_space<hbm>> -> memref<6x512xf32, #tpu.memory_space<hbm>>
      %dma_wait3A_826 = arith.constant 0 : i32
      %dma_wait3A_827 = tpu.memref_slice %arg2[%dma_wait3A_826, %mul3A_2] : memref<6x16384xf32, #tpu.memory_space<hbm>> -> memref<6x512xf32, #tpu.memory_space<hbm>>
      tpu.wait_dma2 semaphore(%run_scoped3A : memref<!tpu.dma_semaphore, #tpu.memory_space<semaphore_mem>>) src(%dma_wait3A_827 : memref<6x512xf32, #tpu.memory_space<hbm>>) dst(%arg8 : memref<6x512xf32, #tpu.memory_space<vmem>>)
      tpu.yield
    }) : () -> ()
    "tpu.region"() ({
      %run_scoped3A = tpu.sem_alloc : memref<!tpu.dma_semaphore, #tpu.memory_space<semaphore_mem>>
      %dma_start3A = arith.constant 0 : i32
      %dma_start3A_822 = tpu.memref_slice %arg3[%dma_start3A, %mul3A_2] : memref<10x16384xf32, #tpu.memory_space<hbm>> -> memref<10x512xf32, #tpu.memory_space<hbm>>
      %dma_start3A_823 = arith.constant 0 : i32
      %dma_start3A_824 = tpu.memref_slice %arg3[%dma_start3A_823, %mul3A_2] : memref<10x16384xf32, #tpu.memory_space<hbm>> -> memref<10x512xf32, #tpu.memory_space<hbm>>
      tpu.enqueue_dma source(%dma_start3A_824 : memref<10x512xf32, #tpu.memory_space<hbm>>) target(%arg9 : memref<10x512xf32, #tpu.memory_space<vmem>>) target_semaphore(%run_scoped3A : memref<!tpu.dma_semaphore, #tpu.memory_space<semaphore_mem>>)
      %dma_wait3A = arith.constant 0 : i32
      %dma_wait3A_825 = tpu.memref_slice %arg3[%dma_wait3A, %mul3A_2] : memref<10x16384xf32, #tpu.memory_space<hbm>> -> memref<10x512xf32, #tpu.memory_space<hbm>>
      %dma_wait3A_826 = arith.constant 0 : i32
      %dma_wait3A_827 = tpu.memref_slice %arg3[%dma_wait3A_826, %mul3A_2] : memref<10x16384xf32, #tpu.memory_space<hbm>> -> memref<10x512xf32, #tpu.memory_space<hbm>>
      tpu.wait_dma2 semaphore(%run_scoped3A : memref<!tpu.dma_semaphore, #tpu.memory_space<semaphore_mem>>) src(%dma_wait3A_827 : memref<10x512xf32, #tpu.memory_space<hbm>>) dst(%arg9 : memref<10x512xf32, #tpu.memory_space<vmem>>)
      tpu.yield
    }) : () -> ()
    "tpu.region"() ({
      %run_scoped3A = tpu.sem_alloc : memref<!tpu.dma_semaphore, #tpu.memory_space<semaphore_mem>>
      %dma_start3A = arith.constant 0 : i32
      %dma_start3A_822 = tpu.memref_slice %arg4[%dma_start3A, %mul3A_2] : memref<15x16384xf32, #tpu.memory_space<hbm>> -> memref<15x512xf32, #tpu.memory_space<hbm>>
      %dma_start3A_823 = arith.constant 0 : i32
      %dma_start3A_824 = tpu.memref_slice %arg4[%dma_start3A_823, %mul3A_2] : memref<15x16384xf32, #tpu.memory_space<hbm>> -> memref<15x512xf32, #tpu.memory_space<hbm>>
      tpu.enqueue_dma source(%dma_start3A_824 : memref<15x512xf32, #tpu.memory_space<hbm>>) target(%arg10 : memref<15x512xf32, #tpu.memory_space<vmem>>) target_semaphore(%run_scoped3A : memref<!tpu.dma_semaphore, #tpu.memory_space<semaphore_mem>>)
      %dma_wait3A = arith.constant 0 : i32
      %dma_wait3A_825 = tpu.memref_slice %arg4[%dma_wait3A, %mul3A_2] : memref<15x16384xf32, #tpu.memory_space<hbm>> -> memref<15x512xf32, #tpu.memory_space<hbm>>
      %dma_wait3A_826 = arith.constant 0 : i32
      %dma_wait3A_827 = tpu.memref_slice %arg4[%dma_wait3A_826, %mul3A_2] : memref<15x16384xf32, #tpu.memory_space<hbm>> -> memref<15x512xf32, #tpu.memory_space<hbm>>
      tpu.wait_dma2 semaphore(%run_scoped3A : memref<!tpu.dma_semaphore, #tpu.memory_space<semaphore_mem>>) src(%dma_wait3A_827 : memref<15x512xf32, #tpu.memory_space<hbm>>) dst(%arg10 : memref<15x512xf32, #tpu.memory_space<vmem>>)
      tpu.yield
    }) : () -> ()
    %broadcast_in_dim3A = arith.constant 0 : i32
    %broadcast_in_dim3A_3 = vector.broadcast %broadcast_in_dim3A : i32 to vector<16xi32>
    %gather3A = tpu.vector_load_idx %arg13[%broadcast_in_dim3A_3] : memref<3xf32, #tpu.memory_space<vmem>>[vector<16xi32>], vector<16xf32>,
    %add3A_4 = arith.constant 1 : i32
    %add3A_5 = vector.broadcast %add3A_4 : i32 to vector<16xi32>
    %add3A_6 = arith.addi %broadcast_in_dim3A_3, %add3A_5 : vector<16xi32>
    %gather3A_7 = tpu.vector_load_idx %arg13[%add3A_6] : memref<3xf32, #tpu.memory_space<vmem>>[vector<16xi32>], vector<16xf32>,
    %add3A_8 = arith.constant 2 : i32
    %add3A_9 = vector.broadcast %add3A_8 : i32 to vector<16xi32>
    %add3A_10 = arith.addi %broadcast_in_dim3A_3, %add3A_9 : vector<16xi32>
    %gather3A_11 = tpu.vector_load_idx %arg13[%add3A_10] : memref<3xf32, #tpu.memory_space<vmem>>[vector<16xi32>], vector<16xf32>,
    %max3A = arith.maximumf %gather3A, %gather3A_7 : vector<16xf32>
    %max3A_12 = arith.maximumf %max3A, %gather3A_11 : vector<16xf32>
    %sub3A = arith.subf %gather3A, %max3A_12 : vector<16xf32>
    %exp3A = math.exp %sub3A : vector<16xf32>
    %sub3A_13 = arith.subf %gather3A_7, %max3A_12 : vector<16xf32>
    %exp3A_14 = math.exp %sub3A_13 : vector<16xf32>
    %sub3A_15 = arith.subf %gather3A_11, %max3A_12 : vector<16xf32>
    %exp3A_16 = math.exp %sub3A_15 : vector<16xf32>
    %add3A_17 = arith.addf %exp3A, %exp3A_14 : vector<16xf32>
    %add3A_18 = arith.addf %add3A_17, %exp3A_16 : vector<16xf32>
    %div3A = arith.divf %exp3A, %add3A_18 : vector<16xf32>
    %div3A_19 = arith.divf %exp3A_14, %add3A_18 : vector<16xf32>
    %div3A_20 = arith.divf %exp3A_16, %add3A_18 : vector<16xf32>
    %add3A_21 = arith.constant 0 : i32
    %add3A_22 = vector.broadcast %add3A_21 : i32 to vector<16xi32>
    %add3A_23 = arith.addi %broadcast_in_dim3A_3, %add3A_22 : vector<16xi32>
    %gather3A_24 = tpu.vector_load_idx %arg12[%add3A_23] : memref<100xf32, #tpu.memory_space<vmem>>[vector<16xi32>], vector<16xf32>,
    %swap3A = arith.constant 0 : i32
    %swap3A_25 = arith.index_cast %swap3A : i32 to index
    %swap3A_26 = arith.constant 0 : index
    %swap3A_27 = tpu.vector_load %arg14[%swap3A_25, %swap3A_26] {strides = array<i32>} : memref<100x16xf32, #tpu.memory_space<vmem>>, vector<16xf32>,
    tpu.vector_store %arg14[%swap3A_25, %swap3A_26], %gather3A_24 {strides = array<i32>} : memref<100x16xf32, #tpu.memory_space<vmem>>, vector<16xf32>,
    %add3A_28 = arith.constant 1 : i32
    %add3A_29 = vector.broadcast %add3A_28 : i32 to vector<16xi32>
    %add3A_30 = arith.addi %broadcast_in_dim3A_3, %add3A_29 : vector<16xi32>
    %gather3A_31 = tpu.vector_load_idx %arg12[%add3A_30] : memref<100xf32, #tpu.memory_space<vmem>>[vector<16xi32>], vector<16xf32>,
    %swap3A_32 = arith.constant 1 : i32
    %swap3A_33 = arith.index_cast %swap3A_32 : i32 to index
    %swap3A_34 = arith.constant 0 : index
    %swap3A_35 = tpu.vector_load %arg14[%swap3A_33, %swap3A_34] {strides = array<i32>} : memref<100x16xf32, #tpu.memory_space<vmem>>, vector<16xf32>,
    tpu.vector_store %arg14[%swap3A_33, %swap3A_34], %gather3A_31 {strides = array<i32>} : memref<100x16xf32, #tpu.memory_space<vmem>>, vector<16xf32>,
    %add3A_36 = arith.constant 2 : i32
    %add3A_37 = vector.broadcast %add3A_36 : i32 to vector<16xi32>
    %add3A_38 = arith.addi %broadcast_in_dim3A_3, %add3A_37 : vector<16xi32>
    %gather3A_39 = tpu.vector_load_idx %arg12[%add3A_38] : memref<100xf32, #tpu.memory_space<vmem>>[vector<16xi32>], vector<16xf32>,
    %swap3A_40 = arith.constant 2 : i32
    %swap3A_41 = arith.index_cast %swap3A_40 : i32 to index
    %swap3A_42 = arith.constant 0 : index
    %swap3A_43 = tpu.vector_load %arg14[%swap3A_41, %swap3A_42] {strides = array<i32>} : memref<100x16xf32, #tpu.memory_space<vmem>>, vector<16xf32>,
    tpu.vector_store %arg14[%swap3A_41, %swap3A_42], %gather3A_39 {strides = array<i32>} : memref<100x16xf32, #tpu.memory_space<vmem>>, vector<16xf32>,
    %add3A_44 = arith.constant 3 : i32
    %add3A_45 = vector.broadcast %add3A_44 : i32 to vector<16xi32>
    %add3A_46 = arith.addi %broadcast_in_dim3A_3, %add3A_45 : vector<16xi32>
    %gather3A_47 = tpu.vector_load_idx %arg12[%add3A_46] : memref<100xf32, #tpu.memory_space<vmem>>[vector<16xi32>], vector<16xf32>,
    %swap3A_48 = arith.constant 3 : i32
    %swap3A_49 = arith.index_cast %swap3A_48 : i32 to index
    %swap3A_50 = arith.constant 0 : index
    %swap3A_51 = tpu.vector_load %arg14[%swap3A_49, %swap3A_50] {strides = array<i32>} : memref<100x16xf32, #tpu.memory_space<vmem>>, vector<16xf32>,
    tpu.vector_store %arg14[%swap3A_49, %swap3A_50], %gather3A_47 {strides = array<i32>} : memref<100x16xf32, #tpu.memory_space<vmem>>, vector<16xf32>,
    %add3A_52 = arith.constant 4 : i32
    %add3A_53 = vector.broadcast %add3A_52 : i32 to vector<16xi32>
    %add3A_54 = arith.addi %broadcast_in_dim3A_3, %add3A_53 : vector<16xi32>
    %gather3A_55 = tpu.vector_load_idx %arg12[%add3A_54] : memref<100xf32, #tpu.memory_space<vmem>>[vector<16xi32>], vector<16xf32>,
    %swap3A_56 = arith.constant 4 : i32
    %swap3A_57 = arith.index_cast %swap3A_56 : i32 to index
    %swap3A_58 = arith.constant 0 : index
    %swap3A_59 = tpu.vector_load %arg14[%swap3A_57, %swap3A_58] {strides = array<i32>} : memref<100x16xf32, #tpu.memory_space<vmem>>, vector<16xf32>,
    tpu.vector_store %arg14[%swap3A_57, %swap3A_58], %gather3A_55 {strides = array<i32>} : memref<100x16xf32, #tpu.memory_space<vmem>>, vector<16xf32>,
    %add3A_60 = arith.constant 5 : i32
    %add3A_61 = vector.broadcast %add3A_60 : i32 to vector<16xi32>
    %add3A_62 = arith.addi %broadcast_in_dim3A_3, %add3A_61 : vector<16xi32>
    %gather3A_63 = tpu.vector_load_idx %arg12[%add3A_62] : memref<100xf32, #tpu.memory_space<vmem>>[vector<16xi32>], vector<16xf32>,
    %swap3A_64 = arith.constant 5 : i32
    %swap3A_65 = arith.index_cast %swap3A_64 : i32 to index
    %swap3A_66 = arith.constant 0 : index
    %swap3A_67 = tpu.vector_load %arg14[%swap3A_65, %swap3A_66] {strides = array<i32>} : memref<100x16xf32, #tpu.memory_space<vmem>>, vector<16xf32>,
    tpu.vector_store %arg14[%swap3A_65, %swap3A_66], %gather3A_63 {strides = array<i32>} : memref<100x16xf32, #tpu.memory_space<vmem>>, vector<16xf32>,
    %add3A_68 = arith.constant 6 : i32
    %add3A_69 = vector.broadcast %add3A_68 : i32 to vector<16xi32>
    %add3A_70 = arith.addi %broadcast_in_dim3A_3, %add3A_69 : vector<16xi32>
    %gather3A_71 = tpu.vector_load_idx %arg12[%add3A_70] : memref<100xf32, #tpu.memory_space<vmem>>[vector<16xi32>], vector<16xf32>,
    %swap3A_72 = arith.constant 6 : i32
    %swap3A_73 = arith.index_cast %swap3A_72 : i32 to index
    %swap3A_74 = arith.constant 0 : index
    %swap3A_75 = tpu.vector_load %arg14[%swap3A_73, %swap3A_74] {strides = array<i32>} : memref<100x16xf32, #tpu.memory_space<vmem>>, vector<16xf32>,
    tpu.vector_store %arg14[%swap3A_73, %swap3A_74], %gather3A_71 {strides = array<i32>} : memref<100x16xf32, #tpu.memory_space<vmem>>, vector<16xf32>,
    %add3A_76 = arith.constant 7 : i32
    %add3A_77 = vector.broadcast %add3A_76 : i32 to vector<16xi32>
    %add3A_78 = arith.addi %broadcast_in_dim3A_3, %add3A_77 : vector<16xi32>
    %gather3A_79 = tpu.vector_load_idx %arg12[%add3A_78] : memref<100xf32, #tpu.memory_space<vmem>>[vector<16xi32>], vector<16xf32>,
    %swap3A_80 = arith.constant 7 : i32
    %swap3A_81 = arith.index_cast %swap3A_80 : i32 to index
    %swap3A_82 = arith.constant 0 : index
    %swap3A_83 = tpu.vector_load %arg14[%swap3A_81, %swap3A_82] {strides = array<i32>} : memref<100x16xf32, #tpu.memory_space<vmem>>, vector<16xf32>,
    tpu.vector_store %arg14[%swap3A_81, %swap3A_82], %gather3A_79 {strides = array<i32>} : memref<100x16xf32, #tpu.memory_space<vmem>>, vector<16xf32>,
    %add3A_84 = arith.constant 8 : i32
    %add3A_85 = vector.broadcast %add3A_84 : i32 to vector<16xi32>
    %add3A_86 = arith.addi %broadcast_in_dim3A_3, %add3A_85 : vector<16xi32>
    %gather3A_87 = tpu.vector_load_idx %arg12[%add3A_86] : memref<100xf32, #tpu.memory_space<vmem>>[vector<16xi32>], vector<16xf32>,
    %swap3A_88 = arith.constant 8 : i32
    %swap3A_89 = arith.index_cast %swap3A_88 : i32 to index
    %swap3A_90 = arith.constant 0 : index
    %swap3A_91 = tpu.vector_load %arg14[%swap3A_89, %swap3A_90] {strides = array<i32>} : memref<100x16xf32, #tpu.memory_space<vmem>>, vector<16xf32>,
    tpu.vector_store %arg14[%swap3A_89, %swap3A_90], %gather3A_87 {strides = array<i32>} : memref<100x16xf32, #tpu.memory_space<vmem>>, vector<16xf32>,
    %add3A_92 = arith.constant 9 : i32
    %add3A_93 = vector.broadcast %add3A_92 : i32 to vector<16xi32>
    %add3A_94 = arith.addi %broadcast_in_dim3A_3, %add3A_93 : vector<16xi32>
    %gather3A_95 = tpu.vector_load_idx %arg12[%add3A_94] : memref<100xf32, #tpu.memory_space<vmem>>[vector<16xi32>], vector<16xf32>,
    %swap3A_96 = arith.constant 9 : i32
    %swap3A_97 = arith.index_cast %swap3A_96 : i32 to index
    %swap3A_98 = arith.constant 0 : index
    %swap3A_99 = tpu.vector_load %arg14[%swap3A_97, %swap3A_98] {strides = array<i32>} : memref<100x16xf32, #tpu.memory_space<vmem>>, vector<16xf32>,
    tpu.vector_store %arg14[%swap3A_97, %swap3A_98], %gather3A_95 {strides = array<i32>} : memref<100x16xf32, #tpu.memory_space<vmem>>, vector<16xf32>,
    %add3A_100 = arith.constant 10 : i32
    %add3A_101 = vector.broadcast %add3A_100 : i32 to vector<16xi32>
    %add3A_102 = arith.addi %broadcast_in_dim3A_3, %add3A_101 : vector<16xi32>
    %gather3A_103 = tpu.vector_load_idx %arg12[%add3A_102] : memref<100xf32, #tpu.memory_space<vmem>>[vector<16xi32>], vector<16xf32>,
    %swap3A_104 = arith.constant 10 : i32
    %swap3A_105 = arith.index_cast %swap3A_104 : i32 to index
    %swap3A_106 = arith.constant 0 : index
    %swap3A_107 = tpu.vector_load %arg14[%swap3A_105, %swap3A_106] {strides = array<i32>} : memref<100x16xf32, #tpu.memory_space<vmem>>, vector<16xf32>,
    tpu.vector_store %arg14[%swap3A_105, %swap3A_106], %gather3A_103 {strides = array<i32>} : memref<100x16xf32, #tpu.memory_space<vmem>>, vector<16xf32>,
    %add3A_108 = arith.constant 11 : i32
    %add3A_109 = vector.broadcast %add3A_108 : i32 to vector<16xi32>
    %add3A_110 = arith.addi %broadcast_in_dim3A_3, %add3A_109 : vector<16xi32>
    %gather3A_111 = tpu.vector_load_idx %arg12[%add3A_110] : memref<100xf32, #tpu.memory_space<vmem>>[vector<16xi32>], vector<16xf32>,
    %swap3A_112 = arith.constant 11 : i32
    %swap3A_113 = arith.index_cast %swap3A_112 : i32 to index
    %swap3A_114 = arith.constant 0 : index
    %swap3A_115 = tpu.vector_load %arg14[%swap3A_113, %swap3A_114] {strides = array<i32>} : memref<100x16xf32, #tpu.memory_space<vmem>>, vector<16xf32>,
    tpu.vector_store %arg14[%swap3A_113, %swap3A_114], %gather3A_111 {strides = array<i32>} : memref<100x16xf32, #tpu.memory_space<vmem>>, vector<16xf32>,
    %add3A_116 = arith.constant 12 : i32
    %add3A_117 = vector.broadcast %add3A_116 : i32 to vector<16xi32>
    %add3A_118 = arith.addi %broadcast_in_dim3A_3, %add3A_117 : vector<16xi32>
    %gather3A_119 = tpu.vector_load_idx %arg12[%add3A_118] : memref<100xf32, #tpu.memory_space<vmem>>[vector<16xi32>], vector<16xf32>,
    %swap3A_120 = arith.constant 12 : i32
    %swap3A_121 = arith.index_cast %swap3A_120 : i32 to index
    %swap3A_122 = arith.constant 0 : index
    %swap3A_123 = tpu.vector_load %arg14[%swap3A_121, %swap3A_122] {strides = array<i32>} : memref<100x16xf32, #tpu.memory_space<vmem>>, vector<16xf32>,
    tpu.vector_store %arg14[%swap3A_121, %swap3A_122], %gather3A_119 {strides = array<i32>} : memref<100x16xf32, #tpu.memory_space<vmem>>, vector<16xf32>,
    %add3A_124 = arith.constant 13 : i32
    %add3A_125 = vector.broadcast %add3A_124 : i32 to vector<16xi32>
    %add3A_126 = arith.addi %broadcast_in_dim3A_3, %add3A_125 : vector<16xi32>
    %gather3A_127 = tpu.vector_load_idx %arg12[%add3A_126] : memref<100xf32, #tpu.memory_space<vmem>>[vector<16xi32>], vector<16xf32>,
    %swap3A_128 = arith.constant 13 : i32
    %swap3A_129 = arith.index_cast %swap3A_128 : i32 to index
    %swap3A_130 = arith.constant 0 : index
    %swap3A_131 = tpu.vector_load %arg14[%swap3A_129, %swap3A_130] {strides = array<i32>} : memref<100x16xf32, #tpu.memory_space<vmem>>, vector<16xf32>,
    tpu.vector_store %arg14[%swap3A_129, %swap3A_130], %gather3A_127 {strides = array<i32>} : memref<100x16xf32, #tpu.memory_space<vmem>>, vector<16xf32>,
    %add3A_132 = arith.constant 14 : i32
    %add3A_133 = vector.broadcast %add3A_132 : i32 to vector<16xi32>
    %add3A_134 = arith.addi %broadcast_in_dim3A_3, %add3A_133 : vector<16xi32>
    %gather3A_135 = tpu.vector_load_idx %arg12[%add3A_134] : memref<100xf32, #tpu.memory_space<vmem>>[vector<16xi32>], vector<16xf32>,
    %swap3A_136 = arith.constant 14 : i32
    %swap3A_137 = arith.index_cast %swap3A_136 : i32 to index
    %swap3A_138 = arith.constant 0 : index
    %swap3A_139 = tpu.vector_load %arg14[%swap3A_137, %swap3A_138] {strides = array<i32>} : memref<100x16xf32, #tpu.memory_space<vmem>>, vector<16xf32>,
    tpu.vector_store %arg14[%swap3A_137, %swap3A_138], %gather3A_135 {strides = array<i32>} : memref<100x16xf32, #tpu.memory_space<vmem>>, vector<16xf32>,
    %add3A_140 = arith.constant 15 : i32
    %add3A_141 = vector.broadcast %add3A_140 : i32 to vector<16xi32>
    %add3A_142 = arith.addi %broadcast_in_dim3A_3, %add3A_141 : vector<16xi32>
    %gather3A_143 = tpu.vector_load_idx %arg12[%add3A_142] : memref<100xf32, #tpu.memory_space<vmem>>[vector<16xi32>], vector<16xf32>,
    %swap3A_144 = arith.constant 15 : i32
    %swap3A_145 = arith.index_cast %swap3A_144 : i32 to index
    %swap3A_146 = arith.constant 0 : index
    %swap3A_147 = tpu.vector_load %arg14[%swap3A_145, %swap3A_146] {strides = array<i32>} : memref<100x16xf32, #tpu.memory_space<vmem>>, vector<16xf32>,
    tpu.vector_store %arg14[%swap3A_145, %swap3A_146], %gather3A_143 {strides = array<i32>} : memref<100x16xf32, #tpu.memory_space<vmem>>, vector<16xf32>,
    %add3A_148 = arith.constant 16 : i32
    %add3A_149 = vector.broadcast %add3A_148 : i32 to vector<16xi32>
    %add3A_150 = arith.addi %broadcast_in_dim3A_3, %add3A_149 : vector<16xi32>
    %gather3A_151 = tpu.vector_load_idx %arg12[%add3A_150] : memref<100xf32, #tpu.memory_space<vmem>>[vector<16xi32>], vector<16xf32>,
    %swap3A_152 = arith.constant 16 : i32
    %swap3A_153 = arith.index_cast %swap3A_152 : i32 to index
    %swap3A_154 = arith.constant 0 : index
    %swap3A_155 = tpu.vector_load %arg14[%swap3A_153, %swap3A_154] {strides = array<i32>} : memref<100x16xf32, #tpu.memory_space<vmem>>, vector<16xf32>,
    tpu.vector_store %arg14[%swap3A_153, %swap3A_154], %gather3A_151 {strides = array<i32>} : memref<100x16xf32, #tpu.memory_space<vmem>>, vector<16xf32>,
    %add3A_156 = arith.constant 17 : i32
    %add3A_157 = vector.broadcast %add3A_156 : i32 to vector<16xi32>
    %add3A_158 = arith.addi %broadcast_in_dim3A_3, %add3A_157 : vector<16xi32>
    %gather3A_159 = tpu.vector_load_idx %arg12[%add3A_158] : memref<100xf32, #tpu.memory_space<vmem>>[vector<16xi32>], vector<16xf32>,
    %swap3A_160 = arith.constant 17 : i32
    %swap3A_161 = arith.index_cast %swap3A_160 : i32 to index
    %swap3A_162 = arith.constant 0 : index
    %swap3A_163 = tpu.vector_load %arg14[%swap3A_161, %swap3A_162] {strides = array<i32>} : memref<100x16xf32, #tpu.memory_space<vmem>>, vector<16xf32>,
    tpu.vector_store %arg14[%swap3A_161, %swap3A_162], %gather3A_159 {strides = array<i32>} : memref<100x16xf32, #tpu.memory_space<vmem>>, vector<16xf32>,
    %add3A_164 = arith.constant 18 : i32
    %add3A_165 = vector.broadcast %add3A_164 : i32 to vector<16xi32>
    %add3A_166 = arith.addi %broadcast_in_dim3A_3, %add3A_165 : vector<16xi32>
    %gather3A_167 = tpu.vector_load_idx %arg12[%add3A_166] : memref<100xf32, #tpu.memory_space<vmem>>[vector<16xi32>], vector<16xf32>,
    %swap3A_168 = arith.constant 18 : i32
    %swap3A_169 = arith.index_cast %swap3A_168 : i32 to index
    %swap3A_170 = arith.constant 0 : index
    %swap3A_171 = tpu.vector_load %arg14[%swap3A_169, %swap3A_170] {strides = array<i32>} : memref<100x16xf32, #tpu.memory_space<vmem>>, vector<16xf32>,
    tpu.vector_store %arg14[%swap3A_169, %swap3A_170], %gather3A_167 {strides = array<i32>} : memref<100x16xf32, #tpu.memory_space<vmem>>, vector<16xf32>,
    %add3A_172 = arith.constant 19 : i32
    %add3A_173 = vector.broadcast %add3A_172 : i32 to vector<16xi32>
    %add3A_174 = arith.addi %broadcast_in_dim3A_3, %add3A_173 : vector<16xi32>
    %gather3A_175 = tpu.vector_load_idx %arg12[%add3A_174] : memref<100xf32, #tpu.memory_space<vmem>>[vector<16xi32>], vector<16xf32>,
    %swap3A_176 = arith.constant 19 : i32
    %swap3A_177 = arith.index_cast %swap3A_176 : i32 to index
    %swap3A_178 = arith.constant 0 : index
    %swap3A_179 = tpu.vector_load %arg14[%swap3A_177, %swap3A_178] {strides = array<i32>} : memref<100x16xf32, #tpu.memory_space<vmem>>, vector<16xf32>,
    tpu.vector_store %arg14[%swap3A_177, %swap3A_178], %gather3A_175 {strides = array<i32>} : memref<100x16xf32, #tpu.memory_space<vmem>>, vector<16xf32>,
    %add3A_180 = arith.constant 20 : i32
    %add3A_181 = vector.broadcast %add3A_180 : i32 to vector<16xi32>
    %add3A_182 = arith.addi %broadcast_in_dim3A_3, %add3A_181 : vector<16xi32>
    %gather3A_183 = tpu.vector_load_idx %arg12[%add3A_182] : memref<100xf32, #tpu.memory_space<vmem>>[vector<16xi32>], vector<16xf32>,
    %swap3A_184 = arith.constant 20 : i32
    %swap3A_185 = arith.index_cast %swap3A_184 : i32 to index
    %swap3A_186 = arith.constant 0 : index
    %swap3A_187 = tpu.vector_load %arg14[%swap3A_185, %swap3A_186] {strides = array<i32>} : memref<100x16xf32, #tpu.memory_space<vmem>>, vector<16xf32>,
    tpu.vector_store %arg14[%swap3A_185, %swap3A_186], %gather3A_183 {strides = array<i32>} : memref<100x16xf32, #tpu.memory_space<vmem>>, vector<16xf32>,
    %add3A_188 = arith.constant 21 : i32
    %add3A_189 = vector.broadcast %add3A_188 : i32 to vector<16xi32>
    %add3A_190 = arith.addi %broadcast_in_dim3A_3, %add3A_189 : vector<16xi32>
    %gather3A_191 = tpu.vector_load_idx %arg12[%add3A_190] : memref<100xf32, #tpu.memory_space<vmem>>[vector<16xi32>], vector<16xf32>,
    %swap3A_192 = arith.constant 21 : i32
    %swap3A_193 = arith.index_cast %swap3A_192 : i32 to index
    %swap3A_194 = arith.constant 0 : index
    %swap3A_195 = tpu.vector_load %arg14[%swap3A_193, %swap3A_194] {strides = array<i32>} : memref<100x16xf32, #tpu.memory_space<vmem>>, vector<16xf32>,
    tpu.vector_store %arg14[%swap3A_193, %swap3A_194], %gather3A_191 {strides = array<i32>} : memref<100x16xf32, #tpu.memory_space<vmem>>, vector<16xf32>,
    %add3A_196 = arith.constant 22 : i32
    %add3A_197 = vector.broadcast %add3A_196 : i32 to vector<16xi32>
    %add3A_198 = arith.addi %broadcast_in_dim3A_3, %add3A_197 : vector<16xi32>
    %gather3A_199 = tpu.vector_load_idx %arg12[%add3A_198] : memref<100xf32, #tpu.memory_space<vmem>>[vector<16xi32>], vector<16xf32>,
    %swap3A_200 = arith.constant 22 : i32
    %swap3A_201 = arith.index_cast %swap3A_200 : i32 to index
    %swap3A_202 = arith.constant 0 : index
    %swap3A_203 = tpu.vector_load %arg14[%swap3A_201, %swap3A_202] {strides = array<i32>} : memref<100x16xf32, #tpu.memory_space<vmem>>, vector<16xf32>,
    tpu.vector_store %arg14[%swap3A_201, %swap3A_202], %gather3A_199 {strides = array<i32>} : memref<100x16xf32, #tpu.memory_space<vmem>>, vector<16xf32>,
    %add3A_204 = arith.constant 23 : i32
    %add3A_205 = vector.broadcast %add3A_204 : i32 to vector<16xi32>
    %add3A_206 = arith.addi %broadcast_in_dim3A_3, %add3A_205 : vector<16xi32>
    %gather3A_207 = tpu.vector_load_idx %arg12[%add3A_206] : memref<100xf32, #tpu.memory_space<vmem>>[vector<16xi32>], vector<16xf32>,
    %swap3A_208 = arith.constant 23 : i32
    %swap3A_209 = arith.index_cast %swap3A_208 : i32 to index
    %swap3A_210 = arith.constant 0 : index
    %swap3A_211 = tpu.vector_load %arg14[%swap3A_209, %swap3A_210] {strides = array<i32>} : memref<100x16xf32, #tpu.memory_space<vmem>>, vector<16xf32>,
    tpu.vector_store %arg14[%swap3A_209, %swap3A_210], %gather3A_207 {strides = array<i32>} : memref<100x16xf32, #tpu.memory_space<vmem>>, vector<16xf32>,
    %add3A_212 = arith.constant 24 : i32
    %add3A_213 = vector.broadcast %add3A_212 : i32 to vector<16xi32>
    %add3A_214 = arith.addi %broadcast_in_dim3A_3, %add3A_213 : vector<16xi32>
    %gather3A_215 = tpu.vector_load_idx %arg12[%add3A_214] : memref<100xf32, #tpu.memory_space<vmem>>[vector<16xi32>], vector<16xf32>,
    %swap3A_216 = arith.constant 24 : i32
    %swap3A_217 = arith.index_cast %swap3A_216 : i32 to index
    %swap3A_218 = arith.constant 0 : index
    %swap3A_219 = tpu.vector_load %arg14[%swap3A_217, %swap3A_218] {strides = array<i32>} : memref<100x16xf32, #tpu.memory_space<vmem>>, vector<16xf32>,
    tpu.vector_store %arg14[%swap3A_217, %swap3A_218], %gather3A_215 {strides = array<i32>} : memref<100x16xf32, #tpu.memory_space<vmem>>, vector<16xf32>,
    %add3A_220 = arith.constant 25 : i32
    %add3A_221 = vector.broadcast %add3A_220 : i32 to vector<16xi32>
    %add3A_222 = arith.addi %broadcast_in_dim3A_3, %add3A_221 : vector<16xi32>
    %gather3A_223 = tpu.vector_load_idx %arg12[%add3A_222] : memref<100xf32, #tpu.memory_space<vmem>>[vector<16xi32>], vector<16xf32>,
    %swap3A_224 = arith.constant 25 : i32
    %swap3A_225 = arith.index_cast %swap3A_224 : i32 to index
    %swap3A_226 = arith.constant 0 : index
    %swap3A_227 = tpu.vector_load %arg14[%swap3A_225, %swap3A_226] {strides = array<i32>} : memref<100x16xf32, #tpu.memory_space<vmem>>, vector<16xf32>,
    tpu.vector_store %arg14[%swap3A_225, %swap3A_226], %gather3A_223 {strides = array<i32>} : memref<100x16xf32, #tpu.memory_space<vmem>>, vector<16xf32>,
    %add3A_228 = arith.constant 26 : i32
    %add3A_229 = vector.broadcast %add3A_228 : i32 to vector<16xi32>
    %add3A_230 = arith.addi %broadcast_in_dim3A_3, %add3A_229 : vector<16xi32>
    %gather3A_231 = tpu.vector_load_idx %arg12[%add3A_230] : memref<100xf32, #tpu.memory_space<vmem>>[vector<16xi32>], vector<16xf32>,
    %swap3A_232 = arith.constant 26 : i32
    %swap3A_233 = arith.index_cast %swap3A_232 : i32 to index
    %swap3A_234 = arith.constant 0 : index
    %swap3A_235 = tpu.vector_load %arg14[%swap3A_233, %swap3A_234] {strides = array<i32>} : memref<100x16xf32, #tpu.memory_space<vmem>>, vector<16xf32>,
    tpu.vector_store %arg14[%swap3A_233, %swap3A_234], %gather3A_231 {strides = array<i32>} : memref<100x16xf32, #tpu.memory_space<vmem>>, vector<16xf32>,
    %add3A_236 = arith.constant 27 : i32
    %add3A_237 = vector.broadcast %add3A_236 : i32 to vector<16xi32>
    %add3A_238 = arith.addi %broadcast_in_dim3A_3, %add3A_237 : vector<16xi32>
    %gather3A_239 = tpu.vector_load_idx %arg12[%add3A_238] : memref<100xf32, #tpu.memory_space<vmem>>[vector<16xi32>], vector<16xf32>,
    %swap3A_240 = arith.constant 27 : i32
    %swap3A_241 = arith.index_cast %swap3A_240 : i32 to index
    %swap3A_242 = arith.constant 0 : index
    %swap3A_243 = tpu.vector_load %arg14[%swap3A_241, %swap3A_242] {strides = array<i32>} : memref<100x16xf32, #tpu.memory_space<vmem>>, vector<16xf32>,
    tpu.vector_store %arg14[%swap3A_241, %swap3A_242], %gather3A_239 {strides = array<i32>} : memref<100x16xf32, #tpu.memory_space<vmem>>, vector<16xf32>,
    %add3A_244 = arith.constant 28 : i32
    %add3A_245 = vector.broadcast %add3A_244 : i32 to vector<16xi32>
    %add3A_246 = arith.addi %broadcast_in_dim3A_3, %add3A_245 : vector<16xi32>
    %gather3A_247 = tpu.vector_load_idx %arg12[%add3A_246] : memref<100xf32, #tpu.memory_space<vmem>>[vector<16xi32>], vector<16xf32>,
    %swap3A_248 = arith.constant 28 : i32
    %swap3A_249 = arith.index_cast %swap3A_248 : i32 to index
    %swap3A_250 = arith.constant 0 : index
    %swap3A_251 = tpu.vector_load %arg14[%swap3A_249, %swap3A_250] {strides = array<i32>} : memref<100x16xf32, #tpu.memory_space<vmem>>, vector<16xf32>,
    tpu.vector_store %arg14[%swap3A_249, %swap3A_250], %gather3A_247 {strides = array<i32>} : memref<100x16xf32, #tpu.memory_space<vmem>>, vector<16xf32>,
    %add3A_252 = arith.constant 29 : i32
    %add3A_253 = vector.broadcast %add3A_252 : i32 to vector<16xi32>
    %add3A_254 = arith.addi %broadcast_in_dim3A_3, %add3A_253 : vector<16xi32>
    %gather3A_255 = tpu.vector_load_idx %arg12[%add3A_254] : memref<100xf32, #tpu.memory_space<vmem>>[vector<16xi32>], vector<16xf32>,
    %swap3A_256 = arith.constant 29 : i32
    %swap3A_257 = arith.index_cast %swap3A_256 : i32 to index
    %swap3A_258 = arith.constant 0 : index
    %swap3A_259 = tpu.vector_load %arg14[%swap3A_257, %swap3A_258] {strides = array<i32>} : memref<100x16xf32, #tpu.memory_space<vmem>>, vector<16xf32>,
    tpu.vector_store %arg14[%swap3A_257, %swap3A_258], %gather3A_255 {strides = array<i32>} : memref<100x16xf32, #tpu.memory_space<vmem>>, vector<16xf32>,
    %add3A_260 = arith.constant 30 : i32
    %add3A_261 = vector.broadcast %add3A_260 : i32 to vector<16xi32>
    %add3A_262 = arith.addi %broadcast_in_dim3A_3, %add3A_261 : vector<16xi32>
    %gather3A_263 = tpu.vector_load_idx %arg12[%add3A_262] : memref<100xf32, #tpu.memory_space<vmem>>[vector<16xi32>], vector<16xf32>,
    %swap3A_264 = arith.constant 30 : i32
    %swap3A_265 = arith.index_cast %swap3A_264 : i32 to index
    %swap3A_266 = arith.constant 0 : index
    %swap3A_267 = tpu.vector_load %arg14[%swap3A_265, %swap3A_266] {strides = array<i32>} : memref<100x16xf32, #tpu.memory_space<vmem>>, vector<16xf32>,
    tpu.vector_store %arg14[%swap3A_265, %swap3A_266], %gather3A_263 {strides = array<i32>} : memref<100x16xf32, #tpu.memory_space<vmem>>, vector<16xf32>,
    %add3A_268 = arith.constant 31 : i32
    %add3A_269 = vector.broadcast %add3A_268 : i32 to vector<16xi32>
    %add3A_270 = arith.addi %broadcast_in_dim3A_3, %add3A_269 : vector<16xi32>
    %gather3A_271 = tpu.vector_load_idx %arg12[%add3A_270] : memref<100xf32, #tpu.memory_space<vmem>>[vector<16xi32>], vector<16xf32>,
    %swap3A_272 = arith.constant 31 : i32
    %swap3A_273 = arith.index_cast %swap3A_272 : i32 to index
    %swap3A_274 = arith.constant 0 : index
    %swap3A_275 = tpu.vector_load %arg14[%swap3A_273, %swap3A_274] {strides = array<i32>} : memref<100x16xf32, #tpu.memory_space<vmem>>, vector<16xf32>,
    tpu.vector_store %arg14[%swap3A_273, %swap3A_274], %gather3A_271 {strides = array<i32>} : memref<100x16xf32, #tpu.memory_space<vmem>>, vector<16xf32>,
    %add3A_276 = arith.constant 32 : i32
    %add3A_277 = vector.broadcast %add3A_276 : i32 to vector<16xi32>
    %add3A_278 = arith.addi %broadcast_in_dim3A_3, %add3A_277 : vector<16xi32>
    %gather3A_279 = tpu.vector_load_idx %arg12[%add3A_278] : memref<100xf32, #tpu.memory_space<vmem>>[vector<16xi32>], vector<16xf32>,
    %swap3A_280 = arith.constant 32 : i32
    %swap3A_281 = arith.index_cast %swap3A_280 : i32 to index
    %swap3A_282 = arith.constant 0 : index
    %swap3A_283 = tpu.vector_load %arg14[%swap3A_281, %swap3A_282] {strides = array<i32>} : memref<100x16xf32, #tpu.memory_space<vmem>>, vector<16xf32>,
    tpu.vector_store %arg14[%swap3A_281, %swap3A_282], %gather3A_279 {strides = array<i32>} : memref<100x16xf32, #tpu.memory_space<vmem>>, vector<16xf32>,
    %add3A_284 = arith.constant 33 : i32
    %add3A_285 = vector.broadcast %add3A_284 : i32 to vector<16xi32>
    %add3A_286 = arith.addi %broadcast_in_dim3A_3, %add3A_285 : vector<16xi32>
    %gather3A_287 = tpu.vector_load_idx %arg12[%add3A_286] : memref<100xf32, #tpu.memory_space<vmem>>[vector<16xi32>], vector<16xf32>,
    %swap3A_288 = arith.constant 33 : i32
    %swap3A_289 = arith.index_cast %swap3A_288 : i32 to index
    %swap3A_290 = arith.constant 0 : index
    %swap3A_291 = tpu.vector_load %arg14[%swap3A_289, %swap3A_290] {strides = array<i32>} : memref<100x16xf32, #tpu.memory_space<vmem>>, vector<16xf32>,
    tpu.vector_store %arg14[%swap3A_289, %swap3A_290], %gather3A_287 {strides = array<i32>} : memref<100x16xf32, #tpu.memory_space<vmem>>, vector<16xf32>,
    %add3A_292 = arith.constant 34 : i32
    %add3A_293 = vector.broadcast %add3A_292 : i32 to vector<16xi32>
    %add3A_294 = arith.addi %broadcast_in_dim3A_3, %add3A_293 : vector<16xi32>
    %gather3A_295 = tpu.vector_load_idx %arg12[%add3A_294] : memref<100xf32, #tpu.memory_space<vmem>>[vector<16xi32>], vector<16xf32>,
    %swap3A_296 = arith.constant 34 : i32
    %swap3A_297 = arith.index_cast %swap3A_296 : i32 to index
    %swap3A_298 = arith.constant 0 : index
    %swap3A_299 = tpu.vector_load %arg14[%swap3A_297, %swap3A_298] {strides = array<i32>} : memref<100x16xf32, #tpu.memory_space<vmem>>, vector<16xf32>,
    tpu.vector_store %arg14[%swap3A_297, %swap3A_298], %gather3A_295 {strides = array<i32>} : memref<100x16xf32, #tpu.memory_space<vmem>>, vector<16xf32>,
    %add3A_300 = arith.constant 35 : i32
    %add3A_301 = vector.broadcast %add3A_300 : i32 to vector<16xi32>
    %add3A_302 = arith.addi %broadcast_in_dim3A_3, %add3A_301 : vector<16xi32>
    %gather3A_303 = tpu.vector_load_idx %arg12[%add3A_302] : memref<100xf32, #tpu.memory_space<vmem>>[vector<16xi32>], vector<16xf32>,
    %swap3A_304 = arith.constant 35 : i32
    %swap3A_305 = arith.index_cast %swap3A_304 : i32 to index
    %swap3A_306 = arith.constant 0 : index
    %swap3A_307 = tpu.vector_load %arg14[%swap3A_305, %swap3A_306] {strides = array<i32>} : memref<100x16xf32, #tpu.memory_space<vmem>>, vector<16xf32>,
    tpu.vector_store %arg14[%swap3A_305, %swap3A_306], %gather3A_303 {strides = array<i32>} : memref<100x16xf32, #tpu.memory_space<vmem>>, vector<16xf32>,
    %add3A_308 = arith.constant 36 : i32
    %add3A_309 = vector.broadcast %add3A_308 : i32 to vector<16xi32>
    %add3A_310 = arith.addi %broadcast_in_dim3A_3, %add3A_309 : vector<16xi32>
    %gather3A_311 = tpu.vector_load_idx %arg12[%add3A_310] : memref<100xf32, #tpu.memory_space<vmem>>[vector<16xi32>], vector<16xf32>,
    %swap3A_312 = arith.constant 36 : i32
    %swap3A_313 = arith.index_cast %swap3A_312 : i32 to index
    %swap3A_314 = arith.constant 0 : index
    %swap3A_315 = tpu.vector_load %arg14[%swap3A_313, %swap3A_314] {strides = array<i32>} : memref<100x16xf32, #tpu.memory_space<vmem>>, vector<16xf32>,
    tpu.vector_store %arg14[%swap3A_313, %swap3A_314], %gather3A_311 {strides = array<i32>} : memref<100x16xf32, #tpu.memory_space<vmem>>, vector<16xf32>,
    %add3A_316 = arith.constant 37 : i32
    %add3A_317 = vector.broadcast %add3A_316 : i32 to vector<16xi32>
    %add3A_318 = arith.addi %broadcast_in_dim3A_3, %add3A_317 : vector<16xi32>
    %gather3A_319 = tpu.vector_load_idx %arg12[%add3A_318] : memref<100xf32, #tpu.memory_space<vmem>>[vector<16xi32>], vector<16xf32>,
    %swap3A_320 = arith.constant 37 : i32
    %swap3A_321 = arith.index_cast %swap3A_320 : i32 to index
    %swap3A_322 = arith.constant 0 : index
    %swap3A_323 = tpu.vector_load %arg14[%swap3A_321, %swap3A_322] {strides = array<i32>} : memref<100x16xf32, #tpu.memory_space<vmem>>, vector<16xf32>,
    tpu.vector_store %arg14[%swap3A_321, %swap3A_322], %gather3A_319 {strides = array<i32>} : memref<100x16xf32, #tpu.memory_space<vmem>>, vector<16xf32>,
    %add3A_324 = arith.constant 38 : i32
    %add3A_325 = vector.broadcast %add3A_324 : i32 to vector<16xi32>
    %add3A_326 = arith.addi %broadcast_in_dim3A_3, %add3A_325 : vector<16xi32>
    %gather3A_327 = tpu.vector_load_idx %arg12[%add3A_326] : memref<100xf32, #tpu.memory_space<vmem>>[vector<16xi32>], vector<16xf32>,
    %swap3A_328 = arith.constant 38 : i32
    %swap3A_329 = arith.index_cast %swap3A_328 : i32 to index
    %swap3A_330 = arith.constant 0 : index
    %swap3A_331 = tpu.vector_load %arg14[%swap3A_329, %swap3A_330] {strides = array<i32>} : memref<100x16xf32, #tpu.memory_space<vmem>>, vector<16xf32>,
    tpu.vector_store %arg14[%swap3A_329, %swap3A_330], %gather3A_327 {strides = array<i32>} : memref<100x16xf32, #tpu.memory_space<vmem>>, vector<16xf32>,
    %add3A_332 = arith.constant 39 : i32
    %add3A_333 = vector.broadcast %add3A_332 : i32 to vector<16xi32>
    %add3A_334 = arith.addi %broadcast_in_dim3A_3, %add3A_333 : vector<16xi32>
    %gather3A_335 = tpu.vector_load_idx %arg12[%add3A_334] : memref<100xf32, #tpu.memory_space<vmem>>[vector<16xi32>], vector<16xf32>,
    %swap3A_336 = arith.constant 39 : i32
    %swap3A_337 = arith.index_cast %swap3A_336 : i32 to index
    %swap3A_338 = arith.constant 0 : index
    %swap3A_339 = tpu.vector_load %arg14[%swap3A_337, %swap3A_338] {strides = array<i32>} : memref<100x16xf32, #tpu.memory_space<vmem>>, vector<16xf32>,
    tpu.vector_store %arg14[%swap3A_337, %swap3A_338], %gather3A_335 {strides = array<i32>} : memref<100x16xf32, #tpu.memory_space<vmem>>, vector<16xf32>,
    %add3A_340 = arith.constant 40 : i32
    %add3A_341 = vector.broadcast %add3A_340 : i32 to vector<16xi32>
    %add3A_342 = arith.addi %broadcast_in_dim3A_3, %add3A_341 : vector<16xi32>
    %gather3A_343 = tpu.vector_load_idx %arg12[%add3A_342] : memref<100xf32, #tpu.memory_space<vmem>>[vector<16xi32>], vector<16xf32>,
    %swap3A_344 = arith.constant 40 : i32
    %swap3A_345 = arith.index_cast %swap3A_344 : i32 to index
    %swap3A_346 = arith.constant 0 : index
    %swap3A_347 = tpu.vector_load %arg14[%swap3A_345, %swap3A_346] {strides = array<i32>} : memref<100x16xf32, #tpu.memory_space<vmem>>, vector<16xf32>,
    tpu.vector_store %arg14[%swap3A_345, %swap3A_346], %gather3A_343 {strides = array<i32>} : memref<100x16xf32, #tpu.memory_space<vmem>>, vector<16xf32>,
    %add3A_348 = arith.constant 41 : i32
    %add3A_349 = vector.broadcast %add3A_348 : i32 to vector<16xi32>
    %add3A_350 = arith.addi %broadcast_in_dim3A_3, %add3A_349 : vector<16xi32>
    %gather3A_351 = tpu.vector_load_idx %arg12[%add3A_350] : memref<100xf32, #tpu.memory_space<vmem>>[vector<16xi32>], vector<16xf32>,
    %swap3A_352 = arith.constant 41 : i32
    %swap3A_353 = arith.index_cast %swap3A_352 : i32 to index
    %swap3A_354 = arith.constant 0 : index
    %swap3A_355 = tpu.vector_load %arg14[%swap3A_353, %swap3A_354] {strides = array<i32>} : memref<100x16xf32, #tpu.memory_space<vmem>>, vector<16xf32>,
    tpu.vector_store %arg14[%swap3A_353, %swap3A_354], %gather3A_351 {strides = array<i32>} : memref<100x16xf32, #tpu.memory_space<vmem>>, vector<16xf32>,
    %add3A_356 = arith.constant 42 : i32
    %add3A_357 = vector.broadcast %add3A_356 : i32 to vector<16xi32>
    %add3A_358 = arith.addi %broadcast_in_dim3A_3, %add3A_357 : vector<16xi32>
    %gather3A_359 = tpu.vector_load_idx %arg12[%add3A_358] : memref<100xf32, #tpu.memory_space<vmem>>[vector<16xi32>], vector<16xf32>,
    %swap3A_360 = arith.constant 42 : i32
    %swap3A_361 = arith.index_cast %swap3A_360 : i32 to index
    %swap3A_362 = arith.constant 0 : index
    %swap3A_363 = tpu.vector_load %arg14[%swap3A_361, %swap3A_362] {strides = array<i32>} : memref<100x16xf32, #tpu.memory_space<vmem>>, vector<16xf32>,
    tpu.vector_store %arg14[%swap3A_361, %swap3A_362], %gather3A_359 {strides = array<i32>} : memref<100x16xf32, #tpu.memory_space<vmem>>, vector<16xf32>,
    %add3A_364 = arith.constant 43 : i32
    %add3A_365 = vector.broadcast %add3A_364 : i32 to vector<16xi32>
    %add3A_366 = arith.addi %broadcast_in_dim3A_3, %add3A_365 : vector<16xi32>
    %gather3A_367 = tpu.vector_load_idx %arg12[%add3A_366] : memref<100xf32, #tpu.memory_space<vmem>>[vector<16xi32>], vector<16xf32>,
    %swap3A_368 = arith.constant 43 : i32
    %swap3A_369 = arith.index_cast %swap3A_368 : i32 to index
    %swap3A_370 = arith.constant 0 : index
    %swap3A_371 = tpu.vector_load %arg14[%swap3A_369, %swap3A_370] {strides = array<i32>} : memref<100x16xf32, #tpu.memory_space<vmem>>, vector<16xf32>,
    tpu.vector_store %arg14[%swap3A_369, %swap3A_370], %gather3A_367 {strides = array<i32>} : memref<100x16xf32, #tpu.memory_space<vmem>>, vector<16xf32>,
    %add3A_372 = arith.constant 44 : i32
    %add3A_373 = vector.broadcast %add3A_372 : i32 to vector<16xi32>
    %add3A_374 = arith.addi %broadcast_in_dim3A_3, %add3A_373 : vector<16xi32>
    %gather3A_375 = tpu.vector_load_idx %arg12[%add3A_374] : memref<100xf32, #tpu.memory_space<vmem>>[vector<16xi32>], vector<16xf32>,
    %swap3A_376 = arith.constant 44 : i32
    %swap3A_377 = arith.index_cast %swap3A_376 : i32 to index
    %swap3A_378 = arith.constant 0 : index
    %swap3A_379 = tpu.vector_load %arg14[%swap3A_377, %swap3A_378] {strides = array<i32>} : memref<100x16xf32, #tpu.memory_space<vmem>>, vector<16xf32>,
    tpu.vector_store %arg14[%swap3A_377, %swap3A_378], %gather3A_375 {strides = array<i32>} : memref<100x16xf32, #tpu.memory_space<vmem>>, vector<16xf32>,
    %add3A_380 = arith.constant 45 : i32
    %add3A_381 = vector.broadcast %add3A_380 : i32 to vector<16xi32>
    %add3A_382 = arith.addi %broadcast_in_dim3A_3, %add3A_381 : vector<16xi32>
    %gather3A_383 = tpu.vector_load_idx %arg12[%add3A_382] : memref<100xf32, #tpu.memory_space<vmem>>[vector<16xi32>], vector<16xf32>,
    %swap3A_384 = arith.constant 45 : i32
    %swap3A_385 = arith.index_cast %swap3A_384 : i32 to index
    %swap3A_386 = arith.constant 0 : index
    %swap3A_387 = tpu.vector_load %arg14[%swap3A_385, %swap3A_386] {strides = array<i32>} : memref<100x16xf32, #tpu.memory_space<vmem>>, vector<16xf32>,
    tpu.vector_store %arg14[%swap3A_385, %swap3A_386], %gather3A_383 {strides = array<i32>} : memref<100x16xf32, #tpu.memory_space<vmem>>, vector<16xf32>,
    %add3A_388 = arith.constant 46 : i32
    %add3A_389 = vector.broadcast %add3A_388 : i32 to vector<16xi32>
    %add3A_390 = arith.addi %broadcast_in_dim3A_3, %add3A_389 : vector<16xi32>
    %gather3A_391 = tpu.vector_load_idx %arg12[%add3A_390] : memref<100xf32, #tpu.memory_space<vmem>>[vector<16xi32>], vector<16xf32>,
    %swap3A_392 = arith.constant 46 : i32
    %swap3A_393 = arith.index_cast %swap3A_392 : i32 to index
    %swap3A_394 = arith.constant 0 : index
    %swap3A_395 = tpu.vector_load %arg14[%swap3A_393, %swap3A_394] {strides = array<i32>} : memref<100x16xf32, #tpu.memory_space<vmem>>, vector<16xf32>,
    tpu.vector_store %arg14[%swap3A_393, %swap3A_394], %gather3A_391 {strides = array<i32>} : memref<100x16xf32, #tpu.memory_space<vmem>>, vector<16xf32>,
    %add3A_396 = arith.constant 47 : i32
    %add3A_397 = vector.broadcast %add3A_396 : i32 to vector<16xi32>
    %add3A_398 = arith.addi %broadcast_in_dim3A_3, %add3A_397 : vector<16xi32>
    %gather3A_399 = tpu.vector_load_idx %arg12[%add3A_398] : memref<100xf32, #tpu.memory_space<vmem>>[vector<16xi32>], vector<16xf32>,
    %swap3A_400 = arith.constant 47 : i32
    %swap3A_401 = arith.index_cast %swap3A_400 : i32 to index
    %swap3A_402 = arith.constant 0 : index
    %swap3A_403 = tpu.vector_load %arg14[%swap3A_401, %swap3A_402] {strides = array<i32>} : memref<100x16xf32, #tpu.memory_space<vmem>>, vector<16xf32>,
    tpu.vector_store %arg14[%swap3A_401, %swap3A_402], %gather3A_399 {strides = array<i32>} : memref<100x16xf32, #tpu.memory_space<vmem>>, vector<16xf32>,
    %add3A_404 = arith.constant 48 : i32
    %add3A_405 = vector.broadcast %add3A_404 : i32 to vector<16xi32>
    %add3A_406 = arith.addi %broadcast_in_dim3A_3, %add3A_405 : vector<16xi32>
    %gather3A_407 = tpu.vector_load_idx %arg12[%add3A_406] : memref<100xf32, #tpu.memory_space<vmem>>[vector<16xi32>], vector<16xf32>,
    %swap3A_408 = arith.constant 48 : i32
    %swap3A_409 = arith.index_cast %swap3A_408 : i32 to index
    %swap3A_410 = arith.constant 0 : index
    %swap3A_411 = tpu.vector_load %arg14[%swap3A_409, %swap3A_410] {strides = array<i32>} : memref<100x16xf32, #tpu.memory_space<vmem>>, vector<16xf32>,
    tpu.vector_store %arg14[%swap3A_409, %swap3A_410], %gather3A_407 {strides = array<i32>} : memref<100x16xf32, #tpu.memory_space<vmem>>, vector<16xf32>,
    %add3A_412 = arith.constant 49 : i32
    %add3A_413 = vector.broadcast %add3A_412 : i32 to vector<16xi32>
    %add3A_414 = arith.addi %broadcast_in_dim3A_3, %add3A_413 : vector<16xi32>
    %gather3A_415 = tpu.vector_load_idx %arg12[%add3A_414] : memref<100xf32, #tpu.memory_space<vmem>>[vector<16xi32>], vector<16xf32>,
    %swap3A_416 = arith.constant 49 : i32
    %swap3A_417 = arith.index_cast %swap3A_416 : i32 to index
    %swap3A_418 = arith.constant 0 : index
    %swap3A_419 = tpu.vector_load %arg14[%swap3A_417, %swap3A_418] {strides = array<i32>} : memref<100x16xf32, #tpu.memory_space<vmem>>, vector<16xf32>,
    tpu.vector_store %arg14[%swap3A_417, %swap3A_418], %gather3A_415 {strides = array<i32>} : memref<100x16xf32, #tpu.memory_space<vmem>>, vector<16xf32>,
    %add3A_420 = arith.constant 50 : i32
    %add3A_421 = vector.broadcast %add3A_420 : i32 to vector<16xi32>
    %add3A_422 = arith.addi %broadcast_in_dim3A_3, %add3A_421 : vector<16xi32>
    %gather3A_423 = tpu.vector_load_idx %arg12[%add3A_422] : memref<100xf32, #tpu.memory_space<vmem>>[vector<16xi32>], vector<16xf32>,
    %swap3A_424 = arith.constant 50 : i32
    %swap3A_425 = arith.index_cast %swap3A_424 : i32 to index
    %swap3A_426 = arith.constant 0 : index
    %swap3A_427 = tpu.vector_load %arg14[%swap3A_425, %swap3A_426] {strides = array<i32>} : memref<100x16xf32, #tpu.memory_space<vmem>>, vector<16xf32>,
    tpu.vector_store %arg14[%swap3A_425, %swap3A_426], %gather3A_423 {strides = array<i32>} : memref<100x16xf32, #tpu.memory_space<vmem>>, vector<16xf32>,
    %add3A_428 = arith.constant 51 : i32
    %add3A_429 = vector.broadcast %add3A_428 : i32 to vector<16xi32>
    %add3A_430 = arith.addi %broadcast_in_dim3A_3, %add3A_429 : vector<16xi32>
    %gather3A_431 = tpu.vector_load_idx %arg12[%add3A_430] : memref<100xf32, #tpu.memory_space<vmem>>[vector<16xi32>], vector<16xf32>,
    %swap3A_432 = arith.constant 51 : i32
    %swap3A_433 = arith.index_cast %swap3A_432 : i32 to index
    %swap3A_434 = arith.constant 0 : index
    %swap3A_435 = tpu.vector_load %arg14[%swap3A_433, %swap3A_434] {strides = array<i32>} : memref<100x16xf32, #tpu.memory_space<vmem>>, vector<16xf32>,
    tpu.vector_store %arg14[%swap3A_433, %swap3A_434], %gather3A_431 {strides = array<i32>} : memref<100x16xf32, #tpu.memory_space<vmem>>, vector<16xf32>,
    %add3A_436 = arith.constant 52 : i32
    %add3A_437 = vector.broadcast %add3A_436 : i32 to vector<16xi32>
    %add3A_438 = arith.addi %broadcast_in_dim3A_3, %add3A_437 : vector<16xi32>
    %gather3A_439 = tpu.vector_load_idx %arg12[%add3A_438] : memref<100xf32, #tpu.memory_space<vmem>>[vector<16xi32>], vector<16xf32>,
    %swap3A_440 = arith.constant 52 : i32
    %swap3A_441 = arith.index_cast %swap3A_440 : i32 to index
    %swap3A_442 = arith.constant 0 : index
    %swap3A_443 = tpu.vector_load %arg14[%swap3A_441, %swap3A_442] {strides = array<i32>} : memref<100x16xf32, #tpu.memory_space<vmem>>, vector<16xf32>,
    tpu.vector_store %arg14[%swap3A_441, %swap3A_442], %gather3A_439 {strides = array<i32>} : memref<100x16xf32, #tpu.memory_space<vmem>>, vector<16xf32>,
    %add3A_444 = arith.constant 53 : i32
    %add3A_445 = vector.broadcast %add3A_444 : i32 to vector<16xi32>
    %add3A_446 = arith.addi %broadcast_in_dim3A_3, %add3A_445 : vector<16xi32>
    %gather3A_447 = tpu.vector_load_idx %arg12[%add3A_446] : memref<100xf32, #tpu.memory_space<vmem>>[vector<16xi32>], vector<16xf32>,
    %swap3A_448 = arith.constant 53 : i32
    %swap3A_449 = arith.index_cast %swap3A_448 : i32 to index
    %swap3A_450 = arith.constant 0 : index
    %swap3A_451 = tpu.vector_load %arg14[%swap3A_449, %swap3A_450] {strides = array<i32>} : memref<100x16xf32, #tpu.memory_space<vmem>>, vector<16xf32>,
    tpu.vector_store %arg14[%swap3A_449, %swap3A_450], %gather3A_447 {strides = array<i32>} : memref<100x16xf32, #tpu.memory_space<vmem>>, vector<16xf32>,
    %add3A_452 = arith.constant 54 : i32
    %add3A_453 = vector.broadcast %add3A_452 : i32 to vector<16xi32>
    %add3A_454 = arith.addi %broadcast_in_dim3A_3, %add3A_453 : vector<16xi32>
    %gather3A_455 = tpu.vector_load_idx %arg12[%add3A_454] : memref<100xf32, #tpu.memory_space<vmem>>[vector<16xi32>], vector<16xf32>,
    %swap3A_456 = arith.constant 54 : i32
    %swap3A_457 = arith.index_cast %swap3A_456 : i32 to index
    %swap3A_458 = arith.constant 0 : index
    %swap3A_459 = tpu.vector_load %arg14[%swap3A_457, %swap3A_458] {strides = array<i32>} : memref<100x16xf32, #tpu.memory_space<vmem>>, vector<16xf32>,
    tpu.vector_store %arg14[%swap3A_457, %swap3A_458], %gather3A_455 {strides = array<i32>} : memref<100x16xf32, #tpu.memory_space<vmem>>, vector<16xf32>,
    %add3A_460 = arith.constant 55 : i32
    %add3A_461 = vector.broadcast %add3A_460 : i32 to vector<16xi32>
    %add3A_462 = arith.addi %broadcast_in_dim3A_3, %add3A_461 : vector<16xi32>
    %gather3A_463 = tpu.vector_load_idx %arg12[%add3A_462] : memref<100xf32, #tpu.memory_space<vmem>>[vector<16xi32>], vector<16xf32>,
    %swap3A_464 = arith.constant 55 : i32
    %swap3A_465 = arith.index_cast %swap3A_464 : i32 to index
    %swap3A_466 = arith.constant 0 : index
    %swap3A_467 = tpu.vector_load %arg14[%swap3A_465, %swap3A_466] {strides = array<i32>} : memref<100x16xf32, #tpu.memory_space<vmem>>, vector<16xf32>,
    tpu.vector_store %arg14[%swap3A_465, %swap3A_466], %gather3A_463 {strides = array<i32>} : memref<100x16xf32, #tpu.memory_space<vmem>>, vector<16xf32>,
    %add3A_468 = arith.constant 56 : i32
    %add3A_469 = vector.broadcast %add3A_468 : i32 to vector<16xi32>
    %add3A_470 = arith.addi %broadcast_in_dim3A_3, %add3A_469 : vector<16xi32>
    %gather3A_471 = tpu.vector_load_idx %arg12[%add3A_470] : memref<100xf32, #tpu.memory_space<vmem>>[vector<16xi32>], vector<16xf32>,
    %swap3A_472 = arith.constant 56 : i32
    %swap3A_473 = arith.index_cast %swap3A_472 : i32 to index
    %swap3A_474 = arith.constant 0 : index
    %swap3A_475 = tpu.vector_load %arg14[%swap3A_473, %swap3A_474] {strides = array<i32>} : memref<100x16xf32, #tpu.memory_space<vmem>>, vector<16xf32>,
    tpu.vector_store %arg14[%swap3A_473, %swap3A_474], %gather3A_471 {strides = array<i32>} : memref<100x16xf32, #tpu.memory_space<vmem>>, vector<16xf32>,
    %add3A_476 = arith.constant 57 : i32
    %add3A_477 = vector.broadcast %add3A_476 : i32 to vector<16xi32>
    %add3A_478 = arith.addi %broadcast_in_dim3A_3, %add3A_477 : vector<16xi32>
    %gather3A_479 = tpu.vector_load_idx %arg12[%add3A_478] : memref<100xf32, #tpu.memory_space<vmem>>[vector<16xi32>], vector<16xf32>,
    %swap3A_480 = arith.constant 57 : i32
    %swap3A_481 = arith.index_cast %swap3A_480 : i32 to index
    %swap3A_482 = arith.constant 0 : index
    %swap3A_483 = tpu.vector_load %arg14[%swap3A_481, %swap3A_482] {strides = array<i32>} : memref<100x16xf32, #tpu.memory_space<vmem>>, vector<16xf32>,
    tpu.vector_store %arg14[%swap3A_481, %swap3A_482], %gather3A_479 {strides = array<i32>} : memref<100x16xf32, #tpu.memory_space<vmem>>, vector<16xf32>,
    %add3A_484 = arith.constant 58 : i32
    %add3A_485 = vector.broadcast %add3A_484 : i32 to vector<16xi32>
    %add3A_486 = arith.addi %broadcast_in_dim3A_3, %add3A_485 : vector<16xi32>
    %gather3A_487 = tpu.vector_load_idx %arg12[%add3A_486] : memref<100xf32, #tpu.memory_space<vmem>>[vector<16xi32>], vector<16xf32>,
    %swap3A_488 = arith.constant 58 : i32
    %swap3A_489 = arith.index_cast %swap3A_488 : i32 to index
    %swap3A_490 = arith.constant 0 : index
    %swap3A_491 = tpu.vector_load %arg14[%swap3A_489, %swap3A_490] {strides = array<i32>} : memref<100x16xf32, #tpu.memory_space<vmem>>, vector<16xf32>,
    tpu.vector_store %arg14[%swap3A_489, %swap3A_490], %gather3A_487 {strides = array<i32>} : memref<100x16xf32, #tpu.memory_space<vmem>>, vector<16xf32>,
    %add3A_492 = arith.constant 59 : i32
    %add3A_493 = vector.broadcast %add3A_492 : i32 to vector<16xi32>
    %add3A_494 = arith.addi %broadcast_in_dim3A_3, %add3A_493 : vector<16xi32>
    %gather3A_495 = tpu.vector_load_idx %arg12[%add3A_494] : memref<100xf32, #tpu.memory_space<vmem>>[vector<16xi32>], vector<16xf32>,
    %swap3A_496 = arith.constant 59 : i32
    %swap3A_497 = arith.index_cast %swap3A_496 : i32 to index
    %swap3A_498 = arith.constant 0 : index
    %swap3A_499 = tpu.vector_load %arg14[%swap3A_497, %swap3A_498] {strides = array<i32>} : memref<100x16xf32, #tpu.memory_space<vmem>>, vector<16xf32>,
    tpu.vector_store %arg14[%swap3A_497, %swap3A_498], %gather3A_495 {strides = array<i32>} : memref<100x16xf32, #tpu.memory_space<vmem>>, vector<16xf32>,
    %add3A_500 = arith.constant 60 : i32
    %add3A_501 = vector.broadcast %add3A_500 : i32 to vector<16xi32>
    %add3A_502 = arith.addi %broadcast_in_dim3A_3, %add3A_501 : vector<16xi32>
    %gather3A_503 = tpu.vector_load_idx %arg12[%add3A_502] : memref<100xf32, #tpu.memory_space<vmem>>[vector<16xi32>], vector<16xf32>,
    %swap3A_504 = arith.constant 60 : i32
    %swap3A_505 = arith.index_cast %swap3A_504 : i32 to index
    %swap3A_506 = arith.constant 0 : index
    %swap3A_507 = tpu.vector_load %arg14[%swap3A_505, %swap3A_506] {strides = array<i32>} : memref<100x16xf32, #tpu.memory_space<vmem>>, vector<16xf32>,
    tpu.vector_store %arg14[%swap3A_505, %swap3A_506], %gather3A_503 {strides = array<i32>} : memref<100x16xf32, #tpu.memory_space<vmem>>, vector<16xf32>,
    %add3A_508 = arith.constant 61 : i32
    %add3A_509 = vector.broadcast %add3A_508 : i32 to vector<16xi32>
    %add3A_510 = arith.addi %broadcast_in_dim3A_3, %add3A_509 : vector<16xi32>
    %gather3A_511 = tpu.vector_load_idx %arg12[%add3A_510] : memref<100xf32, #tpu.memory_space<vmem>>[vector<16xi32>], vector<16xf32>,
    %swap3A_512 = arith.constant 61 : i32
    %swap3A_513 = arith.index_cast %swap3A_512 : i32 to index
    %swap3A_514 = arith.constant 0 : index
    %swap3A_515 = tpu.vector_load %arg14[%swap3A_513, %swap3A_514] {strides = array<i32>} : memref<100x16xf32, #tpu.memory_space<vmem>>, vector<16xf32>,
    tpu.vector_store %arg14[%swap3A_513, %swap3A_514], %gather3A_511 {strides = array<i32>} : memref<100x16xf32, #tpu.memory_space<vmem>>, vector<16xf32>,
    %add3A_516 = arith.constant 62 : i32
    %add3A_517 = vector.broadcast %add3A_516 : i32 to vector<16xi32>
    %add3A_518 = arith.addi %broadcast_in_dim3A_3, %add3A_517 : vector<16xi32>
    %gather3A_519 = tpu.vector_load_idx %arg12[%add3A_518] : memref<100xf32, #tpu.memory_space<vmem>>[vector<16xi32>], vector<16xf32>,
    %swap3A_520 = arith.constant 62 : i32
    %swap3A_521 = arith.index_cast %swap3A_520 : i32 to index
    %swap3A_522 = arith.constant 0 : index
    %swap3A_523 = tpu.vector_load %arg14[%swap3A_521, %swap3A_522] {strides = array<i32>} : memref<100x16xf32, #tpu.memory_space<vmem>>, vector<16xf32>,
    tpu.vector_store %arg14[%swap3A_521, %swap3A_522], %gather3A_519 {strides = array<i32>} : memref<100x16xf32, #tpu.memory_space<vmem>>, vector<16xf32>,
    %add3A_524 = arith.constant 63 : i32
    %add3A_525 = vector.broadcast %add3A_524 : i32 to vector<16xi32>
    %add3A_526 = arith.addi %broadcast_in_dim3A_3, %add3A_525 : vector<16xi32>
    %gather3A_527 = tpu.vector_load_idx %arg12[%add3A_526] : memref<100xf32, #tpu.memory_space<vmem>>[vector<16xi32>], vector<16xf32>,
    %swap3A_528 = arith.constant 63 : i32
    %swap3A_529 = arith.index_cast %swap3A_528 : i32 to index
    %swap3A_530 = arith.constant 0 : index
    %swap3A_531 = tpu.vector_load %arg14[%swap3A_529, %swap3A_530] {strides = array<i32>} : memref<100x16xf32, #tpu.memory_space<vmem>>, vector<16xf32>,
    tpu.vector_store %arg14[%swap3A_529, %swap3A_530], %gather3A_527 {strides = array<i32>} : memref<100x16xf32, #tpu.memory_space<vmem>>, vector<16xf32>,
    %add3A_532 = arith.constant 64 : i32
    %add3A_533 = vector.broadcast %add3A_532 : i32 to vector<16xi32>
    %add3A_534 = arith.addi %broadcast_in_dim3A_3, %add3A_533 : vector<16xi32>
    %gather3A_535 = tpu.vector_load_idx %arg12[%add3A_534] : memref<100xf32, #tpu.memory_space<vmem>>[vector<16xi32>], vector<16xf32>,
    %swap3A_536 = arith.constant 64 : i32
    %swap3A_537 = arith.index_cast %swap3A_536 : i32 to index
    %swap3A_538 = arith.constant 0 : index
    %swap3A_539 = tpu.vector_load %arg14[%swap3A_537, %swap3A_538] {strides = array<i32>} : memref<100x16xf32, #tpu.memory_space<vmem>>, vector<16xf32>,
    tpu.vector_store %arg14[%swap3A_537, %swap3A_538], %gather3A_535 {strides = array<i32>} : memref<100x16xf32, #tpu.memory_space<vmem>>, vector<16xf32>,
    %add3A_540 = arith.constant 65 : i32
    %add3A_541 = vector.broadcast %add3A_540 : i32 to vector<16xi32>
    %add3A_542 = arith.addi %broadcast_in_dim3A_3, %add3A_541 : vector<16xi32>
    %gather3A_543 = tpu.vector_load_idx %arg12[%add3A_542] : memref<100xf32, #tpu.memory_space<vmem>>[vector<16xi32>], vector<16xf32>,
    %swap3A_544 = arith.constant 65 : i32
    %swap3A_545 = arith.index_cast %swap3A_544 : i32 to index
    %swap3A_546 = arith.constant 0 : index
    %swap3A_547 = tpu.vector_load %arg14[%swap3A_545, %swap3A_546] {strides = array<i32>} : memref<100x16xf32, #tpu.memory_space<vmem>>, vector<16xf32>,
    tpu.vector_store %arg14[%swap3A_545, %swap3A_546], %gather3A_543 {strides = array<i32>} : memref<100x16xf32, #tpu.memory_space<vmem>>, vector<16xf32>,
    %add3A_548 = arith.constant 66 : i32
    %add3A_549 = vector.broadcast %add3A_548 : i32 to vector<16xi32>
    %add3A_550 = arith.addi %broadcast_in_dim3A_3, %add3A_549 : vector<16xi32>
    %gather3A_551 = tpu.vector_load_idx %arg12[%add3A_550] : memref<100xf32, #tpu.memory_space<vmem>>[vector<16xi32>], vector<16xf32>,
    %swap3A_552 = arith.constant 66 : i32
    %swap3A_553 = arith.index_cast %swap3A_552 : i32 to index
    %swap3A_554 = arith.constant 0 : index
    %swap3A_555 = tpu.vector_load %arg14[%swap3A_553, %swap3A_554] {strides = array<i32>} : memref<100x16xf32, #tpu.memory_space<vmem>>, vector<16xf32>,
    tpu.vector_store %arg14[%swap3A_553, %swap3A_554], %gather3A_551 {strides = array<i32>} : memref<100x16xf32, #tpu.memory_space<vmem>>, vector<16xf32>,
    %add3A_556 = arith.constant 67 : i32
    %add3A_557 = vector.broadcast %add3A_556 : i32 to vector<16xi32>
    %add3A_558 = arith.addi %broadcast_in_dim3A_3, %add3A_557 : vector<16xi32>
    %gather3A_559 = tpu.vector_load_idx %arg12[%add3A_558] : memref<100xf32, #tpu.memory_space<vmem>>[vector<16xi32>], vector<16xf32>,
    %swap3A_560 = arith.constant 67 : i32
    %swap3A_561 = arith.index_cast %swap3A_560 : i32 to index
    %swap3A_562 = arith.constant 0 : index
    %swap3A_563 = tpu.vector_load %arg14[%swap3A_561, %swap3A_562] {strides = array<i32>} : memref<100x16xf32, #tpu.memory_space<vmem>>, vector<16xf32>,
    tpu.vector_store %arg14[%swap3A_561, %swap3A_562], %gather3A_559 {strides = array<i32>} : memref<100x16xf32, #tpu.memory_space<vmem>>, vector<16xf32>,
    %add3A_564 = arith.constant 68 : i32
    %add3A_565 = vector.broadcast %add3A_564 : i32 to vector<16xi32>
    %add3A_566 = arith.addi %broadcast_in_dim3A_3, %add3A_565 : vector<16xi32>
    %gather3A_567 = tpu.vector_load_idx %arg12[%add3A_566] : memref<100xf32, #tpu.memory_space<vmem>>[vector<16xi32>], vector<16xf32>,
    %swap3A_568 = arith.constant 68 : i32
    %swap3A_569 = arith.index_cast %swap3A_568 : i32 to index
    %swap3A_570 = arith.constant 0 : index
    %swap3A_571 = tpu.vector_load %arg14[%swap3A_569, %swap3A_570] {strides = array<i32>} : memref<100x16xf32, #tpu.memory_space<vmem>>, vector<16xf32>,
    tpu.vector_store %arg14[%swap3A_569, %swap3A_570], %gather3A_567 {strides = array<i32>} : memref<100x16xf32, #tpu.memory_space<vmem>>, vector<16xf32>,
    %add3A_572 = arith.constant 69 : i32
    %add3A_573 = vector.broadcast %add3A_572 : i32 to vector<16xi32>
    %add3A_574 = arith.addi %broadcast_in_dim3A_3, %add3A_573 : vector<16xi32>
    %gather3A_575 = tpu.vector_load_idx %arg12[%add3A_574] : memref<100xf32, #tpu.memory_space<vmem>>[vector<16xi32>], vector<16xf32>,
    %swap3A_576 = arith.constant 69 : i32
    %swap3A_577 = arith.index_cast %swap3A_576 : i32 to index
    %swap3A_578 = arith.constant 0 : index
    %swap3A_579 = tpu.vector_load %arg14[%swap3A_577, %swap3A_578] {strides = array<i32>} : memref<100x16xf32, #tpu.memory_space<vmem>>, vector<16xf32>,
    tpu.vector_store %arg14[%swap3A_577, %swap3A_578], %gather3A_575 {strides = array<i32>} : memref<100x16xf32, #tpu.memory_space<vmem>>, vector<16xf32>,
    %add3A_580 = arith.constant 70 : i32
    %add3A_581 = vector.broadcast %add3A_580 : i32 to vector<16xi32>
    %add3A_582 = arith.addi %broadcast_in_dim3A_3, %add3A_581 : vector<16xi32>
    %gather3A_583 = tpu.vector_load_idx %arg12[%add3A_582] : memref<100xf32, #tpu.memory_space<vmem>>[vector<16xi32>], vector<16xf32>,
    %swap3A_584 = arith.constant 70 : i32
    %swap3A_585 = arith.index_cast %swap3A_584 : i32 to index
    %swap3A_586 = arith.constant 0 : index
    %swap3A_587 = tpu.vector_load %arg14[%swap3A_585, %swap3A_586] {strides = array<i32>} : memref<100x16xf32, #tpu.memory_space<vmem>>, vector<16xf32>,
    tpu.vector_store %arg14[%swap3A_585, %swap3A_586], %gather3A_583 {strides = array<i32>} : memref<100x16xf32, #tpu.memory_space<vmem>>, vector<16xf32>,
    %add3A_588 = arith.constant 71 : i32
    %add3A_589 = vector.broadcast %add3A_588 : i32 to vector<16xi32>
    %add3A_590 = arith.addi %broadcast_in_dim3A_3, %add3A_589 : vector<16xi32>
    %gather3A_591 = tpu.vector_load_idx %arg12[%add3A_590] : memref<100xf32, #tpu.memory_space<vmem>>[vector<16xi32>], vector<16xf32>,
    %swap3A_592 = arith.constant 71 : i32
    %swap3A_593 = arith.index_cast %swap3A_592 : i32 to index
    %swap3A_594 = arith.constant 0 : index
    %swap3A_595 = tpu.vector_load %arg14[%swap3A_593, %swap3A_594] {strides = array<i32>} : memref<100x16xf32, #tpu.memory_space<vmem>>, vector<16xf32>,
    tpu.vector_store %arg14[%swap3A_593, %swap3A_594], %gather3A_591 {strides = array<i32>} : memref<100x16xf32, #tpu.memory_space<vmem>>, vector<16xf32>,
    %add3A_596 = arith.constant 72 : i32
    %add3A_597 = vector.broadcast %add3A_596 : i32 to vector<16xi32>
    %add3A_598 = arith.addi %broadcast_in_dim3A_3, %add3A_597 : vector<16xi32>
    %gather3A_599 = tpu.vector_load_idx %arg12[%add3A_598] : memref<100xf32, #tpu.memory_space<vmem>>[vector<16xi32>], vector<16xf32>,
    %swap3A_600 = arith.constant 72 : i32
    %swap3A_601 = arith.index_cast %swap3A_600 : i32 to index
    %swap3A_602 = arith.constant 0 : index
    %swap3A_603 = tpu.vector_load %arg14[%swap3A_601, %swap3A_602] {strides = array<i32>} : memref<100x16xf32, #tpu.memory_space<vmem>>, vector<16xf32>,
    tpu.vector_store %arg14[%swap3A_601, %swap3A_602], %gather3A_599 {strides = array<i32>} : memref<100x16xf32, #tpu.memory_space<vmem>>, vector<16xf32>,
    %add3A_604 = arith.constant 73 : i32
    %add3A_605 = vector.broadcast %add3A_604 : i32 to vector<16xi32>
    %add3A_606 = arith.addi %broadcast_in_dim3A_3, %add3A_605 : vector<16xi32>
    %gather3A_607 = tpu.vector_load_idx %arg12[%add3A_606] : memref<100xf32, #tpu.memory_space<vmem>>[vector<16xi32>], vector<16xf32>,
    %swap3A_608 = arith.constant 73 : i32
    %swap3A_609 = arith.index_cast %swap3A_608 : i32 to index
    %swap3A_610 = arith.constant 0 : index
    %swap3A_611 = tpu.vector_load %arg14[%swap3A_609, %swap3A_610] {strides = array<i32>} : memref<100x16xf32, #tpu.memory_space<vmem>>, vector<16xf32>,
    tpu.vector_store %arg14[%swap3A_609, %swap3A_610], %gather3A_607 {strides = array<i32>} : memref<100x16xf32, #tpu.memory_space<vmem>>, vector<16xf32>,
    %add3A_612 = arith.constant 74 : i32
    %add3A_613 = vector.broadcast %add3A_612 : i32 to vector<16xi32>
    %add3A_614 = arith.addi %broadcast_in_dim3A_3, %add3A_613 : vector<16xi32>
    %gather3A_615 = tpu.vector_load_idx %arg12[%add3A_614] : memref<100xf32, #tpu.memory_space<vmem>>[vector<16xi32>], vector<16xf32>,
    %swap3A_616 = arith.constant 74 : i32
    %swap3A_617 = arith.index_cast %swap3A_616 : i32 to index
    %swap3A_618 = arith.constant 0 : index
    %swap3A_619 = tpu.vector_load %arg14[%swap3A_617, %swap3A_618] {strides = array<i32>} : memref<100x16xf32, #tpu.memory_space<vmem>>, vector<16xf32>,
    tpu.vector_store %arg14[%swap3A_617, %swap3A_618], %gather3A_615 {strides = array<i32>} : memref<100x16xf32, #tpu.memory_space<vmem>>, vector<16xf32>,
    %add3A_620 = arith.constant 75 : i32
    %add3A_621 = vector.broadcast %add3A_620 : i32 to vector<16xi32>
    %add3A_622 = arith.addi %broadcast_in_dim3A_3, %add3A_621 : vector<16xi32>
    %gather3A_623 = tpu.vector_load_idx %arg12[%add3A_622] : memref<100xf32, #tpu.memory_space<vmem>>[vector<16xi32>], vector<16xf32>,
    %swap3A_624 = arith.constant 75 : i32
    %swap3A_625 = arith.index_cast %swap3A_624 : i32 to index
    %swap3A_626 = arith.constant 0 : index
    %swap3A_627 = tpu.vector_load %arg14[%swap3A_625, %swap3A_626] {strides = array<i32>} : memref<100x16xf32, #tpu.memory_space<vmem>>, vector<16xf32>,
    tpu.vector_store %arg14[%swap3A_625, %swap3A_626], %gather3A_623 {strides = array<i32>} : memref<100x16xf32, #tpu.memory_space<vmem>>, vector<16xf32>,
    %add3A_628 = arith.constant 76 : i32
    %add3A_629 = vector.broadcast %add3A_628 : i32 to vector<16xi32>
    %add3A_630 = arith.addi %broadcast_in_dim3A_3, %add3A_629 : vector<16xi32>
    %gather3A_631 = tpu.vector_load_idx %arg12[%add3A_630] : memref<100xf32, #tpu.memory_space<vmem>>[vector<16xi32>], vector<16xf32>,
    %swap3A_632 = arith.constant 76 : i32
    %swap3A_633 = arith.index_cast %swap3A_632 : i32 to index
    %swap3A_634 = arith.constant 0 : index
    %swap3A_635 = tpu.vector_load %arg14[%swap3A_633, %swap3A_634] {strides = array<i32>} : memref<100x16xf32, #tpu.memory_space<vmem>>, vector<16xf32>,
    tpu.vector_store %arg14[%swap3A_633, %swap3A_634], %gather3A_631 {strides = array<i32>} : memref<100x16xf32, #tpu.memory_space<vmem>>, vector<16xf32>,
    %add3A_636 = arith.constant 77 : i32
    %add3A_637 = vector.broadcast %add3A_636 : i32 to vector<16xi32>
    %add3A_638 = arith.addi %broadcast_in_dim3A_3, %add3A_637 : vector<16xi32>
    %gather3A_639 = tpu.vector_load_idx %arg12[%add3A_638] : memref<100xf32, #tpu.memory_space<vmem>>[vector<16xi32>], vector<16xf32>,
    %swap3A_640 = arith.constant 77 : i32
    %swap3A_641 = arith.index_cast %swap3A_640 : i32 to index
    %swap3A_642 = arith.constant 0 : index
    %swap3A_643 = tpu.vector_load %arg14[%swap3A_641, %swap3A_642] {strides = array<i32>} : memref<100x16xf32, #tpu.memory_space<vmem>>, vector<16xf32>,
    tpu.vector_store %arg14[%swap3A_641, %swap3A_642], %gather3A_639 {strides = array<i32>} : memref<100x16xf32, #tpu.memory_space<vmem>>, vector<16xf32>,
    %add3A_644 = arith.constant 78 : i32
    %add3A_645 = vector.broadcast %add3A_644 : i32 to vector<16xi32>
    %add3A_646 = arith.addi %broadcast_in_dim3A_3, %add3A_645 : vector<16xi32>
    %gather3A_647 = tpu.vector_load_idx %arg12[%add3A_646] : memref<100xf32, #tpu.memory_space<vmem>>[vector<16xi32>], vector<16xf32>,
    %swap3A_648 = arith.constant 78 : i32
    %swap3A_649 = arith.index_cast %swap3A_648 : i32 to index
    %swap3A_650 = arith.constant 0 : index
    %swap3A_651 = tpu.vector_load %arg14[%swap3A_649, %swap3A_650] {strides = array<i32>} : memref<100x16xf32, #tpu.memory_space<vmem>>, vector<16xf32>,
    tpu.vector_store %arg14[%swap3A_649, %swap3A_650], %gather3A_647 {strides = array<i32>} : memref<100x16xf32, #tpu.memory_space<vmem>>, vector<16xf32>,
    %add3A_652 = arith.constant 79 : i32
    %add3A_653 = vector.broadcast %add3A_652 : i32 to vector<16xi32>
    %add3A_654 = arith.addi %broadcast_in_dim3A_3, %add3A_653 : vector<16xi32>
    %gather3A_655 = tpu.vector_load_idx %arg12[%add3A_654] : memref<100xf32, #tpu.memory_space<vmem>>[vector<16xi32>], vector<16xf32>,
    %swap3A_656 = arith.constant 79 : i32
    %swap3A_657 = arith.index_cast %swap3A_656 : i32 to index
    %swap3A_658 = arith.constant 0 : index
    %swap3A_659 = tpu.vector_load %arg14[%swap3A_657, %swap3A_658] {strides = array<i32>} : memref<100x16xf32, #tpu.memory_space<vmem>>, vector<16xf32>,
    tpu.vector_store %arg14[%swap3A_657, %swap3A_658], %gather3A_655 {strides = array<i32>} : memref<100x16xf32, #tpu.memory_space<vmem>>, vector<16xf32>,
    %add3A_660 = arith.constant 80 : i32
    %add3A_661 = vector.broadcast %add3A_660 : i32 to vector<16xi32>
    %add3A_662 = arith.addi %broadcast_in_dim3A_3, %add3A_661 : vector<16xi32>
    %gather3A_663 = tpu.vector_load_idx %arg12[%add3A_662] : memref<100xf32, #tpu.memory_space<vmem>>[vector<16xi32>], vector<16xf32>,
    %swap3A_664 = arith.constant 80 : i32
    %swap3A_665 = arith.index_cast %swap3A_664 : i32 to index
    %swap3A_666 = arith.constant 0 : index
    %swap3A_667 = tpu.vector_load %arg14[%swap3A_665, %swap3A_666] {strides = array<i32>} : memref<100x16xf32, #tpu.memory_space<vmem>>, vector<16xf32>,
    tpu.vector_store %arg14[%swap3A_665, %swap3A_666], %gather3A_663 {strides = array<i32>} : memref<100x16xf32, #tpu.memory_space<vmem>>, vector<16xf32>,
    %add3A_668 = arith.constant 81 : i32
    %add3A_669 = vector.broadcast %add3A_668 : i32 to vector<16xi32>
    %add3A_670 = arith.addi %broadcast_in_dim3A_3, %add3A_669 : vector<16xi32>
    %gather3A_671 = tpu.vector_load_idx %arg12[%add3A_670] : memref<100xf32, #tpu.memory_space<vmem>>[vector<16xi32>], vector<16xf32>,
    %swap3A_672 = arith.constant 81 : i32
    %swap3A_673 = arith.index_cast %swap3A_672 : i32 to index
    %swap3A_674 = arith.constant 0 : index
    %swap3A_675 = tpu.vector_load %arg14[%swap3A_673, %swap3A_674] {strides = array<i32>} : memref<100x16xf32, #tpu.memory_space<vmem>>, vector<16xf32>,
    tpu.vector_store %arg14[%swap3A_673, %swap3A_674], %gather3A_671 {strides = array<i32>} : memref<100x16xf32, #tpu.memory_space<vmem>>, vector<16xf32>,
    %add3A_676 = arith.constant 82 : i32
    %add3A_677 = vector.broadcast %add3A_676 : i32 to vector<16xi32>
    %add3A_678 = arith.addi %broadcast_in_dim3A_3, %add3A_677 : vector<16xi32>
    %gather3A_679 = tpu.vector_load_idx %arg12[%add3A_678] : memref<100xf32, #tpu.memory_space<vmem>>[vector<16xi32>], vector<16xf32>,
    %swap3A_680 = arith.constant 82 : i32
    %swap3A_681 = arith.index_cast %swap3A_680 : i32 to index
    %swap3A_682 = arith.constant 0 : index
    %swap3A_683 = tpu.vector_load %arg14[%swap3A_681, %swap3A_682] {strides = array<i32>} : memref<100x16xf32, #tpu.memory_space<vmem>>, vector<16xf32>,
    tpu.vector_store %arg14[%swap3A_681, %swap3A_682], %gather3A_679 {strides = array<i32>} : memref<100x16xf32, #tpu.memory_space<vmem>>, vector<16xf32>,
    %add3A_684 = arith.constant 83 : i32
    %add3A_685 = vector.broadcast %add3A_684 : i32 to vector<16xi32>
    %add3A_686 = arith.addi %broadcast_in_dim3A_3, %add3A_685 : vector<16xi32>
    %gather3A_687 = tpu.vector_load_idx %arg12[%add3A_686] : memref<100xf32, #tpu.memory_space<vmem>>[vector<16xi32>], vector<16xf32>,
    %swap3A_688 = arith.constant 83 : i32
    %swap3A_689 = arith.index_cast %swap3A_688 : i32 to index
    %swap3A_690 = arith.constant 0 : index
    %swap3A_691 = tpu.vector_load %arg14[%swap3A_689, %swap3A_690] {strides = array<i32>} : memref<100x16xf32, #tpu.memory_space<vmem>>, vector<16xf32>,
    tpu.vector_store %arg14[%swap3A_689, %swap3A_690], %gather3A_687 {strides = array<i32>} : memref<100x16xf32, #tpu.memory_space<vmem>>, vector<16xf32>,
    %add3A_692 = arith.constant 84 : i32
    %add3A_693 = vector.broadcast %add3A_692 : i32 to vector<16xi32>
    %add3A_694 = arith.addi %broadcast_in_dim3A_3, %add3A_693 : vector<16xi32>
    %gather3A_695 = tpu.vector_load_idx %arg12[%add3A_694] : memref<100xf32, #tpu.memory_space<vmem>>[vector<16xi32>], vector<16xf32>,
    %swap3A_696 = arith.constant 84 : i32
    %swap3A_697 = arith.index_cast %swap3A_696 : i32 to index
    %swap3A_698 = arith.constant 0 : index
    %swap3A_699 = tpu.vector_load %arg14[%swap3A_697, %swap3A_698] {strides = array<i32>} : memref<100x16xf32, #tpu.memory_space<vmem>>, vector<16xf32>,
    tpu.vector_store %arg14[%swap3A_697, %swap3A_698], %gather3A_695 {strides = array<i32>} : memref<100x16xf32, #tpu.memory_space<vmem>>, vector<16xf32>,
    %add3A_700 = arith.constant 85 : i32
    %add3A_701 = vector.broadcast %add3A_700 : i32 to vector<16xi32>
    %add3A_702 = arith.addi %broadcast_in_dim3A_3, %add3A_701 : vector<16xi32>
    %gather3A_703 = tpu.vector_load_idx %arg12[%add3A_702] : memref<100xf32, #tpu.memory_space<vmem>>[vector<16xi32>], vector<16xf32>,
    %swap3A_704 = arith.constant 85 : i32
    %swap3A_705 = arith.index_cast %swap3A_704 : i32 to index
    %swap3A_706 = arith.constant 0 : index
    %swap3A_707 = tpu.vector_load %arg14[%swap3A_705, %swap3A_706] {strides = array<i32>} : memref<100x16xf32, #tpu.memory_space<vmem>>, vector<16xf32>,
    tpu.vector_store %arg14[%swap3A_705, %swap3A_706], %gather3A_703 {strides = array<i32>} : memref<100x16xf32, #tpu.memory_space<vmem>>, vector<16xf32>,
    %add3A_708 = arith.constant 86 : i32
    %add3A_709 = vector.broadcast %add3A_708 : i32 to vector<16xi32>
    %add3A_710 = arith.addi %broadcast_in_dim3A_3, %add3A_709 : vector<16xi32>
    %gather3A_711 = tpu.vector_load_idx %arg12[%add3A_710] : memref<100xf32, #tpu.memory_space<vmem>>[vector<16xi32>], vector<16xf32>,
    %swap3A_712 = arith.constant 86 : i32
    %swap3A_713 = arith.index_cast %swap3A_712 : i32 to index
    %swap3A_714 = arith.constant 0 : index
    %swap3A_715 = tpu.vector_load %arg14[%swap3A_713, %swap3A_714] {strides = array<i32>} : memref<100x16xf32, #tpu.memory_space<vmem>>, vector<16xf32>,
    tpu.vector_store %arg14[%swap3A_713, %swap3A_714], %gather3A_711 {strides = array<i32>} : memref<100x16xf32, #tpu.memory_space<vmem>>, vector<16xf32>,
    %add3A_716 = arith.constant 87 : i32
    %add3A_717 = vector.broadcast %add3A_716 : i32 to vector<16xi32>
    %add3A_718 = arith.addi %broadcast_in_dim3A_3, %add3A_717 : vector<16xi32>
    %gather3A_719 = tpu.vector_load_idx %arg12[%add3A_718] : memref<100xf32, #tpu.memory_space<vmem>>[vector<16xi32>], vector<16xf32>,
    %swap3A_720 = arith.constant 87 : i32
    %swap3A_721 = arith.index_cast %swap3A_720 : i32 to index
    %swap3A_722 = arith.constant 0 : index
    %swap3A_723 = tpu.vector_load %arg14[%swap3A_721, %swap3A_722] {strides = array<i32>} : memref<100x16xf32, #tpu.memory_space<vmem>>, vector<16xf32>,
    tpu.vector_store %arg14[%swap3A_721, %swap3A_722], %gather3A_719 {strides = array<i32>} : memref<100x16xf32, #tpu.memory_space<vmem>>, vector<16xf32>,
    %add3A_724 = arith.constant 88 : i32
    %add3A_725 = vector.broadcast %add3A_724 : i32 to vector<16xi32>
    %add3A_726 = arith.addi %broadcast_in_dim3A_3, %add3A_725 : vector<16xi32>
    %gather3A_727 = tpu.vector_load_idx %arg12[%add3A_726] : memref<100xf32, #tpu.memory_space<vmem>>[vector<16xi32>], vector<16xf32>,
    %swap3A_728 = arith.constant 88 : i32
    %swap3A_729 = arith.index_cast %swap3A_728 : i32 to index
    %swap3A_730 = arith.constant 0 : index
    %swap3A_731 = tpu.vector_load %arg14[%swap3A_729, %swap3A_730] {strides = array<i32>} : memref<100x16xf32, #tpu.memory_space<vmem>>, vector<16xf32>,
    tpu.vector_store %arg14[%swap3A_729, %swap3A_730], %gather3A_727 {strides = array<i32>} : memref<100x16xf32, #tpu.memory_space<vmem>>, vector<16xf32>,
    %add3A_732 = arith.constant 89 : i32
    %add3A_733 = vector.broadcast %add3A_732 : i32 to vector<16xi32>
    %add3A_734 = arith.addi %broadcast_in_dim3A_3, %add3A_733 : vector<16xi32>
    %gather3A_735 = tpu.vector_load_idx %arg12[%add3A_734] : memref<100xf32, #tpu.memory_space<vmem>>[vector<16xi32>], vector<16xf32>,
    %swap3A_736 = arith.constant 89 : i32
    %swap3A_737 = arith.index_cast %swap3A_736 : i32 to index
    %swap3A_738 = arith.constant 0 : index
    %swap3A_739 = tpu.vector_load %arg14[%swap3A_737, %swap3A_738] {strides = array<i32>} : memref<100x16xf32, #tpu.memory_space<vmem>>, vector<16xf32>,
    tpu.vector_store %arg14[%swap3A_737, %swap3A_738], %gather3A_735 {strides = array<i32>} : memref<100x16xf32, #tpu.memory_space<vmem>>, vector<16xf32>,
    %add3A_740 = arith.constant 90 : i32
    %add3A_741 = vector.broadcast %add3A_740 : i32 to vector<16xi32>
    %add3A_742 = arith.addi %broadcast_in_dim3A_3, %add3A_741 : vector<16xi32>
    %gather3A_743 = tpu.vector_load_idx %arg12[%add3A_742] : memref<100xf32, #tpu.memory_space<vmem>>[vector<16xi32>], vector<16xf32>,
    %swap3A_744 = arith.constant 90 : i32
    %swap3A_745 = arith.index_cast %swap3A_744 : i32 to index
    %swap3A_746 = arith.constant 0 : index
    %swap3A_747 = tpu.vector_load %arg14[%swap3A_745, %swap3A_746] {strides = array<i32>} : memref<100x16xf32, #tpu.memory_space<vmem>>, vector<16xf32>,
    tpu.vector_store %arg14[%swap3A_745, %swap3A_746], %gather3A_743 {strides = array<i32>} : memref<100x16xf32, #tpu.memory_space<vmem>>, vector<16xf32>,
    %add3A_748 = arith.constant 91 : i32
    %add3A_749 = vector.broadcast %add3A_748 : i32 to vector<16xi32>
    %add3A_750 = arith.addi %broadcast_in_dim3A_3, %add3A_749 : vector<16xi32>
    %gather3A_751 = tpu.vector_load_idx %arg12[%add3A_750] : memref<100xf32, #tpu.memory_space<vmem>>[vector<16xi32>], vector<16xf32>,
    %swap3A_752 = arith.constant 91 : i32
    %swap3A_753 = arith.index_cast %swap3A_752 : i32 to index
    %swap3A_754 = arith.constant 0 : index
    %swap3A_755 = tpu.vector_load %arg14[%swap3A_753, %swap3A_754] {strides = array<i32>} : memref<100x16xf32, #tpu.memory_space<vmem>>, vector<16xf32>,
    tpu.vector_store %arg14[%swap3A_753, %swap3A_754], %gather3A_751 {strides = array<i32>} : memref<100x16xf32, #tpu.memory_space<vmem>>, vector<16xf32>,
    %add3A_756 = arith.constant 92 : i32
    %add3A_757 = vector.broadcast %add3A_756 : i32 to vector<16xi32>
    %add3A_758 = arith.addi %broadcast_in_dim3A_3, %add3A_757 : vector<16xi32>
    %gather3A_759 = tpu.vector_load_idx %arg12[%add3A_758] : memref<100xf32, #tpu.memory_space<vmem>>[vector<16xi32>], vector<16xf32>,
    %swap3A_760 = arith.constant 92 : i32
    %swap3A_761 = arith.index_cast %swap3A_760 : i32 to index
    %swap3A_762 = arith.constant 0 : index
    %swap3A_763 = tpu.vector_load %arg14[%swap3A_761, %swap3A_762] {strides = array<i32>} : memref<100x16xf32, #tpu.memory_space<vmem>>, vector<16xf32>,
    tpu.vector_store %arg14[%swap3A_761, %swap3A_762], %gather3A_759 {strides = array<i32>} : memref<100x16xf32, #tpu.memory_space<vmem>>, vector<16xf32>,
    %add3A_764 = arith.constant 93 : i32
    %add3A_765 = vector.broadcast %add3A_764 : i32 to vector<16xi32>
    %add3A_766 = arith.addi %broadcast_in_dim3A_3, %add3A_765 : vector<16xi32>
    %gather3A_767 = tpu.vector_load_idx %arg12[%add3A_766] : memref<100xf32, #tpu.memory_space<vmem>>[vector<16xi32>], vector<16xf32>,
    %swap3A_768 = arith.constant 93 : i32
    %swap3A_769 = arith.index_cast %swap3A_768 : i32 to index
    %swap3A_770 = arith.constant 0 : index
    %swap3A_771 = tpu.vector_load %arg14[%swap3A_769, %swap3A_770] {strides = array<i32>} : memref<100x16xf32, #tpu.memory_space<vmem>>, vector<16xf32>,
    tpu.vector_store %arg14[%swap3A_769, %swap3A_770], %gather3A_767 {strides = array<i32>} : memref<100x16xf32, #tpu.memory_space<vmem>>, vector<16xf32>,
    %add3A_772 = arith.constant 94 : i32
    %add3A_773 = vector.broadcast %add3A_772 : i32 to vector<16xi32>
    %add3A_774 = arith.addi %broadcast_in_dim3A_3, %add3A_773 : vector<16xi32>
    %gather3A_775 = tpu.vector_load_idx %arg12[%add3A_774] : memref<100xf32, #tpu.memory_space<vmem>>[vector<16xi32>], vector<16xf32>,
    %swap3A_776 = arith.constant 94 : i32
    %swap3A_777 = arith.index_cast %swap3A_776 : i32 to index
    %swap3A_778 = arith.constant 0 : index
    %swap3A_779 = tpu.vector_load %arg14[%swap3A_777, %swap3A_778] {strides = array<i32>} : memref<100x16xf32, #tpu.memory_space<vmem>>, vector<16xf32>,
    tpu.vector_store %arg14[%swap3A_777, %swap3A_778], %gather3A_775 {strides = array<i32>} : memref<100x16xf32, #tpu.memory_space<vmem>>, vector<16xf32>,
    %add3A_780 = arith.constant 95 : i32
    %add3A_781 = vector.broadcast %add3A_780 : i32 to vector<16xi32>
    %add3A_782 = arith.addi %broadcast_in_dim3A_3, %add3A_781 : vector<16xi32>
    %gather3A_783 = tpu.vector_load_idx %arg12[%add3A_782] : memref<100xf32, #tpu.memory_space<vmem>>[vector<16xi32>], vector<16xf32>,
    %swap3A_784 = arith.constant 95 : i32
    %swap3A_785 = arith.index_cast %swap3A_784 : i32 to index
    %swap3A_786 = arith.constant 0 : index
    %swap3A_787 = tpu.vector_load %arg14[%swap3A_785, %swap3A_786] {strides = array<i32>} : memref<100x16xf32, #tpu.memory_space<vmem>>, vector<16xf32>,
    tpu.vector_store %arg14[%swap3A_785, %swap3A_786], %gather3A_783 {strides = array<i32>} : memref<100x16xf32, #tpu.memory_space<vmem>>, vector<16xf32>,
    %add3A_788 = arith.constant 96 : i32
    %add3A_789 = vector.broadcast %add3A_788 : i32 to vector<16xi32>
    %add3A_790 = arith.addi %broadcast_in_dim3A_3, %add3A_789 : vector<16xi32>
    %gather3A_791 = tpu.vector_load_idx %arg12[%add3A_790] : memref<100xf32, #tpu.memory_space<vmem>>[vector<16xi32>], vector<16xf32>,
    %swap3A_792 = arith.constant 96 : i32
    %swap3A_793 = arith.index_cast %swap3A_792 : i32 to index
    %swap3A_794 = arith.constant 0 : index
    %swap3A_795 = tpu.vector_load %arg14[%swap3A_793, %swap3A_794] {strides = array<i32>} : memref<100x16xf32, #tpu.memory_space<vmem>>, vector<16xf32>,
    tpu.vector_store %arg14[%swap3A_793, %swap3A_794], %gather3A_791 {strides = array<i32>} : memref<100x16xf32, #tpu.memory_space<vmem>>, vector<16xf32>,
    %add3A_796 = arith.constant 97 : i32
    %add3A_797 = vector.broadcast %add3A_796 : i32 to vector<16xi32>
    %add3A_798 = arith.addi %broadcast_in_dim3A_3, %add3A_797 : vector<16xi32>
    %gather3A_799 = tpu.vector_load_idx %arg12[%add3A_798] : memref<100xf32, #tpu.memory_space<vmem>>[vector<16xi32>], vector<16xf32>,
    %swap3A_800 = arith.constant 97 : i32
    %swap3A_801 = arith.index_cast %swap3A_800 : i32 to index
    %swap3A_802 = arith.constant 0 : index
    %swap3A_803 = tpu.vector_load %arg14[%swap3A_801, %swap3A_802] {strides = array<i32>} : memref<100x16xf32, #tpu.memory_space<vmem>>, vector<16xf32>,
    tpu.vector_store %arg14[%swap3A_801, %swap3A_802], %gather3A_799 {strides = array<i32>} : memref<100x16xf32, #tpu.memory_space<vmem>>, vector<16xf32>,
    %add3A_804 = arith.constant 98 : i32
    %add3A_805 = vector.broadcast %add3A_804 : i32 to vector<16xi32>
    %add3A_806 = arith.addi %broadcast_in_dim3A_3, %add3A_805 : vector<16xi32>
    %gather3A_807 = tpu.vector_load_idx %arg12[%add3A_806] : memref<100xf32, #tpu.memory_space<vmem>>[vector<16xi32>], vector<16xf32>,
    %swap3A_808 = arith.constant 98 : i32
    %swap3A_809 = arith.index_cast %swap3A_808 : i32 to index
    %swap3A_810 = arith.constant 0 : index
    %swap3A_811 = tpu.vector_load %arg14[%swap3A_809, %swap3A_810] {strides = array<i32>} : memref<100x16xf32, #tpu.memory_space<vmem>>, vector<16xf32>,
    tpu.vector_store %arg14[%swap3A_809, %swap3A_810], %gather3A_807 {strides = array<i32>} : memref<100x16xf32, #tpu.memory_space<vmem>>, vector<16xf32>,
    %add3A_812 = arith.constant 99 : i32
    %add3A_813 = vector.broadcast %add3A_812 : i32 to vector<16xi32>
    %add3A_814 = arith.addi %broadcast_in_dim3A_3, %add3A_813 : vector<16xi32>
    %gather3A_815 = tpu.vector_load_idx %arg12[%add3A_814] : memref<100xf32, #tpu.memory_space<vmem>>[vector<16xi32>], vector<16xf32>,
    %swap3A_816 = arith.constant 99 : i32
    %swap3A_817 = arith.index_cast %swap3A_816 : i32 to index
    %swap3A_818 = arith.constant 0 : index
    %swap3A_819 = tpu.vector_load %arg14[%swap3A_817, %swap3A_818] {strides = array<i32>} : memref<100x16xf32, #tpu.memory_space<vmem>>, vector<16xf32>,
    tpu.vector_store %arg14[%swap3A_817, %swap3A_818], %gather3A_815 {strides = array<i32>} : memref<100x16xf32, #tpu.memory_space<vmem>>, vector<16xf32>,
    %parallel_loop3A = arith.constant 0 : i32
    %parallel_loop3A_820 = arith.constant 32 : i32
    %parallel_loop3A_821 = arith.constant 1 : i32
    scf.for %parallel_loop3A_822 = %parallel_loop3A to %parallel_loop3A_820 step %parallel_loop3A_821  : i32 {
      %parallel_loop3A_823 = arith.constant 16 : i32
      %parallel_loop3A_824 = arith.muli %parallel_loop3A_822, %parallel_loop3A_823 : i32
      %parallel_loop3A_825 = arith.constant 0 : i32
      %parallel_loop3A_826 = arith.index_cast %parallel_loop3A_825 : i32 to index
      %parallel_loop3A_827 = arith.index_cast %parallel_loop3A_824 : i32 to index
      %parallel_loop3A_828 = tpu.vector_load %arg8[%parallel_loop3A_826, %parallel_loop3A_827] {strides = array<i32>} : memref<6x512xf32, #tpu.memory_space<vmem>>, vector<16xf32>,
      %parallel_loop3A_829 = arith.mulf %div3A, %parallel_loop3A_828 : vector<16xf32>
      %parallel_loop3A_830 = arith.constant 1 : i32
      %parallel_loop3A_831 = arith.index_cast %parallel_loop3A_830 : i32 to index
      %parallel_loop3A_832 = arith.index_cast %parallel_loop3A_824 : i32 to index
      %parallel_loop3A_833 = tpu.vector_load %arg8[%parallel_loop3A_831, %parallel_loop3A_832] {strides = array<i32>} : memref<6x512xf32, #tpu.memory_space<vmem>>, vector<16xf32>,
      %parallel_loop3A_834 = arith.mulf %div3A, %parallel_loop3A_833 : vector<16xf32>
      %parallel_loop3A_835 = arith.constant 2 : i32
      %parallel_loop3A_836 = arith.index_cast %parallel_loop3A_835 : i32 to index
      %parallel_loop3A_837 = arith.index_cast %parallel_loop3A_824 : i32 to index
      %parallel_loop3A_838 = tpu.vector_load %arg8[%parallel_loop3A_836, %parallel_loop3A_837] {strides = array<i32>} : memref<6x512xf32, #tpu.memory_space<vmem>>, vector<16xf32>,
      %parallel_loop3A_839 = arith.mulf %div3A, %parallel_loop3A_838 : vector<16xf32>
      %parallel_loop3A_840 = arith.constant 3 : i32
      %parallel_loop3A_841 = arith.index_cast %parallel_loop3A_840 : i32 to index
      %parallel_loop3A_842 = arith.index_cast %parallel_loop3A_824 : i32 to index
      %parallel_loop3A_843 = tpu.vector_load %arg8[%parallel_loop3A_841, %parallel_loop3A_842] {strides = array<i32>} : memref<6x512xf32, #tpu.memory_space<vmem>>, vector<16xf32>,
      %parallel_loop3A_844 = arith.mulf %div3A, %parallel_loop3A_843 : vector<16xf32>
      %parallel_loop3A_845 = arith.constant 4 : i32
      %parallel_loop3A_846 = arith.index_cast %parallel_loop3A_845 : i32 to index
      %parallel_loop3A_847 = arith.index_cast %parallel_loop3A_824 : i32 to index
      %parallel_loop3A_848 = tpu.vector_load %arg8[%parallel_loop3A_846, %parallel_loop3A_847] {strides = array<i32>} : memref<6x512xf32, #tpu.memory_space<vmem>>, vector<16xf32>,
      %parallel_loop3A_849 = arith.mulf %div3A, %parallel_loop3A_848 : vector<16xf32>
      %parallel_loop3A_850 = arith.constant 5 : i32
      %parallel_loop3A_851 = arith.index_cast %parallel_loop3A_850 : i32 to index
      %parallel_loop3A_852 = arith.index_cast %parallel_loop3A_824 : i32 to index
      %parallel_loop3A_853 = tpu.vector_load %arg8[%parallel_loop3A_851, %parallel_loop3A_852] {strides = array<i32>} : memref<6x512xf32, #tpu.memory_space<vmem>>, vector<16xf32>,
      %parallel_loop3A_854 = arith.mulf %div3A, %parallel_loop3A_853 : vector<16xf32>
      %parallel_loop3A_855 = arith.constant 0 : i32
      %parallel_loop3A_856 = arith.index_cast %parallel_loop3A_855 : i32 to index
      %parallel_loop3A_857 = arith.index_cast %parallel_loop3A_824 : i32 to index
      %parallel_loop3A_858 = tpu.vector_load %arg9[%parallel_loop3A_856, %parallel_loop3A_857] {strides = array<i32>} : memref<10x512xf32, #tpu.memory_space<vmem>>, vector<16xf32>,
      %parallel_loop3A_859 = arith.mulf %div3A_19, %parallel_loop3A_858 : vector<16xf32>
      %parallel_loop3A_860 = arith.constant 1 : i32
      %parallel_loop3A_861 = arith.index_cast %parallel_loop3A_860 : i32 to index
      %parallel_loop3A_862 = arith.index_cast %parallel_loop3A_824 : i32 to index
      %parallel_loop3A_863 = tpu.vector_load %arg9[%parallel_loop3A_861, %parallel_loop3A_862] {strides = array<i32>} : memref<10x512xf32, #tpu.memory_space<vmem>>, vector<16xf32>,
      %parallel_loop3A_864 = arith.mulf %div3A_19, %parallel_loop3A_863 : vector<16xf32>
      %parallel_loop3A_865 = arith.constant 2 : i32
      %parallel_loop3A_866 = arith.index_cast %parallel_loop3A_865 : i32 to index
      %parallel_loop3A_867 = arith.index_cast %parallel_loop3A_824 : i32 to index
      %parallel_loop3A_868 = tpu.vector_load %arg9[%parallel_loop3A_866, %parallel_loop3A_867] {strides = array<i32>} : memref<10x512xf32, #tpu.memory_space<vmem>>, vector<16xf32>,
      %parallel_loop3A_869 = arith.mulf %div3A_19, %parallel_loop3A_868 : vector<16xf32>
      %parallel_loop3A_870 = arith.constant 3 : i32
      %parallel_loop3A_871 = arith.index_cast %parallel_loop3A_870 : i32 to index
      %parallel_loop3A_872 = arith.index_cast %parallel_loop3A_824 : i32 to index
      %parallel_loop3A_873 = tpu.vector_load %arg9[%parallel_loop3A_871, %parallel_loop3A_872] {strides = array<i32>} : memref<10x512xf32, #tpu.memory_space<vmem>>, vector<16xf32>,
      %parallel_loop3A_874 = arith.mulf %div3A_19, %parallel_loop3A_873 : vector<16xf32>
      %parallel_loop3A_875 = arith.constant 4 : i32
      %parallel_loop3A_876 = arith.index_cast %parallel_loop3A_875 : i32 to index
      %parallel_loop3A_877 = arith.index_cast %parallel_loop3A_824 : i32 to index
      %parallel_loop3A_878 = tpu.vector_load %arg9[%parallel_loop3A_876, %parallel_loop3A_877] {strides = array<i32>} : memref<10x512xf32, #tpu.memory_space<vmem>>, vector<16xf32>,
      %parallel_loop3A_879 = arith.mulf %div3A_19, %parallel_loop3A_878 : vector<16xf32>
      %parallel_loop3A_880 = arith.constant 5 : i32
      %parallel_loop3A_881 = arith.index_cast %parallel_loop3A_880 : i32 to index
      %parallel_loop3A_882 = arith.index_cast %parallel_loop3A_824 : i32 to index
      %parallel_loop3A_883 = tpu.vector_load %arg9[%parallel_loop3A_881, %parallel_loop3A_882] {strides = array<i32>} : memref<10x512xf32, #tpu.memory_space<vmem>>, vector<16xf32>,
      %parallel_loop3A_884 = arith.mulf %div3A_19, %parallel_loop3A_883 : vector<16xf32>
      %parallel_loop3A_885 = arith.constant 6 : i32
      %parallel_loop3A_886 = arith.index_cast %parallel_loop3A_885 : i32 to index
      %parallel_loop3A_887 = arith.index_cast %parallel_loop3A_824 : i32 to index
      %parallel_loop3A_888 = tpu.vector_load %arg9[%parallel_loop3A_886, %parallel_loop3A_887] {strides = array<i32>} : memref<10x512xf32, #tpu.memory_space<vmem>>, vector<16xf32>,
      %parallel_loop3A_889 = arith.mulf %div3A_19, %parallel_loop3A_888 : vector<16xf32>
      %parallel_loop3A_890 = arith.constant 7 : i32
      %parallel_loop3A_891 = arith.index_cast %parallel_loop3A_890 : i32 to index
      %parallel_loop3A_892 = arith.index_cast %parallel_loop3A_824 : i32 to index
      %parallel_loop3A_893 = tpu.vector_load %arg9[%parallel_loop3A_891, %parallel_loop3A_892] {strides = array<i32>} : memref<10x512xf32, #tpu.memory_space<vmem>>, vector<16xf32>,
      %parallel_loop3A_894 = arith.mulf %div3A_19, %parallel_loop3A_893 : vector<16xf32>
      %parallel_loop3A_895 = arith.constant 8 : i32
      %parallel_loop3A_896 = arith.index_cast %parallel_loop3A_895 : i32 to index
      %parallel_loop3A_897 = arith.index_cast %parallel_loop3A_824 : i32 to index
      %parallel_loop3A_898 = tpu.vector_load %arg9[%parallel_loop3A_896, %parallel_loop3A_897] {strides = array<i32>} : memref<10x512xf32, #tpu.memory_space<vmem>>, vector<16xf32>,
      %parallel_loop3A_899 = arith.mulf %div3A_19, %parallel_loop3A_898 : vector<16xf32>
      %parallel_loop3A_900 = arith.constant 9 : i32
      %parallel_loop3A_901 = arith.index_cast %parallel_loop3A_900 : i32 to index
      %parallel_loop3A_902 = arith.index_cast %parallel_loop3A_824 : i32 to index
      %parallel_loop3A_903 = tpu.vector_load %arg9[%parallel_loop3A_901, %parallel_loop3A_902] {strides = array<i32>} : memref<10x512xf32, #tpu.memory_space<vmem>>, vector<16xf32>,
      %parallel_loop3A_904 = arith.mulf %div3A_19, %parallel_loop3A_903 : vector<16xf32>
      %parallel_loop3A_905 = arith.constant 0 : i32
      %parallel_loop3A_906 = arith.index_cast %parallel_loop3A_905 : i32 to index
      %parallel_loop3A_907 = arith.index_cast %parallel_loop3A_824 : i32 to index
      %parallel_loop3A_908 = tpu.vector_load %arg10[%parallel_loop3A_906, %parallel_loop3A_907] {strides = array<i32>} : memref<15x512xf32, #tpu.memory_space<vmem>>, vector<16xf32>,
      %parallel_loop3A_909 = arith.mulf %div3A_20, %parallel_loop3A_908 : vector<16xf32>
      %parallel_loop3A_910 = arith.constant 1 : i32
      %parallel_loop3A_911 = arith.index_cast %parallel_loop3A_910 : i32 to index
      %parallel_loop3A_912 = arith.index_cast %parallel_loop3A_824 : i32 to index
      %parallel_loop3A_913 = tpu.vector_load %arg10[%parallel_loop3A_911, %parallel_loop3A_912] {strides = array<i32>} : memref<15x512xf32, #tpu.memory_space<vmem>>, vector<16xf32>,
      %parallel_loop3A_914 = arith.mulf %div3A_20, %parallel_loop3A_913 : vector<16xf32>
      %parallel_loop3A_915 = arith.constant 2 : i32
      %parallel_loop3A_916 = arith.index_cast %parallel_loop3A_915 : i32 to index
      %parallel_loop3A_917 = arith.index_cast %parallel_loop3A_824 : i32 to index
      %parallel_loop3A_918 = tpu.vector_load %arg10[%parallel_loop3A_916, %parallel_loop3A_917] {strides = array<i32>} : memref<15x512xf32, #tpu.memory_space<vmem>>, vector<16xf32>,
      %parallel_loop3A_919 = arith.mulf %div3A_20, %parallel_loop3A_918 : vector<16xf32>
      %parallel_loop3A_920 = arith.constant 3 : i32
      %parallel_loop3A_921 = arith.index_cast %parallel_loop3A_920 : i32 to index
      %parallel_loop3A_922 = arith.index_cast %parallel_loop3A_824 : i32 to index
      %parallel_loop3A_923 = tpu.vector_load %arg10[%parallel_loop3A_921, %parallel_loop3A_922] {strides = array<i32>} : memref<15x512xf32, #tpu.memory_space<vmem>>, vector<16xf32>,
      %parallel_loop3A_924 = arith.mulf %div3A_20, %parallel_loop3A_923 : vector<16xf32>
      %parallel_loop3A_925 = arith.constant 4 : i32
      %parallel_loop3A_926 = arith.index_cast %parallel_loop3A_925 : i32 to index
      %parallel_loop3A_927 = arith.index_cast %parallel_loop3A_824 : i32 to index
      %parallel_loop3A_928 = tpu.vector_load %arg10[%parallel_loop3A_926, %parallel_loop3A_927] {strides = array<i32>} : memref<15x512xf32, #tpu.memory_space<vmem>>, vector<16xf32>,
      %parallel_loop3A_929 = arith.mulf %div3A_20, %parallel_loop3A_928 : vector<16xf32>
      %parallel_loop3A_930 = arith.constant 5 : i32
      %parallel_loop3A_931 = arith.index_cast %parallel_loop3A_930 : i32 to index
      %parallel_loop3A_932 = arith.index_cast %parallel_loop3A_824 : i32 to index
      %parallel_loop3A_933 = tpu.vector_load %arg10[%parallel_loop3A_931, %parallel_loop3A_932] {strides = array<i32>} : memref<15x512xf32, #tpu.memory_space<vmem>>, vector<16xf32>,
      %parallel_loop3A_934 = arith.mulf %div3A_20, %parallel_loop3A_933 : vector<16xf32>
      %parallel_loop3A_935 = arith.constant 6 : i32
      %parallel_loop3A_936 = arith.index_cast %parallel_loop3A_935 : i32 to index
      %parallel_loop3A_937 = arith.index_cast %parallel_loop3A_824 : i32 to index
      %parallel_loop3A_938 = tpu.vector_load %arg10[%parallel_loop3A_936, %parallel_loop3A_937] {strides = array<i32>} : memref<15x512xf32, #tpu.memory_space<vmem>>, vector<16xf32>,
      %parallel_loop3A_939 = arith.mulf %div3A_20, %parallel_loop3A_938 : vector<16xf32>
      %parallel_loop3A_940 = arith.constant 7 : i32
      %parallel_loop3A_941 = arith.index_cast %parallel_loop3A_940 : i32 to index
      %parallel_loop3A_942 = arith.index_cast %parallel_loop3A_824 : i32 to index
      %parallel_loop3A_943 = tpu.vector_load %arg10[%parallel_loop3A_941, %parallel_loop3A_942] {strides = array<i32>} : memref<15x512xf32, #tpu.memory_space<vmem>>, vector<16xf32>,
      %parallel_loop3A_944 = arith.mulf %div3A_20, %parallel_loop3A_943 : vector<16xf32>
      %parallel_loop3A_945 = arith.constant 8 : i32
      %parallel_loop3A_946 = arith.index_cast %parallel_loop3A_945 : i32 to index
      %parallel_loop3A_947 = arith.index_cast %parallel_loop3A_824 : i32 to index
      %parallel_loop3A_948 = tpu.vector_load %arg10[%parallel_loop3A_946, %parallel_loop3A_947] {strides = array<i32>} : memref<15x512xf32, #tpu.memory_space<vmem>>, vector<16xf32>,
      %parallel_loop3A_949 = arith.mulf %div3A_20, %parallel_loop3A_948 : vector<16xf32>
      %parallel_loop3A_950 = arith.constant 9 : i32
      %parallel_loop3A_951 = arith.index_cast %parallel_loop3A_950 : i32 to index
      %parallel_loop3A_952 = arith.index_cast %parallel_loop3A_824 : i32 to index
      %parallel_loop3A_953 = tpu.vector_load %arg10[%parallel_loop3A_951, %parallel_loop3A_952] {strides = array<i32>} : memref<15x512xf32, #tpu.memory_space<vmem>>, vector<16xf32>,
      %parallel_loop3A_954 = arith.mulf %div3A_20, %parallel_loop3A_953 : vector<16xf32>
      %parallel_loop3A_955 = arith.constant 10 : i32
      %parallel_loop3A_956 = arith.index_cast %parallel_loop3A_955 : i32 to index
      %parallel_loop3A_957 = arith.index_cast %parallel_loop3A_824 : i32 to index
      %parallel_loop3A_958 = tpu.vector_load %arg10[%parallel_loop3A_956, %parallel_loop3A_957] {strides = array<i32>} : memref<15x512xf32, #tpu.memory_space<vmem>>, vector<16xf32>,
      %parallel_loop3A_959 = arith.mulf %div3A_20, %parallel_loop3A_958 : vector<16xf32>
      %parallel_loop3A_960 = arith.constant 11 : i32
      %parallel_loop3A_961 = arith.index_cast %parallel_loop3A_960 : i32 to index
      %parallel_loop3A_962 = arith.index_cast %parallel_loop3A_824 : i32 to index
      %parallel_loop3A_963 = tpu.vector_load %arg10[%parallel_loop3A_961, %parallel_loop3A_962] {strides = array<i32>} : memref<15x512xf32, #tpu.memory_space<vmem>>, vector<16xf32>,
      %parallel_loop3A_964 = arith.mulf %div3A_20, %parallel_loop3A_963 : vector<16xf32>
      %parallel_loop3A_965 = arith.constant 12 : i32
      %parallel_loop3A_966 = arith.index_cast %parallel_loop3A_965 : i32 to index
      %parallel_loop3A_967 = arith.index_cast %parallel_loop3A_824 : i32 to index
      %parallel_loop3A_968 = tpu.vector_load %arg10[%parallel_loop3A_966, %parallel_loop3A_967] {strides = array<i32>} : memref<15x512xf32, #tpu.memory_space<vmem>>, vector<16xf32>,
      %parallel_loop3A_969 = arith.mulf %div3A_20, %parallel_loop3A_968 : vector<16xf32>
      %parallel_loop3A_970 = arith.constant 13 : i32
      %parallel_loop3A_971 = arith.index_cast %parallel_loop3A_970 : i32 to index
      %parallel_loop3A_972 = arith.index_cast %parallel_loop3A_824 : i32 to index
      %parallel_loop3A_973 = tpu.vector_load %arg10[%parallel_loop3A_971, %parallel_loop3A_972] {strides = array<i32>} : memref<15x512xf32, #tpu.memory_space<vmem>>, vector<16xf32>,
      %parallel_loop3A_974 = arith.mulf %div3A_20, %parallel_loop3A_973 : vector<16xf32>
      %parallel_loop3A_975 = arith.constant 14 : i32
      %parallel_loop3A_976 = arith.index_cast %parallel_loop3A_975 : i32 to index
      %parallel_loop3A_977 = arith.index_cast %parallel_loop3A_824 : i32 to index
      %parallel_loop3A_978 = tpu.vector_load %arg10[%parallel_loop3A_976, %parallel_loop3A_977] {strides = array<i32>} : memref<15x512xf32, #tpu.memory_space<vmem>>, vector<16xf32>,
      %parallel_loop3A_979 = arith.mulf %div3A_20, %parallel_loop3A_978 : vector<16xf32>
      %parallel_loop3A_980 = arith.addf %parallel_loop3A_829, %parallel_loop3A_869 : vector<16xf32>
      %parallel_loop3A_981 = arith.addf %parallel_loop3A_829, %parallel_loop3A_879 : vector<16xf32>
      %parallel_loop3A_982 = arith.addf %parallel_loop3A_829, %parallel_loop3A_884 : vector<16xf32>
      %parallel_loop3A_983 = arith.addf %parallel_loop3A_829, %parallel_loop3A_894 : vector<16xf32>
      %parallel_loop3A_984 = arith.addf %parallel_loop3A_829, %parallel_loop3A_904 : vector<16xf32>
      %parallel_loop3A_985 = arith.addf %parallel_loop3A_834, %parallel_loop3A_864 : vector<16xf32>
      %parallel_loop3A_986 = arith.addf %parallel_loop3A_834, %parallel_loop3A_894 : vector<16xf32>
      %parallel_loop3A_987 = arith.addf %parallel_loop3A_839, %parallel_loop3A_879 : vector<16xf32>
      %parallel_loop3A_988 = arith.addf %parallel_loop3A_839, %parallel_loop3A_884 : vector<16xf32>
      %parallel_loop3A_989 = arith.addf %parallel_loop3A_839, %parallel_loop3A_894 : vector<16xf32>
      %parallel_loop3A_990 = arith.addf %parallel_loop3A_839, %parallel_loop3A_899 : vector<16xf32>
      %parallel_loop3A_991 = arith.addf %parallel_loop3A_839, %parallel_loop3A_904 : vector<16xf32>
      %parallel_loop3A_992 = arith.addf %parallel_loop3A_844, %parallel_loop3A_869 : vector<16xf32>
      %parallel_loop3A_993 = arith.addf %parallel_loop3A_844, %parallel_loop3A_874 : vector<16xf32>
      %parallel_loop3A_994 = arith.addf %parallel_loop3A_844, %parallel_loop3A_879 : vector<16xf32>
      %parallel_loop3A_995 = arith.addf %parallel_loop3A_844, %parallel_loop3A_894 : vector<16xf32>
      %parallel_loop3A_996 = arith.addf %parallel_loop3A_844, %parallel_loop3A_904 : vector<16xf32>
      %parallel_loop3A_997 = arith.addf %parallel_loop3A_849, %parallel_loop3A_859 : vector<16xf32>
      %parallel_loop3A_998 = arith.addf %parallel_loop3A_849, %parallel_loop3A_879 : vector<16xf32>
      %parallel_loop3A_999 = arith.addf %parallel_loop3A_849, %parallel_loop3A_889 : vector<16xf32>
      %parallel_loop3A_1000 = arith.addf %parallel_loop3A_849, %parallel_loop3A_894 : vector<16xf32>
      %parallel_loop3A_1001 = arith.addf %parallel_loop3A_849, %parallel_loop3A_904 : vector<16xf32>
      %parallel_loop3A_1002 = arith.addf %parallel_loop3A_854, %parallel_loop3A_869 : vector<16xf32>
      %parallel_loop3A_1003 = arith.addf %parallel_loop3A_854, %parallel_loop3A_874 : vector<16xf32>
      %parallel_loop3A_1004 = arith.addf %parallel_loop3A_854, %parallel_loop3A_879 : vector<16xf32>
      %parallel_loop3A_1005 = arith.addf %parallel_loop3A_854, %parallel_loop3A_894 : vector<16xf32>
      %parallel_loop3A_1006 = arith.addf %parallel_loop3A_980, %parallel_loop3A_909 : vector<16xf32>
      %parallel_loop3A_1007 = arith.constant 0 : i32
      %parallel_loop3A_1008 = arith.index_cast %parallel_loop3A_1007 : i32 to index
      %parallel_loop3A_1009 = arith.constant 0 : index
      %parallel_loop3A_1010 = tpu.vector_load %arg14[%parallel_loop3A_1008, %parallel_loop3A_1009] {strides = array<i32>} : memref<100x16xf32, #tpu.memory_space<vmem>>, vector<16xf32>,
      %parallel_loop3A_1011 = arith.addf %parallel_loop3A_1006, %parallel_loop3A_1010 : vector<16xf32>
      %parallel_loop3A_1012 = arith.constant 0 : i32
      %parallel_loop3A_1013 = arith.index_cast %parallel_loop3A_1012 : i32 to index
      %parallel_loop3A_1014 = arith.index_cast %parallel_loop3A_824 : i32 to index
      %parallel_loop3A_1015 = tpu.vector_load %arg11[%parallel_loop3A_1013, %parallel_loop3A_1014] {strides = array<i32>} : memref<100x512xf32, #tpu.memory_space<vmem>>, vector<16xf32>,
      tpu.vector_store %arg11[%parallel_loop3A_1013, %parallel_loop3A_1014], %parallel_loop3A_1011 {strides = array<i32>} : memref<100x512xf32, #tpu.memory_space<vmem>>, vector<16xf32>,
      %parallel_loop3A_1016 = arith.addf %parallel_loop3A_980, %parallel_loop3A_919 : vector<16xf32>
      %parallel_loop3A_1017 = arith.constant 1 : i32
      %parallel_loop3A_1018 = arith.index_cast %parallel_loop3A_1017 : i32 to index
      %parallel_loop3A_1019 = arith.constant 0 : index
      %parallel_loop3A_1020 = tpu.vector_load %arg14[%parallel_loop3A_1018, %parallel_loop3A_1019] {strides = array<i32>} : memref<100x16xf32, #tpu.memory_space<vmem>>, vector<16xf32>,
      %parallel_loop3A_1021 = arith.addf %parallel_loop3A_1016, %parallel_loop3A_1020 : vector<16xf32>
      %parallel_loop3A_1022 = arith.constant 1 : i32
      %parallel_loop3A_1023 = arith.index_cast %parallel_loop3A_1022 : i32 to index
      %parallel_loop3A_1024 = arith.index_cast %parallel_loop3A_824 : i32 to index
      %parallel_loop3A_1025 = tpu.vector_load %arg11[%parallel_loop3A_1023, %parallel_loop3A_1024] {strides = array<i32>} : memref<100x512xf32, #tpu.memory_space<vmem>>, vector<16xf32>,
      tpu.vector_store %arg11[%parallel_loop3A_1023, %parallel_loop3A_1024], %parallel_loop3A_1021 {strides = array<i32>} : memref<100x512xf32, #tpu.memory_space<vmem>>, vector<16xf32>,
      %parallel_loop3A_1026 = arith.addf %parallel_loop3A_980, %parallel_loop3A_924 : vector<16xf32>
      %parallel_loop3A_1027 = arith.constant 2 : i32
      %parallel_loop3A_1028 = arith.index_cast %parallel_loop3A_1027 : i32 to index
      %parallel_loop3A_1029 = arith.constant 0 : index
      %parallel_loop3A_1030 = tpu.vector_load %arg14[%parallel_loop3A_1028, %parallel_loop3A_1029] {strides = array<i32>} : memref<100x16xf32, #tpu.memory_space<vmem>>, vector<16xf32>,
      %parallel_loop3A_1031 = arith.addf %parallel_loop3A_1026, %parallel_loop3A_1030 : vector<16xf32>
      %parallel_loop3A_1032 = arith.constant 2 : i32
      %parallel_loop3A_1033 = arith.index_cast %parallel_loop3A_1032 : i32 to index
      %parallel_loop3A_1034 = arith.index_cast %parallel_loop3A_824 : i32 to index
      %parallel_loop3A_1035 = tpu.vector_load %arg11[%parallel_loop3A_1033, %parallel_loop3A_1034] {strides = array<i32>} : memref<100x512xf32, #tpu.memory_space<vmem>>, vector<16xf32>,
      tpu.vector_store %arg11[%parallel_loop3A_1033, %parallel_loop3A_1034], %parallel_loop3A_1031 {strides = array<i32>} : memref<100x512xf32, #tpu.memory_space<vmem>>, vector<16xf32>,
      %parallel_loop3A_1036 = arith.addf %parallel_loop3A_980, %parallel_loop3A_929 : vector<16xf32>
      %parallel_loop3A_1037 = arith.constant 3 : i32
      %parallel_loop3A_1038 = arith.index_cast %parallel_loop3A_1037 : i32 to index
      %parallel_loop3A_1039 = arith.constant 0 : index
      %parallel_loop3A_1040 = tpu.vector_load %arg14[%parallel_loop3A_1038, %parallel_loop3A_1039] {strides = array<i32>} : memref<100x16xf32, #tpu.memory_space<vmem>>, vector<16xf32>,
      %parallel_loop3A_1041 = arith.addf %parallel_loop3A_1036, %parallel_loop3A_1040 : vector<16xf32>
      %parallel_loop3A_1042 = arith.constant 3 : i32
      %parallel_loop3A_1043 = arith.index_cast %parallel_loop3A_1042 : i32 to index
      %parallel_loop3A_1044 = arith.index_cast %parallel_loop3A_824 : i32 to index
      %parallel_loop3A_1045 = tpu.vector_load %arg11[%parallel_loop3A_1043, %parallel_loop3A_1044] {strides = array<i32>} : memref<100x512xf32, #tpu.memory_space<vmem>>, vector<16xf32>,
      tpu.vector_store %arg11[%parallel_loop3A_1043, %parallel_loop3A_1044], %parallel_loop3A_1041 {strides = array<i32>} : memref<100x512xf32, #tpu.memory_space<vmem>>, vector<16xf32>,
      %parallel_loop3A_1046 = arith.addf %parallel_loop3A_980, %parallel_loop3A_934 : vector<16xf32>
      %parallel_loop3A_1047 = arith.constant 4 : i32
      %parallel_loop3A_1048 = arith.index_cast %parallel_loop3A_1047 : i32 to index
      %parallel_loop3A_1049 = arith.constant 0 : index
      %parallel_loop3A_1050 = tpu.vector_load %arg14[%parallel_loop3A_1048, %parallel_loop3A_1049] {strides = array<i32>} : memref<100x16xf32, #tpu.memory_space<vmem>>, vector<16xf32>,
      %parallel_loop3A_1051 = arith.addf %parallel_loop3A_1046, %parallel_loop3A_1050 : vector<16xf32>
      %parallel_loop3A_1052 = arith.constant 4 : i32
      %parallel_loop3A_1053 = arith.index_cast %parallel_loop3A_1052 : i32 to index
      %parallel_loop3A_1054 = arith.index_cast %parallel_loop3A_824 : i32 to index
      %parallel_loop3A_1055 = tpu.vector_load %arg11[%parallel_loop3A_1053, %parallel_loop3A_1054] {strides = array<i32>} : memref<100x512xf32, #tpu.memory_space<vmem>>, vector<16xf32>,
      tpu.vector_store %arg11[%parallel_loop3A_1053, %parallel_loop3A_1054], %parallel_loop3A_1051 {strides = array<i32>} : memref<100x512xf32, #tpu.memory_space<vmem>>, vector<16xf32>,
      %parallel_loop3A_1056 = arith.addf %parallel_loop3A_980, %parallel_loop3A_939 : vector<16xf32>
      %parallel_loop3A_1057 = arith.constant 5 : i32
      %parallel_loop3A_1058 = arith.index_cast %parallel_loop3A_1057 : i32 to index
      %parallel_loop3A_1059 = arith.constant 0 : index
      %parallel_loop3A_1060 = tpu.vector_load %arg14[%parallel_loop3A_1058, %parallel_loop3A_1059] {strides = array<i32>} : memref<100x16xf32, #tpu.memory_space<vmem>>, vector<16xf32>,
      %parallel_loop3A_1061 = arith.addf %parallel_loop3A_1056, %parallel_loop3A_1060 : vector<16xf32>
      %parallel_loop3A_1062 = arith.constant 5 : i32
      %parallel_loop3A_1063 = arith.index_cast %parallel_loop3A_1062 : i32 to index
      %parallel_loop3A_1064 = arith.index_cast %parallel_loop3A_824 : i32 to index
      %parallel_loop3A_1065 = tpu.vector_load %arg11[%parallel_loop3A_1063, %parallel_loop3A_1064] {strides = array<i32>} : memref<100x512xf32, #tpu.memory_space<vmem>>, vector<16xf32>,
      tpu.vector_store %arg11[%parallel_loop3A_1063, %parallel_loop3A_1064], %parallel_loop3A_1061 {strides = array<i32>} : memref<100x512xf32, #tpu.memory_space<vmem>>, vector<16xf32>,
      %parallel_loop3A_1066 = arith.addf %parallel_loop3A_980, %parallel_loop3A_949 : vector<16xf32>
      %parallel_loop3A_1067 = arith.constant 6 : i32
      %parallel_loop3A_1068 = arith.index_cast %parallel_loop3A_1067 : i32 to index
      %parallel_loop3A_1069 = arith.constant 0 : index
      %parallel_loop3A_1070 = tpu.vector_load %arg14[%parallel_loop3A_1068, %parallel_loop3A_1069] {strides = array<i32>} : memref<100x16xf32, #tpu.memory_space<vmem>>, vector<16xf32>,
      %parallel_loop3A_1071 = arith.addf %parallel_loop3A_1066, %parallel_loop3A_1070 : vector<16xf32>
      %parallel_loop3A_1072 = arith.constant 6 : i32
      %parallel_loop3A_1073 = arith.index_cast %parallel_loop3A_1072 : i32 to index
      %parallel_loop3A_1074 = arith.index_cast %parallel_loop3A_824 : i32 to index
      %parallel_loop3A_1075 = tpu.vector_load %arg11[%parallel_loop3A_1073, %parallel_loop3A_1074] {strides = array<i32>} : memref<100x512xf32, #tpu.memory_space<vmem>>, vector<16xf32>,
      tpu.vector_store %arg11[%parallel_loop3A_1073, %parallel_loop3A_1074], %parallel_loop3A_1071 {strides = array<i32>} : memref<100x512xf32, #tpu.memory_space<vmem>>, vector<16xf32>,
      %parallel_loop3A_1076 = arith.addf %parallel_loop3A_980, %parallel_loop3A_959 : vector<16xf32>
      %parallel_loop3A_1077 = arith.constant 7 : i32
      %parallel_loop3A_1078 = arith.index_cast %parallel_loop3A_1077 : i32 to index
      %parallel_loop3A_1079 = arith.constant 0 : index
      %parallel_loop3A_1080 = tpu.vector_load %arg14[%parallel_loop3A_1078, %parallel_loop3A_1079] {strides = array<i32>} : memref<100x16xf32, #tpu.memory_space<vmem>>, vector<16xf32>,
      %parallel_loop3A_1081 = arith.addf %parallel_loop3A_1076, %parallel_loop3A_1080 : vector<16xf32>
      %parallel_loop3A_1082 = arith.constant 7 : i32
      %parallel_loop3A_1083 = arith.index_cast %parallel_loop3A_1082 : i32 to index
      %parallel_loop3A_1084 = arith.index_cast %parallel_loop3A_824 : i32 to index
      %parallel_loop3A_1085 = tpu.vector_load %arg11[%parallel_loop3A_1083, %parallel_loop3A_1084] {strides = array<i32>} : memref<100x512xf32, #tpu.memory_space<vmem>>, vector<16xf32>,
      tpu.vector_store %arg11[%parallel_loop3A_1083, %parallel_loop3A_1084], %parallel_loop3A_1081 {strides = array<i32>} : memref<100x512xf32, #tpu.memory_space<vmem>>, vector<16xf32>,
      %parallel_loop3A_1086 = arith.addf %parallel_loop3A_980, %parallel_loop3A_969 : vector<16xf32>
      %parallel_loop3A_1087 = arith.constant 8 : i32
      %parallel_loop3A_1088 = arith.index_cast %parallel_loop3A_1087 : i32 to index
      %parallel_loop3A_1089 = arith.constant 0 : index
      %parallel_loop3A_1090 = tpu.vector_load %arg14[%parallel_loop3A_1088, %parallel_loop3A_1089] {strides = array<i32>} : memref<100x16xf32, #tpu.memory_space<vmem>>, vector<16xf32>,
      %parallel_loop3A_1091 = arith.addf %parallel_loop3A_1086, %parallel_loop3A_1090 : vector<16xf32>
      %parallel_loop3A_1092 = arith.constant 8 : i32
      %parallel_loop3A_1093 = arith.index_cast %parallel_loop3A_1092 : i32 to index
      %parallel_loop3A_1094 = arith.index_cast %parallel_loop3A_824 : i32 to index
      %parallel_loop3A_1095 = tpu.vector_load %arg11[%parallel_loop3A_1093, %parallel_loop3A_1094] {strides = array<i32>} : memref<100x512xf32, #tpu.memory_space<vmem>>, vector<16xf32>,
      tpu.vector_store %arg11[%parallel_loop3A_1093, %parallel_loop3A_1094], %parallel_loop3A_1091 {strides = array<i32>} : memref<100x512xf32, #tpu.memory_space<vmem>>, vector<16xf32>,
      %parallel_loop3A_1096 = arith.addf %parallel_loop3A_980, %parallel_loop3A_974 : vector<16xf32>
      %parallel_loop3A_1097 = arith.constant 9 : i32
      %parallel_loop3A_1098 = arith.index_cast %parallel_loop3A_1097 : i32 to index
      %parallel_loop3A_1099 = arith.constant 0 : index
      %parallel_loop3A_1100 = tpu.vector_load %arg14[%parallel_loop3A_1098, %parallel_loop3A_1099] {strides = array<i32>} : memref<100x16xf32, #tpu.memory_space<vmem>>, vector<16xf32>,
      %parallel_loop3A_1101 = arith.addf %parallel_loop3A_1096, %parallel_loop3A_1100 : vector<16xf32>
      %parallel_loop3A_1102 = arith.constant 9 : i32
      %parallel_loop3A_1103 = arith.index_cast %parallel_loop3A_1102 : i32 to index
      %parallel_loop3A_1104 = arith.index_cast %parallel_loop3A_824 : i32 to index
      %parallel_loop3A_1105 = tpu.vector_load %arg11[%parallel_loop3A_1103, %parallel_loop3A_1104] {strides = array<i32>} : memref<100x512xf32, #tpu.memory_space<vmem>>, vector<16xf32>,
      tpu.vector_store %arg11[%parallel_loop3A_1103, %parallel_loop3A_1104], %parallel_loop3A_1101 {strides = array<i32>} : memref<100x512xf32, #tpu.memory_space<vmem>>, vector<16xf32>,
      %parallel_loop3A_1106 = arith.addf %parallel_loop3A_981, %parallel_loop3A_914 : vector<16xf32>
      %parallel_loop3A_1107 = arith.constant 10 : i32
      %parallel_loop3A_1108 = arith.index_cast %parallel_loop3A_1107 : i32 to index
      %parallel_loop3A_1109 = arith.constant 0 : index
      %parallel_loop3A_1110 = tpu.vector_load %arg14[%parallel_loop3A_1108, %parallel_loop3A_1109] {strides = array<i32>} : memref<100x16xf32, #tpu.memory_space<vmem>>, vector<16xf32>,
      %parallel_loop3A_1111 = arith.addf %parallel_loop3A_1106, %parallel_loop3A_1110 : vector<16xf32>
      %parallel_loop3A_1112 = arith.constant 10 : i32
      %parallel_loop3A_1113 = arith.index_cast %parallel_loop3A_1112 : i32 to index
      %parallel_loop3A_1114 = arith.index_cast %parallel_loop3A_824 : i32 to index
      %parallel_loop3A_1115 = tpu.vector_load %arg11[%parallel_loop3A_1113, %parallel_loop3A_1114] {strides = array<i32>} : memref<100x512xf32, #tpu.memory_space<vmem>>, vector<16xf32>,
      tpu.vector_store %arg11[%parallel_loop3A_1113, %parallel_loop3A_1114], %parallel_loop3A_1111 {strides = array<i32>} : memref<100x512xf32, #tpu.memory_space<vmem>>, vector<16xf32>,
      %parallel_loop3A_1116 = arith.addf %parallel_loop3A_981, %parallel_loop3A_924 : vector<16xf32>
      %parallel_loop3A_1117 = arith.constant 11 : i32
      %parallel_loop3A_1118 = arith.index_cast %parallel_loop3A_1117 : i32 to index
      %parallel_loop3A_1119 = arith.constant 0 : index
      %parallel_loop3A_1120 = tpu.vector_load %arg14[%parallel_loop3A_1118, %parallel_loop3A_1119] {strides = array<i32>} : memref<100x16xf32, #tpu.memory_space<vmem>>, vector<16xf32>,
      %parallel_loop3A_1121 = arith.addf %parallel_loop3A_1116, %parallel_loop3A_1120 : vector<16xf32>
      %parallel_loop3A_1122 = arith.constant 11 : i32
      %parallel_loop3A_1123 = arith.index_cast %parallel_loop3A_1122 : i32 to index
      %parallel_loop3A_1124 = arith.index_cast %parallel_loop3A_824 : i32 to index
      %parallel_loop3A_1125 = tpu.vector_load %arg11[%parallel_loop3A_1123, %parallel_loop3A_1124] {strides = array<i32>} : memref<100x512xf32, #tpu.memory_space<vmem>>, vector<16xf32>,
      tpu.vector_store %arg11[%parallel_loop3A_1123, %parallel_loop3A_1124], %parallel_loop3A_1121 {strides = array<i32>} : memref<100x512xf32, #tpu.memory_space<vmem>>, vector<16xf32>,
      %parallel_loop3A_1126 = arith.addf %parallel_loop3A_981, %parallel_loop3A_929 : vector<16xf32>
      %parallel_loop3A_1127 = arith.constant 12 : i32
      %parallel_loop3A_1128 = arith.index_cast %parallel_loop3A_1127 : i32 to index
      %parallel_loop3A_1129 = arith.constant 0 : index
      %parallel_loop3A_1130 = tpu.vector_load %arg14[%parallel_loop3A_1128, %parallel_loop3A_1129] {strides = array<i32>} : memref<100x16xf32, #tpu.memory_space<vmem>>, vector<16xf32>,
      %parallel_loop3A_1131 = arith.addf %parallel_loop3A_1126, %parallel_loop3A_1130 : vector<16xf32>
      %parallel_loop3A_1132 = arith.constant 12 : i32
      %parallel_loop3A_1133 = arith.index_cast %parallel_loop3A_1132 : i32 to index
      %parallel_loop3A_1134 = arith.index_cast %parallel_loop3A_824 : i32 to index
      %parallel_loop3A_1135 = tpu.vector_load %arg11[%parallel_loop3A_1133, %parallel_loop3A_1134] {strides = array<i32>} : memref<100x512xf32, #tpu.memory_space<vmem>>, vector<16xf32>,
      tpu.vector_store %arg11[%parallel_loop3A_1133, %parallel_loop3A_1134], %parallel_loop3A_1131 {strides = array<i32>} : memref<100x512xf32, #tpu.memory_space<vmem>>, vector<16xf32>,
      %parallel_loop3A_1136 = arith.addf %parallel_loop3A_981, %parallel_loop3A_939 : vector<16xf32>
      %parallel_loop3A_1137 = arith.constant 13 : i32
      %parallel_loop3A_1138 = arith.index_cast %parallel_loop3A_1137 : i32 to index
      %parallel_loop3A_1139 = arith.constant 0 : index
      %parallel_loop3A_1140 = tpu.vector_load %arg14[%parallel_loop3A_1138, %parallel_loop3A_1139] {strides = array<i32>} : memref<100x16xf32, #tpu.memory_space<vmem>>, vector<16xf32>,
      %parallel_loop3A_1141 = arith.addf %parallel_loop3A_1136, %parallel_loop3A_1140 : vector<16xf32>
      %parallel_loop3A_1142 = arith.constant 13 : i32
      %parallel_loop3A_1143 = arith.index_cast %parallel_loop3A_1142 : i32 to index
      %parallel_loop3A_1144 = arith.index_cast %parallel_loop3A_824 : i32 to index
      %parallel_loop3A_1145 = tpu.vector_load %arg11[%parallel_loop3A_1143, %parallel_loop3A_1144] {strides = array<i32>} : memref<100x512xf32, #tpu.memory_space<vmem>>, vector<16xf32>,
      tpu.vector_store %arg11[%parallel_loop3A_1143, %parallel_loop3A_1144], %parallel_loop3A_1141 {strides = array<i32>} : memref<100x512xf32, #tpu.memory_space<vmem>>, vector<16xf32>,
      %parallel_loop3A_1146 = arith.addf %parallel_loop3A_981, %parallel_loop3A_949 : vector<16xf32>
      %parallel_loop3A_1147 = arith.constant 14 : i32
      %parallel_loop3A_1148 = arith.index_cast %parallel_loop3A_1147 : i32 to index
      %parallel_loop3A_1149 = arith.constant 0 : index
      %parallel_loop3A_1150 = tpu.vector_load %arg14[%parallel_loop3A_1148, %parallel_loop3A_1149] {strides = array<i32>} : memref<100x16xf32, #tpu.memory_space<vmem>>, vector<16xf32>,
      %parallel_loop3A_1151 = arith.addf %parallel_loop3A_1146, %parallel_loop3A_1150 : vector<16xf32>
      %parallel_loop3A_1152 = arith.constant 14 : i32
      %parallel_loop3A_1153 = arith.index_cast %parallel_loop3A_1152 : i32 to index
      %parallel_loop3A_1154 = arith.index_cast %parallel_loop3A_824 : i32 to index
      %parallel_loop3A_1155 = tpu.vector_load %arg11[%parallel_loop3A_1153, %parallel_loop3A_1154] {strides = array<i32>} : memref<100x512xf32, #tpu.memory_space<vmem>>, vector<16xf32>,
      tpu.vector_store %arg11[%parallel_loop3A_1153, %parallel_loop3A_1154], %parallel_loop3A_1151 {strides = array<i32>} : memref<100x512xf32, #tpu.memory_space<vmem>>, vector<16xf32>,
      %parallel_loop3A_1156 = arith.addf %parallel_loop3A_981, %parallel_loop3A_969 : vector<16xf32>
      %parallel_loop3A_1157 = arith.constant 15 : i32
      %parallel_loop3A_1158 = arith.index_cast %parallel_loop3A_1157 : i32 to index
      %parallel_loop3A_1159 = arith.constant 0 : index
      %parallel_loop3A_1160 = tpu.vector_load %arg14[%parallel_loop3A_1158, %parallel_loop3A_1159] {strides = array<i32>} : memref<100x16xf32, #tpu.memory_space<vmem>>, vector<16xf32>,
      %parallel_loop3A_1161 = arith.addf %parallel_loop3A_1156, %parallel_loop3A_1160 : vector<16xf32>
      %parallel_loop3A_1162 = arith.constant 15 : i32
      %parallel_loop3A_1163 = arith.index_cast %parallel_loop3A_1162 : i32 to index
      %parallel_loop3A_1164 = arith.index_cast %parallel_loop3A_824 : i32 to index
      %parallel_loop3A_1165 = tpu.vector_load %arg11[%parallel_loop3A_1163, %parallel_loop3A_1164] {strides = array<i32>} : memref<100x512xf32, #tpu.memory_space<vmem>>, vector<16xf32>,
      tpu.vector_store %arg11[%parallel_loop3A_1163, %parallel_loop3A_1164], %parallel_loop3A_1161 {strides = array<i32>} : memref<100x512xf32, #tpu.memory_space<vmem>>, vector<16xf32>,
      %parallel_loop3A_1166 = arith.addf %parallel_loop3A_982, %parallel_loop3A_939 : vector<16xf32>
      %parallel_loop3A_1167 = arith.constant 16 : i32
      %parallel_loop3A_1168 = arith.index_cast %parallel_loop3A_1167 : i32 to index
      %parallel_loop3A_1169 = arith.constant 0 : index
      %parallel_loop3A_1170 = tpu.vector_load %arg14[%parallel_loop3A_1168, %parallel_loop3A_1169] {strides = array<i32>} : memref<100x16xf32, #tpu.memory_space<vmem>>, vector<16xf32>,
      %parallel_loop3A_1171 = arith.addf %parallel_loop3A_1166, %parallel_loop3A_1170 : vector<16xf32>
      %parallel_loop3A_1172 = arith.constant 16 : i32
      %parallel_loop3A_1173 = arith.index_cast %parallel_loop3A_1172 : i32 to index
      %parallel_loop3A_1174 = arith.index_cast %parallel_loop3A_824 : i32 to index
      %parallel_loop3A_1175 = tpu.vector_load %arg11[%parallel_loop3A_1173, %parallel_loop3A_1174] {strides = array<i32>} : memref<100x512xf32, #tpu.memory_space<vmem>>, vector<16xf32>,
      tpu.vector_store %arg11[%parallel_loop3A_1173, %parallel_loop3A_1174], %parallel_loop3A_1171 {strides = array<i32>} : memref<100x512xf32, #tpu.memory_space<vmem>>, vector<16xf32>,
      %parallel_loop3A_1176 = arith.addf %parallel_loop3A_982, %parallel_loop3A_959 : vector<16xf32>
      %parallel_loop3A_1177 = arith.constant 17 : i32
      %parallel_loop3A_1178 = arith.index_cast %parallel_loop3A_1177 : i32 to index
      %parallel_loop3A_1179 = arith.constant 0 : index
      %parallel_loop3A_1180 = tpu.vector_load %arg14[%parallel_loop3A_1178, %parallel_loop3A_1179] {strides = array<i32>} : memref<100x16xf32, #tpu.memory_space<vmem>>, vector<16xf32>,
      %parallel_loop3A_1181 = arith.addf %parallel_loop3A_1176, %parallel_loop3A_1180 : vector<16xf32>
      %parallel_loop3A_1182 = arith.constant 17 : i32
      %parallel_loop3A_1183 = arith.index_cast %parallel_loop3A_1182 : i32 to index
      %parallel_loop3A_1184 = arith.index_cast %parallel_loop3A_824 : i32 to index
      %parallel_loop3A_1185 = tpu.vector_load %arg11[%parallel_loop3A_1183, %parallel_loop3A_1184] {strides = array<i32>} : memref<100x512xf32, #tpu.memory_space<vmem>>, vector<16xf32>,
      tpu.vector_store %arg11[%parallel_loop3A_1183, %parallel_loop3A_1184], %parallel_loop3A_1181 {strides = array<i32>} : memref<100x512xf32, #tpu.memory_space<vmem>>, vector<16xf32>,
      %parallel_loop3A_1186 = arith.addf %parallel_loop3A_982, %parallel_loop3A_979 : vector<16xf32>
      %parallel_loop3A_1187 = arith.constant 18 : i32
      %parallel_loop3A_1188 = arith.index_cast %parallel_loop3A_1187 : i32 to index
      %parallel_loop3A_1189 = arith.constant 0 : index
      %parallel_loop3A_1190 = tpu.vector_load %arg14[%parallel_loop3A_1188, %parallel_loop3A_1189] {strides = array<i32>} : memref<100x16xf32, #tpu.memory_space<vmem>>, vector<16xf32>,
      %parallel_loop3A_1191 = arith.addf %parallel_loop3A_1186, %parallel_loop3A_1190 : vector<16xf32>
      %parallel_loop3A_1192 = arith.constant 18 : i32
      %parallel_loop3A_1193 = arith.index_cast %parallel_loop3A_1192 : i32 to index
      %parallel_loop3A_1194 = arith.index_cast %parallel_loop3A_824 : i32 to index
      %parallel_loop3A_1195 = tpu.vector_load %arg11[%parallel_loop3A_1193, %parallel_loop3A_1194] {strides = array<i32>} : memref<100x512xf32, #tpu.memory_space<vmem>>, vector<16xf32>,
      tpu.vector_store %arg11[%parallel_loop3A_1193, %parallel_loop3A_1194], %parallel_loop3A_1191 {strides = array<i32>} : memref<100x512xf32, #tpu.memory_space<vmem>>, vector<16xf32>,
      %parallel_loop3A_1196 = arith.addf %parallel_loop3A_983, %parallel_loop3A_964 : vector<16xf32>
      %parallel_loop3A_1197 = arith.constant 19 : i32
      %parallel_loop3A_1198 = arith.index_cast %parallel_loop3A_1197 : i32 to index
      %parallel_loop3A_1199 = arith.constant 0 : index
      %parallel_loop3A_1200 = tpu.vector_load %arg14[%parallel_loop3A_1198, %parallel_loop3A_1199] {strides = array<i32>} : memref<100x16xf32, #tpu.memory_space<vmem>>, vector<16xf32>,
      %parallel_loop3A_1201 = arith.addf %parallel_loop3A_1196, %parallel_loop3A_1200 : vector<16xf32>
      %parallel_loop3A_1202 = arith.constant 19 : i32
      %parallel_loop3A_1203 = arith.index_cast %parallel_loop3A_1202 : i32 to index
      %parallel_loop3A_1204 = arith.index_cast %parallel_loop3A_824 : i32 to index
      %parallel_loop3A_1205 = tpu.vector_load %arg11[%parallel_loop3A_1203, %parallel_loop3A_1204] {strides = array<i32>} : memref<100x512xf32, #tpu.memory_space<vmem>>, vector<16xf32>,
      tpu.vector_store %arg11[%parallel_loop3A_1203, %parallel_loop3A_1204], %parallel_loop3A_1201 {strides = array<i32>} : memref<100x512xf32, #tpu.memory_space<vmem>>, vector<16xf32>,
      %parallel_loop3A_1206 = arith.addf %parallel_loop3A_984, %parallel_loop3A_929 : vector<16xf32>
      %parallel_loop3A_1207 = arith.constant 20 : i32
      %parallel_loop3A_1208 = arith.index_cast %parallel_loop3A_1207 : i32 to index
      %parallel_loop3A_1209 = arith.constant 0 : index
      %parallel_loop3A_1210 = tpu.vector_load %arg14[%parallel_loop3A_1208, %parallel_loop3A_1209] {strides = array<i32>} : memref<100x16xf32, #tpu.memory_space<vmem>>, vector<16xf32>,
      %parallel_loop3A_1211 = arith.addf %parallel_loop3A_1206, %parallel_loop3A_1210 : vector<16xf32>
      %parallel_loop3A_1212 = arith.constant 20 : i32
      %parallel_loop3A_1213 = arith.index_cast %parallel_loop3A_1212 : i32 to index
      %parallel_loop3A_1214 = arith.index_cast %parallel_loop3A_824 : i32 to index
      %parallel_loop3A_1215 = tpu.vector_load %arg11[%parallel_loop3A_1213, %parallel_loop3A_1214] {strides = array<i32>} : memref<100x512xf32, #tpu.memory_space<vmem>>, vector<16xf32>,
      tpu.vector_store %arg11[%parallel_loop3A_1213, %parallel_loop3A_1214], %parallel_loop3A_1211 {strides = array<i32>} : memref<100x512xf32, #tpu.memory_space<vmem>>, vector<16xf32>,
      %parallel_loop3A_1216 = arith.addf %parallel_loop3A_984, %parallel_loop3A_934 : vector<16xf32>
      %parallel_loop3A_1217 = arith.constant 21 : i32
      %parallel_loop3A_1218 = arith.index_cast %parallel_loop3A_1217 : i32 to index
      %parallel_loop3A_1219 = arith.constant 0 : index
      %parallel_loop3A_1220 = tpu.vector_load %arg14[%parallel_loop3A_1218, %parallel_loop3A_1219] {strides = array<i32>} : memref<100x16xf32, #tpu.memory_space<vmem>>, vector<16xf32>,
      %parallel_loop3A_1221 = arith.addf %parallel_loop3A_1216, %parallel_loop3A_1220 : vector<16xf32>
      %parallel_loop3A_1222 = arith.constant 21 : i32
      %parallel_loop3A_1223 = arith.index_cast %parallel_loop3A_1222 : i32 to index
      %parallel_loop3A_1224 = arith.index_cast %parallel_loop3A_824 : i32 to index
      %parallel_loop3A_1225 = tpu.vector_load %arg11[%parallel_loop3A_1223, %parallel_loop3A_1224] {strides = array<i32>} : memref<100x512xf32, #tpu.memory_space<vmem>>, vector<16xf32>,
      tpu.vector_store %arg11[%parallel_loop3A_1223, %parallel_loop3A_1224], %parallel_loop3A_1221 {strides = array<i32>} : memref<100x512xf32, #tpu.memory_space<vmem>>, vector<16xf32>,
      %parallel_loop3A_1226 = arith.addf %parallel_loop3A_984, %parallel_loop3A_949 : vector<16xf32>
      %parallel_loop3A_1227 = arith.constant 22 : i32
      %parallel_loop3A_1228 = arith.index_cast %parallel_loop3A_1227 : i32 to index
      %parallel_loop3A_1229 = arith.constant 0 : index
      %parallel_loop3A_1230 = tpu.vector_load %arg14[%parallel_loop3A_1228, %parallel_loop3A_1229] {strides = array<i32>} : memref<100x16xf32, #tpu.memory_space<vmem>>, vector<16xf32>,
      %parallel_loop3A_1231 = arith.addf %parallel_loop3A_1226, %parallel_loop3A_1230 : vector<16xf32>
      %parallel_loop3A_1232 = arith.constant 22 : i32
      %parallel_loop3A_1233 = arith.index_cast %parallel_loop3A_1232 : i32 to index
      %parallel_loop3A_1234 = arith.index_cast %parallel_loop3A_824 : i32 to index
      %parallel_loop3A_1235 = tpu.vector_load %arg11[%parallel_loop3A_1233, %parallel_loop3A_1234] {strides = array<i32>} : memref<100x512xf32, #tpu.memory_space<vmem>>, vector<16xf32>,
      tpu.vector_store %arg11[%parallel_loop3A_1233, %parallel_loop3A_1234], %parallel_loop3A_1231 {strides = array<i32>} : memref<100x512xf32, #tpu.memory_space<vmem>>, vector<16xf32>,
      %parallel_loop3A_1236 = arith.addf %parallel_loop3A_984, %parallel_loop3A_959 : vector<16xf32>
      %parallel_loop3A_1237 = arith.constant 23 : i32
      %parallel_loop3A_1238 = arith.index_cast %parallel_loop3A_1237 : i32 to index
      %parallel_loop3A_1239 = arith.constant 0 : index
      %parallel_loop3A_1240 = tpu.vector_load %arg14[%parallel_loop3A_1238, %parallel_loop3A_1239] {strides = array<i32>} : memref<100x16xf32, #tpu.memory_space<vmem>>, vector<16xf32>,
      %parallel_loop3A_1241 = arith.addf %parallel_loop3A_1236, %parallel_loop3A_1240 : vector<16xf32>
      %parallel_loop3A_1242 = arith.constant 23 : i32
      %parallel_loop3A_1243 = arith.index_cast %parallel_loop3A_1242 : i32 to index
      %parallel_loop3A_1244 = arith.index_cast %parallel_loop3A_824 : i32 to index
      %parallel_loop3A_1245 = tpu.vector_load %arg11[%parallel_loop3A_1243, %parallel_loop3A_1244] {strides = array<i32>} : memref<100x512xf32, #tpu.memory_space<vmem>>, vector<16xf32>,
      tpu.vector_store %arg11[%parallel_loop3A_1243, %parallel_loop3A_1244], %parallel_loop3A_1241 {strides = array<i32>} : memref<100x512xf32, #tpu.memory_space<vmem>>, vector<16xf32>,
      %parallel_loop3A_1246 = arith.addf %parallel_loop3A_984, %parallel_loop3A_969 : vector<16xf32>
      %parallel_loop3A_1247 = arith.constant 24 : i32
      %parallel_loop3A_1248 = arith.index_cast %parallel_loop3A_1247 : i32 to index
      %parallel_loop3A_1249 = arith.constant 0 : index
      %parallel_loop3A_1250 = tpu.vector_load %arg14[%parallel_loop3A_1248, %parallel_loop3A_1249] {strides = array<i32>} : memref<100x16xf32, #tpu.memory_space<vmem>>, vector<16xf32>,
      %parallel_loop3A_1251 = arith.addf %parallel_loop3A_1246, %parallel_loop3A_1250 : vector<16xf32>
      %parallel_loop3A_1252 = arith.constant 24 : i32
      %parallel_loop3A_1253 = arith.index_cast %parallel_loop3A_1252 : i32 to index
      %parallel_loop3A_1254 = arith.index_cast %parallel_loop3A_824 : i32 to index
      %parallel_loop3A_1255 = tpu.vector_load %arg11[%parallel_loop3A_1253, %parallel_loop3A_1254] {strides = array<i32>} : memref<100x512xf32, #tpu.memory_space<vmem>>, vector<16xf32>,
      tpu.vector_store %arg11[%parallel_loop3A_1253, %parallel_loop3A_1254], %parallel_loop3A_1251 {strides = array<i32>} : memref<100x512xf32, #tpu.memory_space<vmem>>, vector<16xf32>,
      %parallel_loop3A_1256 = arith.addf %parallel_loop3A_985, %parallel_loop3A_919 : vector<16xf32>
      %parallel_loop3A_1257 = arith.constant 25 : i32
      %parallel_loop3A_1258 = arith.index_cast %parallel_loop3A_1257 : i32 to index
      %parallel_loop3A_1259 = arith.constant 0 : index
      %parallel_loop3A_1260 = tpu.vector_load %arg14[%parallel_loop3A_1258, %parallel_loop3A_1259] {strides = array<i32>} : memref<100x16xf32, #tpu.memory_space<vmem>>, vector<16xf32>,
      %parallel_loop3A_1261 = arith.addf %parallel_loop3A_1256, %parallel_loop3A_1260 : vector<16xf32>
      %parallel_loop3A_1262 = arith.constant 25 : i32
      %parallel_loop3A_1263 = arith.index_cast %parallel_loop3A_1262 : i32 to index
      %parallel_loop3A_1264 = arith.index_cast %parallel_loop3A_824 : i32 to index
      %parallel_loop3A_1265 = tpu.vector_load %arg11[%parallel_loop3A_1263, %parallel_loop3A_1264] {strides = array<i32>} : memref<100x512xf32, #tpu.memory_space<vmem>>, vector<16xf32>,
      tpu.vector_store %arg11[%parallel_loop3A_1263, %parallel_loop3A_1264], %parallel_loop3A_1261 {strides = array<i32>} : memref<100x512xf32, #tpu.memory_space<vmem>>, vector<16xf32>,
      %parallel_loop3A_1266 = arith.addf %parallel_loop3A_985, %parallel_loop3A_924 : vector<16xf32>
      %parallel_loop3A_1267 = arith.constant 26 : i32
      %parallel_loop3A_1268 = arith.index_cast %parallel_loop3A_1267 : i32 to index
      %parallel_loop3A_1269 = arith.constant 0 : index
      %parallel_loop3A_1270 = tpu.vector_load %arg14[%parallel_loop3A_1268, %parallel_loop3A_1269] {strides = array<i32>} : memref<100x16xf32, #tpu.memory_space<vmem>>, vector<16xf32>,
      %parallel_loop3A_1271 = arith.addf %parallel_loop3A_1266, %parallel_loop3A_1270 : vector<16xf32>
      %parallel_loop3A_1272 = arith.constant 26 : i32
      %parallel_loop3A_1273 = arith.index_cast %parallel_loop3A_1272 : i32 to index
      %parallel_loop3A_1274 = arith.index_cast %parallel_loop3A_824 : i32 to index
      %parallel_loop3A_1275 = tpu.vector_load %arg11[%parallel_loop3A_1273, %parallel_loop3A_1274] {strides = array<i32>} : memref<100x512xf32, #tpu.memory_space<vmem>>, vector<16xf32>,
      tpu.vector_store %arg11[%parallel_loop3A_1273, %parallel_loop3A_1274], %parallel_loop3A_1271 {strides = array<i32>} : memref<100x512xf32, #tpu.memory_space<vmem>>, vector<16xf32>,
      %parallel_loop3A_1276 = arith.addf %parallel_loop3A_985, %parallel_loop3A_929 : vector<16xf32>
      %parallel_loop3A_1277 = arith.constant 27 : i32
      %parallel_loop3A_1278 = arith.index_cast %parallel_loop3A_1277 : i32 to index
      %parallel_loop3A_1279 = arith.constant 0 : index
      %parallel_loop3A_1280 = tpu.vector_load %arg14[%parallel_loop3A_1278, %parallel_loop3A_1279] {strides = array<i32>} : memref<100x16xf32, #tpu.memory_space<vmem>>, vector<16xf32>,
      %parallel_loop3A_1281 = arith.addf %parallel_loop3A_1276, %parallel_loop3A_1280 : vector<16xf32>
      %parallel_loop3A_1282 = arith.constant 27 : i32
      %parallel_loop3A_1283 = arith.index_cast %parallel_loop3A_1282 : i32 to index
      %parallel_loop3A_1284 = arith.index_cast %parallel_loop3A_824 : i32 to index
      %parallel_loop3A_1285 = tpu.vector_load %arg11[%parallel_loop3A_1283, %parallel_loop3A_1284] {strides = array<i32>} : memref<100x512xf32, #tpu.memory_space<vmem>>, vector<16xf32>,
      tpu.vector_store %arg11[%parallel_loop3A_1283, %parallel_loop3A_1284], %parallel_loop3A_1281 {strides = array<i32>} : memref<100x512xf32, #tpu.memory_space<vmem>>, vector<16xf32>,
      %parallel_loop3A_1286 = arith.addf %parallel_loop3A_985, %parallel_loop3A_934 : vector<16xf32>
      %parallel_loop3A_1287 = arith.constant 28 : i32
      %parallel_loop3A_1288 = arith.index_cast %parallel_loop3A_1287 : i32 to index
      %parallel_loop3A_1289 = arith.constant 0 : index
      %parallel_loop3A_1290 = tpu.vector_load %arg14[%parallel_loop3A_1288, %parallel_loop3A_1289] {strides = array<i32>} : memref<100x16xf32, #tpu.memory_space<vmem>>, vector<16xf32>,
      %parallel_loop3A_1291 = arith.addf %parallel_loop3A_1286, %parallel_loop3A_1290 : vector<16xf32>
      %parallel_loop3A_1292 = arith.constant 28 : i32
      %parallel_loop3A_1293 = arith.index_cast %parallel_loop3A_1292 : i32 to index
      %parallel_loop3A_1294 = arith.index_cast %parallel_loop3A_824 : i32 to index
      %parallel_loop3A_1295 = tpu.vector_load %arg11[%parallel_loop3A_1293, %parallel_loop3A_1294] {strides = array<i32>} : memref<100x512xf32, #tpu.memory_space<vmem>>, vector<16xf32>,
      tpu.vector_store %arg11[%parallel_loop3A_1293, %parallel_loop3A_1294], %parallel_loop3A_1291 {strides = array<i32>} : memref<100x512xf32, #tpu.memory_space<vmem>>, vector<16xf32>,
      %parallel_loop3A_1296 = arith.addf %parallel_loop3A_985, %parallel_loop3A_939 : vector<16xf32>
      %parallel_loop3A_1297 = arith.constant 29 : i32
      %parallel_loop3A_1298 = arith.index_cast %parallel_loop3A_1297 : i32 to index
      %parallel_loop3A_1299 = arith.constant 0 : index
      %parallel_loop3A_1300 = tpu.vector_load %arg14[%parallel_loop3A_1298, %parallel_loop3A_1299] {strides = array<i32>} : memref<100x16xf32, #tpu.memory_space<vmem>>, vector<16xf32>,
      %parallel_loop3A_1301 = arith.addf %parallel_loop3A_1296, %parallel_loop3A_1300 : vector<16xf32>
      %parallel_loop3A_1302 = arith.constant 29 : i32
      %parallel_loop3A_1303 = arith.index_cast %parallel_loop3A_1302 : i32 to index
      %parallel_loop3A_1304 = arith.index_cast %parallel_loop3A_824 : i32 to index
      %parallel_loop3A_1305 = tpu.vector_load %arg11[%parallel_loop3A_1303, %parallel_loop3A_1304] {strides = array<i32>} : memref<100x512xf32, #tpu.memory_space<vmem>>, vector<16xf32>,
      tpu.vector_store %arg11[%parallel_loop3A_1303, %parallel_loop3A_1304], %parallel_loop3A_1301 {strides = array<i32>} : memref<100x512xf32, #tpu.memory_space<vmem>>, vector<16xf32>,
      %parallel_loop3A_1306 = arith.addf %parallel_loop3A_986, %parallel_loop3A_964 : vector<16xf32>
      %parallel_loop3A_1307 = arith.constant 30 : i32
      %parallel_loop3A_1308 = arith.index_cast %parallel_loop3A_1307 : i32 to index
      %parallel_loop3A_1309 = arith.constant 0 : index
      %parallel_loop3A_1310 = tpu.vector_load %arg14[%parallel_loop3A_1308, %parallel_loop3A_1309] {strides = array<i32>} : memref<100x16xf32, #tpu.memory_space<vmem>>, vector<16xf32>,
      %parallel_loop3A_1311 = arith.addf %parallel_loop3A_1306, %parallel_loop3A_1310 : vector<16xf32>
      %parallel_loop3A_1312 = arith.constant 30 : i32
      %parallel_loop3A_1313 = arith.index_cast %parallel_loop3A_1312 : i32 to index
      %parallel_loop3A_1314 = arith.index_cast %parallel_loop3A_824 : i32 to index
      %parallel_loop3A_1315 = tpu.vector_load %arg11[%parallel_loop3A_1313, %parallel_loop3A_1314] {strides = array<i32>} : memref<100x512xf32, #tpu.memory_space<vmem>>, vector<16xf32>,
      tpu.vector_store %arg11[%parallel_loop3A_1313, %parallel_loop3A_1314], %parallel_loop3A_1311 {strides = array<i32>} : memref<100x512xf32, #tpu.memory_space<vmem>>, vector<16xf32>,
      %parallel_loop3A_1316 = arith.addf %parallel_loop3A_987, %parallel_loop3A_939 : vector<16xf32>
      %parallel_loop3A_1317 = arith.constant 31 : i32
      %parallel_loop3A_1318 = arith.index_cast %parallel_loop3A_1317 : i32 to index
      %parallel_loop3A_1319 = arith.constant 0 : index
      %parallel_loop3A_1320 = tpu.vector_load %arg14[%parallel_loop3A_1318, %parallel_loop3A_1319] {strides = array<i32>} : memref<100x16xf32, #tpu.memory_space<vmem>>, vector<16xf32>,
      %parallel_loop3A_1321 = arith.addf %parallel_loop3A_1316, %parallel_loop3A_1320 : vector<16xf32>
      %parallel_loop3A_1322 = arith.constant 31 : i32
      %parallel_loop3A_1323 = arith.index_cast %parallel_loop3A_1322 : i32 to index
      %parallel_loop3A_1324 = arith.index_cast %parallel_loop3A_824 : i32 to index
      %parallel_loop3A_1325 = tpu.vector_load %arg11[%parallel_loop3A_1323, %parallel_loop3A_1324] {strides = array<i32>} : memref<100x512xf32, #tpu.memory_space<vmem>>, vector<16xf32>,
      tpu.vector_store %arg11[%parallel_loop3A_1323, %parallel_loop3A_1324], %parallel_loop3A_1321 {strides = array<i32>} : memref<100x512xf32, #tpu.memory_space<vmem>>, vector<16xf32>,
      %parallel_loop3A_1326 = arith.addf %parallel_loop3A_987, %parallel_loop3A_949 : vector<16xf32>
      %parallel_loop3A_1327 = arith.constant 32 : i32
      %parallel_loop3A_1328 = arith.index_cast %parallel_loop3A_1327 : i32 to index
      %parallel_loop3A_1329 = arith.constant 0 : index
      %parallel_loop3A_1330 = tpu.vector_load %arg14[%parallel_loop3A_1328, %parallel_loop3A_1329] {strides = array<i32>} : memref<100x16xf32, #tpu.memory_space<vmem>>, vector<16xf32>,
      %parallel_loop3A_1331 = arith.addf %parallel_loop3A_1326, %parallel_loop3A_1330 : vector<16xf32>
      %parallel_loop3A_1332 = arith.constant 32 : i32
      %parallel_loop3A_1333 = arith.index_cast %parallel_loop3A_1332 : i32 to index
      %parallel_loop3A_1334 = arith.index_cast %parallel_loop3A_824 : i32 to index
      %parallel_loop3A_1335 = tpu.vector_load %arg11[%parallel_loop3A_1333, %parallel_loop3A_1334] {strides = array<i32>} : memref<100x512xf32, #tpu.memory_space<vmem>>, vector<16xf32>,
      tpu.vector_store %arg11[%parallel_loop3A_1333, %parallel_loop3A_1334], %parallel_loop3A_1331 {strides = array<i32>} : memref<100x512xf32, #tpu.memory_space<vmem>>, vector<16xf32>,
      %parallel_loop3A_1336 = arith.addf %parallel_loop3A_987, %parallel_loop3A_969 : vector<16xf32>
      %parallel_loop3A_1337 = arith.constant 33 : i32
      %parallel_loop3A_1338 = arith.index_cast %parallel_loop3A_1337 : i32 to index
      %parallel_loop3A_1339 = arith.constant 0 : index
      %parallel_loop3A_1340 = tpu.vector_load %arg14[%parallel_loop3A_1338, %parallel_loop3A_1339] {strides = array<i32>} : memref<100x16xf32, #tpu.memory_space<vmem>>, vector<16xf32>,
      %parallel_loop3A_1341 = arith.addf %parallel_loop3A_1336, %parallel_loop3A_1340 : vector<16xf32>
      %parallel_loop3A_1342 = arith.constant 33 : i32
      %parallel_loop3A_1343 = arith.index_cast %parallel_loop3A_1342 : i32 to index
      %parallel_loop3A_1344 = arith.index_cast %parallel_loop3A_824 : i32 to index
      %parallel_loop3A_1345 = tpu.vector_load %arg11[%parallel_loop3A_1343, %parallel_loop3A_1344] {strides = array<i32>} : memref<100x512xf32, #tpu.memory_space<vmem>>, vector<16xf32>,
      tpu.vector_store %arg11[%parallel_loop3A_1343, %parallel_loop3A_1344], %parallel_loop3A_1341 {strides = array<i32>} : memref<100x512xf32, #tpu.memory_space<vmem>>, vector<16xf32>,
      %parallel_loop3A_1346 = arith.addf %parallel_loop3A_988, %parallel_loop3A_924 : vector<16xf32>
      %parallel_loop3A_1347 = arith.constant 34 : i32
      %parallel_loop3A_1348 = arith.index_cast %parallel_loop3A_1347 : i32 to index
      %parallel_loop3A_1349 = arith.constant 0 : index
      %parallel_loop3A_1350 = tpu.vector_load %arg14[%parallel_loop3A_1348, %parallel_loop3A_1349] {strides = array<i32>} : memref<100x16xf32, #tpu.memory_space<vmem>>, vector<16xf32>,
      %parallel_loop3A_1351 = arith.addf %parallel_loop3A_1346, %parallel_loop3A_1350 : vector<16xf32>
      %parallel_loop3A_1352 = arith.constant 34 : i32
      %parallel_loop3A_1353 = arith.index_cast %parallel_loop3A_1352 : i32 to index
      %parallel_loop3A_1354 = arith.index_cast %parallel_loop3A_824 : i32 to index
      %parallel_loop3A_1355 = tpu.vector_load %arg11[%parallel_loop3A_1353, %parallel_loop3A_1354] {strides = array<i32>} : memref<100x512xf32, #tpu.memory_space<vmem>>, vector<16xf32>,
      tpu.vector_store %arg11[%parallel_loop3A_1353, %parallel_loop3A_1354], %parallel_loop3A_1351 {strides = array<i32>} : memref<100x512xf32, #tpu.memory_space<vmem>>, vector<16xf32>,
      %parallel_loop3A_1356 = arith.addf %parallel_loop3A_988, %parallel_loop3A_929 : vector<16xf32>
      %parallel_loop3A_1357 = arith.constant 35 : i32
      %parallel_loop3A_1358 = arith.index_cast %parallel_loop3A_1357 : i32 to index
      %parallel_loop3A_1359 = arith.constant 0 : index
      %parallel_loop3A_1360 = tpu.vector_load %arg14[%parallel_loop3A_1358, %parallel_loop3A_1359] {strides = array<i32>} : memref<100x16xf32, #tpu.memory_space<vmem>>, vector<16xf32>,
      %parallel_loop3A_1361 = arith.addf %parallel_loop3A_1356, %parallel_loop3A_1360 : vector<16xf32>
      %parallel_loop3A_1362 = arith.constant 35 : i32
      %parallel_loop3A_1363 = arith.index_cast %parallel_loop3A_1362 : i32 to index
      %parallel_loop3A_1364 = arith.index_cast %parallel_loop3A_824 : i32 to index
      %parallel_loop3A_1365 = tpu.vector_load %arg11[%parallel_loop3A_1363, %parallel_loop3A_1364] {strides = array<i32>} : memref<100x512xf32, #tpu.memory_space<vmem>>, vector<16xf32>,
      tpu.vector_store %arg11[%parallel_loop3A_1363, %parallel_loop3A_1364], %parallel_loop3A_1361 {strides = array<i32>} : memref<100x512xf32, #tpu.memory_space<vmem>>, vector<16xf32>,
      %parallel_loop3A_1366 = arith.addf %parallel_loop3A_988, %parallel_loop3A_934 : vector<16xf32>
      %parallel_loop3A_1367 = arith.constant 36 : i32
      %parallel_loop3A_1368 = arith.index_cast %parallel_loop3A_1367 : i32 to index
      %parallel_loop3A_1369 = arith.constant 0 : index
      %parallel_loop3A_1370 = tpu.vector_load %arg14[%parallel_loop3A_1368, %parallel_loop3A_1369] {strides = array<i32>} : memref<100x16xf32, #tpu.memory_space<vmem>>, vector<16xf32>,
      %parallel_loop3A_1371 = arith.addf %parallel_loop3A_1366, %parallel_loop3A_1370 : vector<16xf32>
      %parallel_loop3A_1372 = arith.constant 36 : i32
      %parallel_loop3A_1373 = arith.index_cast %parallel_loop3A_1372 : i32 to index
      %parallel_loop3A_1374 = arith.index_cast %parallel_loop3A_824 : i32 to index
      %parallel_loop3A_1375 = tpu.vector_load %arg11[%parallel_loop3A_1373, %parallel_loop3A_1374] {strides = array<i32>} : memref<100x512xf32, #tpu.memory_space<vmem>>, vector<16xf32>,
      tpu.vector_store %arg11[%parallel_loop3A_1373, %parallel_loop3A_1374], %parallel_loop3A_1371 {strides = array<i32>} : memref<100x512xf32, #tpu.memory_space<vmem>>, vector<16xf32>,
      %parallel_loop3A_1376 = arith.addf %parallel_loop3A_988, %parallel_loop3A_939 : vector<16xf32>
      %parallel_loop3A_1377 = arith.constant 37 : i32
      %parallel_loop3A_1378 = arith.index_cast %parallel_loop3A_1377 : i32 to index
      %parallel_loop3A_1379 = arith.constant 0 : index
      %parallel_loop3A_1380 = tpu.vector_load %arg14[%parallel_loop3A_1378, %parallel_loop3A_1379] {strides = array<i32>} : memref<100x16xf32, #tpu.memory_space<vmem>>, vector<16xf32>,
      %parallel_loop3A_1381 = arith.addf %parallel_loop3A_1376, %parallel_loop3A_1380 : vector<16xf32>
      %parallel_loop3A_1382 = arith.constant 37 : i32
      %parallel_loop3A_1383 = arith.index_cast %parallel_loop3A_1382 : i32 to index
      %parallel_loop3A_1384 = arith.index_cast %parallel_loop3A_824 : i32 to index
      %parallel_loop3A_1385 = tpu.vector_load %arg11[%parallel_loop3A_1383, %parallel_loop3A_1384] {strides = array<i32>} : memref<100x512xf32, #tpu.memory_space<vmem>>, vector<16xf32>,
      tpu.vector_store %arg11[%parallel_loop3A_1383, %parallel_loop3A_1384], %parallel_loop3A_1381 {strides = array<i32>} : memref<100x512xf32, #tpu.memory_space<vmem>>, vector<16xf32>,
      %parallel_loop3A_1386 = arith.addf %parallel_loop3A_988, %parallel_loop3A_949 : vector<16xf32>
      %parallel_loop3A_1387 = arith.constant 38 : i32
      %parallel_loop3A_1388 = arith.index_cast %parallel_loop3A_1387 : i32 to index
      %parallel_loop3A_1389 = arith.constant 0 : index
      %parallel_loop3A_1390 = tpu.vector_load %arg14[%parallel_loop3A_1388, %parallel_loop3A_1389] {strides = array<i32>} : memref<100x16xf32, #tpu.memory_space<vmem>>, vector<16xf32>,
      %parallel_loop3A_1391 = arith.addf %parallel_loop3A_1386, %parallel_loop3A_1390 : vector<16xf32>
      %parallel_loop3A_1392 = arith.constant 38 : i32
      %parallel_loop3A_1393 = arith.index_cast %parallel_loop3A_1392 : i32 to index
      %parallel_loop3A_1394 = arith.index_cast %parallel_loop3A_824 : i32 to index
      %parallel_loop3A_1395 = tpu.vector_load %arg11[%parallel_loop3A_1393, %parallel_loop3A_1394] {strides = array<i32>} : memref<100x512xf32, #tpu.memory_space<vmem>>, vector<16xf32>,
      tpu.vector_store %arg11[%parallel_loop3A_1393, %parallel_loop3A_1394], %parallel_loop3A_1391 {strides = array<i32>} : memref<100x512xf32, #tpu.memory_space<vmem>>, vector<16xf32>,
      %parallel_loop3A_1396 = arith.addf %parallel_loop3A_988, %parallel_loop3A_954 : vector<16xf32>
      %parallel_loop3A_1397 = arith.constant 39 : i32
      %parallel_loop3A_1398 = arith.index_cast %parallel_loop3A_1397 : i32 to index
      %parallel_loop3A_1399 = arith.constant 0 : index
      %parallel_loop3A_1400 = tpu.vector_load %arg14[%parallel_loop3A_1398, %parallel_loop3A_1399] {strides = array<i32>} : memref<100x16xf32, #tpu.memory_space<vmem>>, vector<16xf32>,
      %parallel_loop3A_1401 = arith.addf %parallel_loop3A_1396, %parallel_loop3A_1400 : vector<16xf32>
      %parallel_loop3A_1402 = arith.constant 39 : i32
      %parallel_loop3A_1403 = arith.index_cast %parallel_loop3A_1402 : i32 to index
      %parallel_loop3A_1404 = arith.index_cast %parallel_loop3A_824 : i32 to index
      %parallel_loop3A_1405 = tpu.vector_load %arg11[%parallel_loop3A_1403, %parallel_loop3A_1404] {strides = array<i32>} : memref<100x512xf32, #tpu.memory_space<vmem>>, vector<16xf32>,
      tpu.vector_store %arg11[%parallel_loop3A_1403, %parallel_loop3A_1404], %parallel_loop3A_1401 {strides = array<i32>} : memref<100x512xf32, #tpu.memory_space<vmem>>, vector<16xf32>,
      %parallel_loop3A_1406 = arith.addf %parallel_loop3A_988, %parallel_loop3A_959 : vector<16xf32>
      %parallel_loop3A_1407 = arith.constant 40 : i32
      %parallel_loop3A_1408 = arith.index_cast %parallel_loop3A_1407 : i32 to index
      %parallel_loop3A_1409 = arith.constant 0 : index
      %parallel_loop3A_1410 = tpu.vector_load %arg14[%parallel_loop3A_1408, %parallel_loop3A_1409] {strides = array<i32>} : memref<100x16xf32, #tpu.memory_space<vmem>>, vector<16xf32>,
      %parallel_loop3A_1411 = arith.addf %parallel_loop3A_1406, %parallel_loop3A_1410 : vector<16xf32>
      %parallel_loop3A_1412 = arith.constant 40 : i32
      %parallel_loop3A_1413 = arith.index_cast %parallel_loop3A_1412 : i32 to index
      %parallel_loop3A_1414 = arith.index_cast %parallel_loop3A_824 : i32 to index
      %parallel_loop3A_1415 = tpu.vector_load %arg11[%parallel_loop3A_1413, %parallel_loop3A_1414] {strides = array<i32>} : memref<100x512xf32, #tpu.memory_space<vmem>>, vector<16xf32>,
      tpu.vector_store %arg11[%parallel_loop3A_1413, %parallel_loop3A_1414], %parallel_loop3A_1411 {strides = array<i32>} : memref<100x512xf32, #tpu.memory_space<vmem>>, vector<16xf32>,
      %parallel_loop3A_1416 = arith.addf %parallel_loop3A_988, %parallel_loop3A_969 : vector<16xf32>
      %parallel_loop3A_1417 = arith.constant 41 : i32
      %parallel_loop3A_1418 = arith.index_cast %parallel_loop3A_1417 : i32 to index
      %parallel_loop3A_1419 = arith.constant 0 : index
      %parallel_loop3A_1420 = tpu.vector_load %arg14[%parallel_loop3A_1418, %parallel_loop3A_1419] {strides = array<i32>} : memref<100x16xf32, #tpu.memory_space<vmem>>, vector<16xf32>,
      %parallel_loop3A_1421 = arith.addf %parallel_loop3A_1416, %parallel_loop3A_1420 : vector<16xf32>
      %parallel_loop3A_1422 = arith.constant 41 : i32
      %parallel_loop3A_1423 = arith.index_cast %parallel_loop3A_1422 : i32 to index
      %parallel_loop3A_1424 = arith.index_cast %parallel_loop3A_824 : i32 to index
      %parallel_loop3A_1425 = tpu.vector_load %arg11[%parallel_loop3A_1423, %parallel_loop3A_1424] {strides = array<i32>} : memref<100x512xf32, #tpu.memory_space<vmem>>, vector<16xf32>,
      tpu.vector_store %arg11[%parallel_loop3A_1423, %parallel_loop3A_1424], %parallel_loop3A_1421 {strides = array<i32>} : memref<100x512xf32, #tpu.memory_space<vmem>>, vector<16xf32>,
      %parallel_loop3A_1426 = arith.addf %parallel_loop3A_988, %parallel_loop3A_974 : vector<16xf32>
      %parallel_loop3A_1427 = arith.constant 42 : i32
      %parallel_loop3A_1428 = arith.index_cast %parallel_loop3A_1427 : i32 to index
      %parallel_loop3A_1429 = arith.constant 0 : index
      %parallel_loop3A_1430 = tpu.vector_load %arg14[%parallel_loop3A_1428, %parallel_loop3A_1429] {strides = array<i32>} : memref<100x16xf32, #tpu.memory_space<vmem>>, vector<16xf32>,
      %parallel_loop3A_1431 = arith.addf %parallel_loop3A_1426, %parallel_loop3A_1430 : vector<16xf32>
      %parallel_loop3A_1432 = arith.constant 42 : i32
      %parallel_loop3A_1433 = arith.index_cast %parallel_loop3A_1432 : i32 to index
      %parallel_loop3A_1434 = arith.index_cast %parallel_loop3A_824 : i32 to index
      %parallel_loop3A_1435 = tpu.vector_load %arg11[%parallel_loop3A_1433, %parallel_loop3A_1434] {strides = array<i32>} : memref<100x512xf32, #tpu.memory_space<vmem>>, vector<16xf32>,
      tpu.vector_store %arg11[%parallel_loop3A_1433, %parallel_loop3A_1434], %parallel_loop3A_1431 {strides = array<i32>} : memref<100x512xf32, #tpu.memory_space<vmem>>, vector<16xf32>,
      %parallel_loop3A_1436 = arith.addf %parallel_loop3A_988, %parallel_loop3A_979 : vector<16xf32>
      %parallel_loop3A_1437 = arith.constant 43 : i32
      %parallel_loop3A_1438 = arith.index_cast %parallel_loop3A_1437 : i32 to index
      %parallel_loop3A_1439 = arith.constant 0 : index
      %parallel_loop3A_1440 = tpu.vector_load %arg14[%parallel_loop3A_1438, %parallel_loop3A_1439] {strides = array<i32>} : memref<100x16xf32, #tpu.memory_space<vmem>>, vector<16xf32>,
      %parallel_loop3A_1441 = arith.addf %parallel_loop3A_1436, %parallel_loop3A_1440 : vector<16xf32>
      %parallel_loop3A_1442 = arith.constant 43 : i32
      %parallel_loop3A_1443 = arith.index_cast %parallel_loop3A_1442 : i32 to index
      %parallel_loop3A_1444 = arith.index_cast %parallel_loop3A_824 : i32 to index
      %parallel_loop3A_1445 = tpu.vector_load %arg11[%parallel_loop3A_1443, %parallel_loop3A_1444] {strides = array<i32>} : memref<100x512xf32, #tpu.memory_space<vmem>>, vector<16xf32>,
      tpu.vector_store %arg11[%parallel_loop3A_1443, %parallel_loop3A_1444], %parallel_loop3A_1441 {strides = array<i32>} : memref<100x512xf32, #tpu.memory_space<vmem>>, vector<16xf32>,
      %parallel_loop3A_1446 = arith.addf %parallel_loop3A_989, %parallel_loop3A_964 : vector<16xf32>
      %parallel_loop3A_1447 = arith.constant 44 : i32
      %parallel_loop3A_1448 = arith.index_cast %parallel_loop3A_1447 : i32 to index
      %parallel_loop3A_1449 = arith.constant 0 : index
      %parallel_loop3A_1450 = tpu.vector_load %arg14[%parallel_loop3A_1448, %parallel_loop3A_1449] {strides = array<i32>} : memref<100x16xf32, #tpu.memory_space<vmem>>, vector<16xf32>,
      %parallel_loop3A_1451 = arith.addf %parallel_loop3A_1446, %parallel_loop3A_1450 : vector<16xf32>
      %parallel_loop3A_1452 = arith.constant 44 : i32
      %parallel_loop3A_1453 = arith.index_cast %parallel_loop3A_1452 : i32 to index
      %parallel_loop3A_1454 = arith.index_cast %parallel_loop3A_824 : i32 to index
      %parallel_loop3A_1455 = tpu.vector_load %arg11[%parallel_loop3A_1453, %parallel_loop3A_1454] {strides = array<i32>} : memref<100x512xf32, #tpu.memory_space<vmem>>, vector<16xf32>,
      tpu.vector_store %arg11[%parallel_loop3A_1453, %parallel_loop3A_1454], %parallel_loop3A_1451 {strides = array<i32>} : memref<100x512xf32, #tpu.memory_space<vmem>>, vector<16xf32>,
      %parallel_loop3A_1456 = arith.addf %parallel_loop3A_990, %parallel_loop3A_949 : vector<16xf32>
      %parallel_loop3A_1457 = arith.constant 45 : i32
      %parallel_loop3A_1458 = arith.index_cast %parallel_loop3A_1457 : i32 to index
      %parallel_loop3A_1459 = arith.constant 0 : index
      %parallel_loop3A_1460 = tpu.vector_load %arg14[%parallel_loop3A_1458, %parallel_loop3A_1459] {strides = array<i32>} : memref<100x16xf32, #tpu.memory_space<vmem>>, vector<16xf32>,
      %parallel_loop3A_1461 = arith.addf %parallel_loop3A_1456, %parallel_loop3A_1460 : vector<16xf32>
      %parallel_loop3A_1462 = arith.constant 45 : i32
      %parallel_loop3A_1463 = arith.index_cast %parallel_loop3A_1462 : i32 to index
      %parallel_loop3A_1464 = arith.index_cast %parallel_loop3A_824 : i32 to index
      %parallel_loop3A_1465 = tpu.vector_load %arg11[%parallel_loop3A_1463, %parallel_loop3A_1464] {strides = array<i32>} : memref<100x512xf32, #tpu.memory_space<vmem>>, vector<16xf32>,
      tpu.vector_store %arg11[%parallel_loop3A_1463, %parallel_loop3A_1464], %parallel_loop3A_1461 {strides = array<i32>} : memref<100x512xf32, #tpu.memory_space<vmem>>, vector<16xf32>,
      %parallel_loop3A_1466 = arith.addf %parallel_loop3A_991, %parallel_loop3A_929 : vector<16xf32>
      %parallel_loop3A_1467 = arith.constant 46 : i32
      %parallel_loop3A_1468 = arith.index_cast %parallel_loop3A_1467 : i32 to index
      %parallel_loop3A_1469 = arith.constant 0 : index
      %parallel_loop3A_1470 = tpu.vector_load %arg14[%parallel_loop3A_1468, %parallel_loop3A_1469] {strides = array<i32>} : memref<100x16xf32, #tpu.memory_space<vmem>>, vector<16xf32>,
      %parallel_loop3A_1471 = arith.addf %parallel_loop3A_1466, %parallel_loop3A_1470 : vector<16xf32>
      %parallel_loop3A_1472 = arith.constant 46 : i32
      %parallel_loop3A_1473 = arith.index_cast %parallel_loop3A_1472 : i32 to index
      %parallel_loop3A_1474 = arith.index_cast %parallel_loop3A_824 : i32 to index
      %parallel_loop3A_1475 = tpu.vector_load %arg11[%parallel_loop3A_1473, %parallel_loop3A_1474] {strides = array<i32>} : memref<100x512xf32, #tpu.memory_space<vmem>>, vector<16xf32>,
      tpu.vector_store %arg11[%parallel_loop3A_1473, %parallel_loop3A_1474], %parallel_loop3A_1471 {strides = array<i32>} : memref<100x512xf32, #tpu.memory_space<vmem>>, vector<16xf32>,
      %parallel_loop3A_1476 = arith.addf %parallel_loop3A_991, %parallel_loop3A_934 : vector<16xf32>
      %parallel_loop3A_1477 = arith.constant 47 : i32
      %parallel_loop3A_1478 = arith.index_cast %parallel_loop3A_1477 : i32 to index
      %parallel_loop3A_1479 = arith.constant 0 : index
      %parallel_loop3A_1480 = tpu.vector_load %arg14[%parallel_loop3A_1478, %parallel_loop3A_1479] {strides = array<i32>} : memref<100x16xf32, #tpu.memory_space<vmem>>, vector<16xf32>,
      %parallel_loop3A_1481 = arith.addf %parallel_loop3A_1476, %parallel_loop3A_1480 : vector<16xf32>
      %parallel_loop3A_1482 = arith.constant 47 : i32
      %parallel_loop3A_1483 = arith.index_cast %parallel_loop3A_1482 : i32 to index
      %parallel_loop3A_1484 = arith.index_cast %parallel_loop3A_824 : i32 to index
      %parallel_loop3A_1485 = tpu.vector_load %arg11[%parallel_loop3A_1483, %parallel_loop3A_1484] {strides = array<i32>} : memref<100x512xf32, #tpu.memory_space<vmem>>, vector<16xf32>,
      tpu.vector_store %arg11[%parallel_loop3A_1483, %parallel_loop3A_1484], %parallel_loop3A_1481 {strides = array<i32>} : memref<100x512xf32, #tpu.memory_space<vmem>>, vector<16xf32>,
      %parallel_loop3A_1486 = arith.addf %parallel_loop3A_991, %parallel_loop3A_939 : vector<16xf32>
      %parallel_loop3A_1487 = arith.constant 48 : i32
      %parallel_loop3A_1488 = arith.index_cast %parallel_loop3A_1487 : i32 to index
      %parallel_loop3A_1489 = arith.constant 0 : index
      %parallel_loop3A_1490 = tpu.vector_load %arg14[%parallel_loop3A_1488, %parallel_loop3A_1489] {strides = array<i32>} : memref<100x16xf32, #tpu.memory_space<vmem>>, vector<16xf32>,
      %parallel_loop3A_1491 = arith.addf %parallel_loop3A_1486, %parallel_loop3A_1490 : vector<16xf32>
      %parallel_loop3A_1492 = arith.constant 48 : i32
      %parallel_loop3A_1493 = arith.index_cast %parallel_loop3A_1492 : i32 to index
      %parallel_loop3A_1494 = arith.index_cast %parallel_loop3A_824 : i32 to index
      %parallel_loop3A_1495 = tpu.vector_load %arg11[%parallel_loop3A_1493, %parallel_loop3A_1494] {strides = array<i32>} : memref<100x512xf32, #tpu.memory_space<vmem>>, vector<16xf32>,
      tpu.vector_store %arg11[%parallel_loop3A_1493, %parallel_loop3A_1494], %parallel_loop3A_1491 {strides = array<i32>} : memref<100x512xf32, #tpu.memory_space<vmem>>, vector<16xf32>,
      %parallel_loop3A_1496 = arith.addf %parallel_loop3A_991, %parallel_loop3A_949 : vector<16xf32>
      %parallel_loop3A_1497 = arith.constant 49 : i32
      %parallel_loop3A_1498 = arith.index_cast %parallel_loop3A_1497 : i32 to index
      %parallel_loop3A_1499 = arith.constant 0 : index
      %parallel_loop3A_1500 = tpu.vector_load %arg14[%parallel_loop3A_1498, %parallel_loop3A_1499] {strides = array<i32>} : memref<100x16xf32, #tpu.memory_space<vmem>>, vector<16xf32>,
      %parallel_loop3A_1501 = arith.addf %parallel_loop3A_1496, %parallel_loop3A_1500 : vector<16xf32>
      %parallel_loop3A_1502 = arith.constant 49 : i32
      %parallel_loop3A_1503 = arith.index_cast %parallel_loop3A_1502 : i32 to index
      %parallel_loop3A_1504 = arith.index_cast %parallel_loop3A_824 : i32 to index
      %parallel_loop3A_1505 = tpu.vector_load %arg11[%parallel_loop3A_1503, %parallel_loop3A_1504] {strides = array<i32>} : memref<100x512xf32, #tpu.memory_space<vmem>>, vector<16xf32>,
      tpu.vector_store %arg11[%parallel_loop3A_1503, %parallel_loop3A_1504], %parallel_loop3A_1501 {strides = array<i32>} : memref<100x512xf32, #tpu.memory_space<vmem>>, vector<16xf32>,
      %parallel_loop3A_1506 = arith.addf %parallel_loop3A_991, %parallel_loop3A_954 : vector<16xf32>
      %parallel_loop3A_1507 = arith.constant 50 : i32
      %parallel_loop3A_1508 = arith.index_cast %parallel_loop3A_1507 : i32 to index
      %parallel_loop3A_1509 = arith.constant 0 : index
      %parallel_loop3A_1510 = tpu.vector_load %arg14[%parallel_loop3A_1508, %parallel_loop3A_1509] {strides = array<i32>} : memref<100x16xf32, #tpu.memory_space<vmem>>, vector<16xf32>,
      %parallel_loop3A_1511 = arith.addf %parallel_loop3A_1506, %parallel_loop3A_1510 : vector<16xf32>
      %parallel_loop3A_1512 = arith.constant 50 : i32
      %parallel_loop3A_1513 = arith.index_cast %parallel_loop3A_1512 : i32 to index
      %parallel_loop3A_1514 = arith.index_cast %parallel_loop3A_824 : i32 to index
      %parallel_loop3A_1515 = tpu.vector_load %arg11[%parallel_loop3A_1513, %parallel_loop3A_1514] {strides = array<i32>} : memref<100x512xf32, #tpu.memory_space<vmem>>, vector<16xf32>,
      tpu.vector_store %arg11[%parallel_loop3A_1513, %parallel_loop3A_1514], %parallel_loop3A_1511 {strides = array<i32>} : memref<100x512xf32, #tpu.memory_space<vmem>>, vector<16xf32>,
      %parallel_loop3A_1516 = arith.addf %parallel_loop3A_991, %parallel_loop3A_959 : vector<16xf32>
      %parallel_loop3A_1517 = arith.constant 51 : i32
      %parallel_loop3A_1518 = arith.index_cast %parallel_loop3A_1517 : i32 to index
      %parallel_loop3A_1519 = arith.constant 0 : index
      %parallel_loop3A_1520 = tpu.vector_load %arg14[%parallel_loop3A_1518, %parallel_loop3A_1519] {strides = array<i32>} : memref<100x16xf32, #tpu.memory_space<vmem>>, vector<16xf32>,
      %parallel_loop3A_1521 = arith.addf %parallel_loop3A_1516, %parallel_loop3A_1520 : vector<16xf32>
      %parallel_loop3A_1522 = arith.constant 51 : i32
      %parallel_loop3A_1523 = arith.index_cast %parallel_loop3A_1522 : i32 to index
      %parallel_loop3A_1524 = arith.index_cast %parallel_loop3A_824 : i32 to index
      %parallel_loop3A_1525 = tpu.vector_load %arg11[%parallel_loop3A_1523, %parallel_loop3A_1524] {strides = array<i32>} : memref<100x512xf32, #tpu.memory_space<vmem>>, vector<16xf32>,
      tpu.vector_store %arg11[%parallel_loop3A_1523, %parallel_loop3A_1524], %parallel_loop3A_1521 {strides = array<i32>} : memref<100x512xf32, #tpu.memory_space<vmem>>, vector<16xf32>,
      %parallel_loop3A_1526 = arith.addf %parallel_loop3A_991, %parallel_loop3A_969 : vector<16xf32>
      %parallel_loop3A_1527 = arith.constant 52 : i32
      %parallel_loop3A_1528 = arith.index_cast %parallel_loop3A_1527 : i32 to index
      %parallel_loop3A_1529 = arith.constant 0 : index
      %parallel_loop3A_1530 = tpu.vector_load %arg14[%parallel_loop3A_1528, %parallel_loop3A_1529] {strides = array<i32>} : memref<100x16xf32, #tpu.memory_space<vmem>>, vector<16xf32>,
      %parallel_loop3A_1531 = arith.addf %parallel_loop3A_1526, %parallel_loop3A_1530 : vector<16xf32>
      %parallel_loop3A_1532 = arith.constant 52 : i32
      %parallel_loop3A_1533 = arith.index_cast %parallel_loop3A_1532 : i32 to index
      %parallel_loop3A_1534 = arith.index_cast %parallel_loop3A_824 : i32 to index
      %parallel_loop3A_1535 = tpu.vector_load %arg11[%parallel_loop3A_1533, %parallel_loop3A_1534] {strides = array<i32>} : memref<100x512xf32, #tpu.memory_space<vmem>>, vector<16xf32>,
      tpu.vector_store %arg11[%parallel_loop3A_1533, %parallel_loop3A_1534], %parallel_loop3A_1531 {strides = array<i32>} : memref<100x512xf32, #tpu.memory_space<vmem>>, vector<16xf32>,
      %parallel_loop3A_1536 = arith.addf %parallel_loop3A_991, %parallel_loop3A_974 : vector<16xf32>
      %parallel_loop3A_1537 = arith.constant 53 : i32
      %parallel_loop3A_1538 = arith.index_cast %parallel_loop3A_1537 : i32 to index
      %parallel_loop3A_1539 = arith.constant 0 : index
      %parallel_loop3A_1540 = tpu.vector_load %arg14[%parallel_loop3A_1538, %parallel_loop3A_1539] {strides = array<i32>} : memref<100x16xf32, #tpu.memory_space<vmem>>, vector<16xf32>,
      %parallel_loop3A_1541 = arith.addf %parallel_loop3A_1536, %parallel_loop3A_1540 : vector<16xf32>
      %parallel_loop3A_1542 = arith.constant 53 : i32
      %parallel_loop3A_1543 = arith.index_cast %parallel_loop3A_1542 : i32 to index
      %parallel_loop3A_1544 = arith.index_cast %parallel_loop3A_824 : i32 to index
      %parallel_loop3A_1545 = tpu.vector_load %arg11[%parallel_loop3A_1543, %parallel_loop3A_1544] {strides = array<i32>} : memref<100x512xf32, #tpu.memory_space<vmem>>, vector<16xf32>,
      tpu.vector_store %arg11[%parallel_loop3A_1543, %parallel_loop3A_1544], %parallel_loop3A_1541 {strides = array<i32>} : memref<100x512xf32, #tpu.memory_space<vmem>>, vector<16xf32>,
      %parallel_loop3A_1546 = arith.addf %parallel_loop3A_992, %parallel_loop3A_919 : vector<16xf32>
      %parallel_loop3A_1547 = arith.constant 54 : i32
      %parallel_loop3A_1548 = arith.index_cast %parallel_loop3A_1547 : i32 to index
      %parallel_loop3A_1549 = arith.constant 0 : index
      %parallel_loop3A_1550 = tpu.vector_load %arg14[%parallel_loop3A_1548, %parallel_loop3A_1549] {strides = array<i32>} : memref<100x16xf32, #tpu.memory_space<vmem>>, vector<16xf32>,
      %parallel_loop3A_1551 = arith.addf %parallel_loop3A_1546, %parallel_loop3A_1550 : vector<16xf32>
      %parallel_loop3A_1552 = arith.constant 54 : i32
      %parallel_loop3A_1553 = arith.index_cast %parallel_loop3A_1552 : i32 to index
      %parallel_loop3A_1554 = arith.index_cast %parallel_loop3A_824 : i32 to index
      %parallel_loop3A_1555 = tpu.vector_load %arg11[%parallel_loop3A_1553, %parallel_loop3A_1554] {strides = array<i32>} : memref<100x512xf32, #tpu.memory_space<vmem>>, vector<16xf32>,
      tpu.vector_store %arg11[%parallel_loop3A_1553, %parallel_loop3A_1554], %parallel_loop3A_1551 {strides = array<i32>} : memref<100x512xf32, #tpu.memory_space<vmem>>, vector<16xf32>,
      %parallel_loop3A_1556 = arith.addf %parallel_loop3A_992, %parallel_loop3A_924 : vector<16xf32>
      %parallel_loop3A_1557 = arith.constant 55 : i32
      %parallel_loop3A_1558 = arith.index_cast %parallel_loop3A_1557 : i32 to index
      %parallel_loop3A_1559 = arith.constant 0 : index
      %parallel_loop3A_1560 = tpu.vector_load %arg14[%parallel_loop3A_1558, %parallel_loop3A_1559] {strides = array<i32>} : memref<100x16xf32, #tpu.memory_space<vmem>>, vector<16xf32>,
      %parallel_loop3A_1561 = arith.addf %parallel_loop3A_1556, %parallel_loop3A_1560 : vector<16xf32>
      %parallel_loop3A_1562 = arith.constant 55 : i32
      %parallel_loop3A_1563 = arith.index_cast %parallel_loop3A_1562 : i32 to index
      %parallel_loop3A_1564 = arith.index_cast %parallel_loop3A_824 : i32 to index
      %parallel_loop3A_1565 = tpu.vector_load %arg11[%parallel_loop3A_1563, %parallel_loop3A_1564] {strides = array<i32>} : memref<100x512xf32, #tpu.memory_space<vmem>>, vector<16xf32>,
      tpu.vector_store %arg11[%parallel_loop3A_1563, %parallel_loop3A_1564], %parallel_loop3A_1561 {strides = array<i32>} : memref<100x512xf32, #tpu.memory_space<vmem>>, vector<16xf32>,
      %parallel_loop3A_1566 = arith.addf %parallel_loop3A_992, %parallel_loop3A_929 : vector<16xf32>
      %parallel_loop3A_1567 = arith.constant 56 : i32
      %parallel_loop3A_1568 = arith.index_cast %parallel_loop3A_1567 : i32 to index
      %parallel_loop3A_1569 = arith.constant 0 : index
      %parallel_loop3A_1570 = tpu.vector_load %arg14[%parallel_loop3A_1568, %parallel_loop3A_1569] {strides = array<i32>} : memref<100x16xf32, #tpu.memory_space<vmem>>, vector<16xf32>,
      %parallel_loop3A_1571 = arith.addf %parallel_loop3A_1566, %parallel_loop3A_1570 : vector<16xf32>
      %parallel_loop3A_1572 = arith.constant 56 : i32
      %parallel_loop3A_1573 = arith.index_cast %parallel_loop3A_1572 : i32 to index
      %parallel_loop3A_1574 = arith.index_cast %parallel_loop3A_824 : i32 to index
      %parallel_loop3A_1575 = tpu.vector_load %arg11[%parallel_loop3A_1573, %parallel_loop3A_1574] {strides = array<i32>} : memref<100x512xf32, #tpu.memory_space<vmem>>, vector<16xf32>,
      tpu.vector_store %arg11[%parallel_loop3A_1573, %parallel_loop3A_1574], %parallel_loop3A_1571 {strides = array<i32>} : memref<100x512xf32, #tpu.memory_space<vmem>>, vector<16xf32>,
      %parallel_loop3A_1576 = arith.addf %parallel_loop3A_992, %parallel_loop3A_934 : vector<16xf32>
      %parallel_loop3A_1577 = arith.constant 57 : i32
      %parallel_loop3A_1578 = arith.index_cast %parallel_loop3A_1577 : i32 to index
      %parallel_loop3A_1579 = arith.constant 0 : index
      %parallel_loop3A_1580 = tpu.vector_load %arg14[%parallel_loop3A_1578, %parallel_loop3A_1579] {strides = array<i32>} : memref<100x16xf32, #tpu.memory_space<vmem>>, vector<16xf32>,
      %parallel_loop3A_1581 = arith.addf %parallel_loop3A_1576, %parallel_loop3A_1580 : vector<16xf32>
      %parallel_loop3A_1582 = arith.constant 57 : i32
      %parallel_loop3A_1583 = arith.index_cast %parallel_loop3A_1582 : i32 to index
      %parallel_loop3A_1584 = arith.index_cast %parallel_loop3A_824 : i32 to index
      %parallel_loop3A_1585 = tpu.vector_load %arg11[%parallel_loop3A_1583, %parallel_loop3A_1584] {strides = array<i32>} : memref<100x512xf32, #tpu.memory_space<vmem>>, vector<16xf32>,
      tpu.vector_store %arg11[%parallel_loop3A_1583, %parallel_loop3A_1584], %parallel_loop3A_1581 {strides = array<i32>} : memref<100x512xf32, #tpu.memory_space<vmem>>, vector<16xf32>,
      %parallel_loop3A_1586 = arith.addf %parallel_loop3A_992, %parallel_loop3A_939 : vector<16xf32>
      %parallel_loop3A_1587 = arith.constant 58 : i32
      %parallel_loop3A_1588 = arith.index_cast %parallel_loop3A_1587 : i32 to index
      %parallel_loop3A_1589 = arith.constant 0 : index
      %parallel_loop3A_1590 = tpu.vector_load %arg14[%parallel_loop3A_1588, %parallel_loop3A_1589] {strides = array<i32>} : memref<100x16xf32, #tpu.memory_space<vmem>>, vector<16xf32>,
      %parallel_loop3A_1591 = arith.addf %parallel_loop3A_1586, %parallel_loop3A_1590 : vector<16xf32>
      %parallel_loop3A_1592 = arith.constant 58 : i32
      %parallel_loop3A_1593 = arith.index_cast %parallel_loop3A_1592 : i32 to index
      %parallel_loop3A_1594 = arith.index_cast %parallel_loop3A_824 : i32 to index
      %parallel_loop3A_1595 = tpu.vector_load %arg11[%parallel_loop3A_1593, %parallel_loop3A_1594] {strides = array<i32>} : memref<100x512xf32, #tpu.memory_space<vmem>>, vector<16xf32>,
      tpu.vector_store %arg11[%parallel_loop3A_1593, %parallel_loop3A_1594], %parallel_loop3A_1591 {strides = array<i32>} : memref<100x512xf32, #tpu.memory_space<vmem>>, vector<16xf32>,
      %parallel_loop3A_1596 = arith.addf %parallel_loop3A_992, %parallel_loop3A_949 : vector<16xf32>
      %parallel_loop3A_1597 = arith.constant 59 : i32
      %parallel_loop3A_1598 = arith.index_cast %parallel_loop3A_1597 : i32 to index
      %parallel_loop3A_1599 = arith.constant 0 : index
      %parallel_loop3A_1600 = tpu.vector_load %arg14[%parallel_loop3A_1598, %parallel_loop3A_1599] {strides = array<i32>} : memref<100x16xf32, #tpu.memory_space<vmem>>, vector<16xf32>,
      %parallel_loop3A_1601 = arith.addf %parallel_loop3A_1596, %parallel_loop3A_1600 : vector<16xf32>
      %parallel_loop3A_1602 = arith.constant 59 : i32
      %parallel_loop3A_1603 = arith.index_cast %parallel_loop3A_1602 : i32 to index
      %parallel_loop3A_1604 = arith.index_cast %parallel_loop3A_824 : i32 to index
      %parallel_loop3A_1605 = tpu.vector_load %arg11[%parallel_loop3A_1603, %parallel_loop3A_1604] {strides = array<i32>} : memref<100x512xf32, #tpu.memory_space<vmem>>, vector<16xf32>,
      tpu.vector_store %arg11[%parallel_loop3A_1603, %parallel_loop3A_1604], %parallel_loop3A_1601 {strides = array<i32>} : memref<100x512xf32, #tpu.memory_space<vmem>>, vector<16xf32>,
      %parallel_loop3A_1606 = arith.addf %parallel_loop3A_992, %parallel_loop3A_959 : vector<16xf32>
      %parallel_loop3A_1607 = arith.constant 60 : i32
      %parallel_loop3A_1608 = arith.index_cast %parallel_loop3A_1607 : i32 to index
      %parallel_loop3A_1609 = arith.constant 0 : index
      %parallel_loop3A_1610 = tpu.vector_load %arg14[%parallel_loop3A_1608, %parallel_loop3A_1609] {strides = array<i32>} : memref<100x16xf32, #tpu.memory_space<vmem>>, vector<16xf32>,
      %parallel_loop3A_1611 = arith.addf %parallel_loop3A_1606, %parallel_loop3A_1610 : vector<16xf32>
      %parallel_loop3A_1612 = arith.constant 60 : i32
      %parallel_loop3A_1613 = arith.index_cast %parallel_loop3A_1612 : i32 to index
      %parallel_loop3A_1614 = arith.index_cast %parallel_loop3A_824 : i32 to index
      %parallel_loop3A_1615 = tpu.vector_load %arg11[%parallel_loop3A_1613, %parallel_loop3A_1614] {strides = array<i32>} : memref<100x512xf32, #tpu.memory_space<vmem>>, vector<16xf32>,
      tpu.vector_store %arg11[%parallel_loop3A_1613, %parallel_loop3A_1614], %parallel_loop3A_1611 {strides = array<i32>} : memref<100x512xf32, #tpu.memory_space<vmem>>, vector<16xf32>,
      %parallel_loop3A_1616 = arith.addf %parallel_loop3A_992, %parallel_loop3A_969 : vector<16xf32>
      %parallel_loop3A_1617 = arith.constant 61 : i32
      %parallel_loop3A_1618 = arith.index_cast %parallel_loop3A_1617 : i32 to index
      %parallel_loop3A_1619 = arith.constant 0 : index
      %parallel_loop3A_1620 = tpu.vector_load %arg14[%parallel_loop3A_1618, %parallel_loop3A_1619] {strides = array<i32>} : memref<100x16xf32, #tpu.memory_space<vmem>>, vector<16xf32>,
      %parallel_loop3A_1621 = arith.addf %parallel_loop3A_1616, %parallel_loop3A_1620 : vector<16xf32>
      %parallel_loop3A_1622 = arith.constant 61 : i32
      %parallel_loop3A_1623 = arith.index_cast %parallel_loop3A_1622 : i32 to index
      %parallel_loop3A_1624 = arith.index_cast %parallel_loop3A_824 : i32 to index
      %parallel_loop3A_1625 = tpu.vector_load %arg11[%parallel_loop3A_1623, %parallel_loop3A_1624] {strides = array<i32>} : memref<100x512xf32, #tpu.memory_space<vmem>>, vector<16xf32>,
      tpu.vector_store %arg11[%parallel_loop3A_1623, %parallel_loop3A_1624], %parallel_loop3A_1621 {strides = array<i32>} : memref<100x512xf32, #tpu.memory_space<vmem>>, vector<16xf32>,
      %parallel_loop3A_1626 = arith.addf %parallel_loop3A_993, %parallel_loop3A_919 : vector<16xf32>
      %parallel_loop3A_1627 = arith.constant 62 : i32
      %parallel_loop3A_1628 = arith.index_cast %parallel_loop3A_1627 : i32 to index
      %parallel_loop3A_1629 = arith.constant 0 : index
      %parallel_loop3A_1630 = tpu.vector_load %arg14[%parallel_loop3A_1628, %parallel_loop3A_1629] {strides = array<i32>} : memref<100x16xf32, #tpu.memory_space<vmem>>, vector<16xf32>,
      %parallel_loop3A_1631 = arith.addf %parallel_loop3A_1626, %parallel_loop3A_1630 : vector<16xf32>
      %parallel_loop3A_1632 = arith.constant 62 : i32
      %parallel_loop3A_1633 = arith.index_cast %parallel_loop3A_1632 : i32 to index
      %parallel_loop3A_1634 = arith.index_cast %parallel_loop3A_824 : i32 to index
      %parallel_loop3A_1635 = tpu.vector_load %arg11[%parallel_loop3A_1633, %parallel_loop3A_1634] {strides = array<i32>} : memref<100x512xf32, #tpu.memory_space<vmem>>, vector<16xf32>,
      tpu.vector_store %arg11[%parallel_loop3A_1633, %parallel_loop3A_1634], %parallel_loop3A_1631 {strides = array<i32>} : memref<100x512xf32, #tpu.memory_space<vmem>>, vector<16xf32>,
      %parallel_loop3A_1636 = arith.addf %parallel_loop3A_993, %parallel_loop3A_974 : vector<16xf32>
      %parallel_loop3A_1637 = arith.constant 63 : i32
      %parallel_loop3A_1638 = arith.index_cast %parallel_loop3A_1637 : i32 to index
      %parallel_loop3A_1639 = arith.constant 0 : index
      %parallel_loop3A_1640 = tpu.vector_load %arg14[%parallel_loop3A_1638, %parallel_loop3A_1639] {strides = array<i32>} : memref<100x16xf32, #tpu.memory_space<vmem>>, vector<16xf32>,
      %parallel_loop3A_1641 = arith.addf %parallel_loop3A_1636, %parallel_loop3A_1640 : vector<16xf32>
      %parallel_loop3A_1642 = arith.constant 63 : i32
      %parallel_loop3A_1643 = arith.index_cast %parallel_loop3A_1642 : i32 to index
      %parallel_loop3A_1644 = arith.index_cast %parallel_loop3A_824 : i32 to index
      %parallel_loop3A_1645 = tpu.vector_load %arg11[%parallel_loop3A_1643, %parallel_loop3A_1644] {strides = array<i32>} : memref<100x512xf32, #tpu.memory_space<vmem>>, vector<16xf32>,
      tpu.vector_store %arg11[%parallel_loop3A_1643, %parallel_loop3A_1644], %parallel_loop3A_1641 {strides = array<i32>} : memref<100x512xf32, #tpu.memory_space<vmem>>, vector<16xf32>,
      %parallel_loop3A_1646 = arith.addf %parallel_loop3A_994, %parallel_loop3A_919 : vector<16xf32>
      %parallel_loop3A_1647 = arith.constant 64 : i32
      %parallel_loop3A_1648 = arith.index_cast %parallel_loop3A_1647 : i32 to index
      %parallel_loop3A_1649 = arith.constant 0 : index
      %parallel_loop3A_1650 = tpu.vector_load %arg14[%parallel_loop3A_1648, %parallel_loop3A_1649] {strides = array<i32>} : memref<100x16xf32, #tpu.memory_space<vmem>>, vector<16xf32>,
      %parallel_loop3A_1651 = arith.addf %parallel_loop3A_1646, %parallel_loop3A_1650 : vector<16xf32>
      %parallel_loop3A_1652 = arith.constant 64 : i32
      %parallel_loop3A_1653 = arith.index_cast %parallel_loop3A_1652 : i32 to index
      %parallel_loop3A_1654 = arith.index_cast %parallel_loop3A_824 : i32 to index
      %parallel_loop3A_1655 = tpu.vector_load %arg11[%parallel_loop3A_1653, %parallel_loop3A_1654] {strides = array<i32>} : memref<100x512xf32, #tpu.memory_space<vmem>>, vector<16xf32>,
      tpu.vector_store %arg11[%parallel_loop3A_1653, %parallel_loop3A_1654], %parallel_loop3A_1651 {strides = array<i32>} : memref<100x512xf32, #tpu.memory_space<vmem>>, vector<16xf32>,
      %parallel_loop3A_1656 = arith.addf %parallel_loop3A_994, %parallel_loop3A_924 : vector<16xf32>
      %parallel_loop3A_1657 = arith.constant 65 : i32
      %parallel_loop3A_1658 = arith.index_cast %parallel_loop3A_1657 : i32 to index
      %parallel_loop3A_1659 = arith.constant 0 : index
      %parallel_loop3A_1660 = tpu.vector_load %arg14[%parallel_loop3A_1658, %parallel_loop3A_1659] {strides = array<i32>} : memref<100x16xf32, #tpu.memory_space<vmem>>, vector<16xf32>,
      %parallel_loop3A_1661 = arith.addf %parallel_loop3A_1656, %parallel_loop3A_1660 : vector<16xf32>
      %parallel_loop3A_1662 = arith.constant 65 : i32
      %parallel_loop3A_1663 = arith.index_cast %parallel_loop3A_1662 : i32 to index
      %parallel_loop3A_1664 = arith.index_cast %parallel_loop3A_824 : i32 to index
      %parallel_loop3A_1665 = tpu.vector_load %arg11[%parallel_loop3A_1663, %parallel_loop3A_1664] {strides = array<i32>} : memref<100x512xf32, #tpu.memory_space<vmem>>, vector<16xf32>,
      tpu.vector_store %arg11[%parallel_loop3A_1663, %parallel_loop3A_1664], %parallel_loop3A_1661 {strides = array<i32>} : memref<100x512xf32, #tpu.memory_space<vmem>>, vector<16xf32>,
      %parallel_loop3A_1666 = arith.addf %parallel_loop3A_994, %parallel_loop3A_929 : vector<16xf32>
      %parallel_loop3A_1667 = arith.constant 66 : i32
      %parallel_loop3A_1668 = arith.index_cast %parallel_loop3A_1667 : i32 to index
      %parallel_loop3A_1669 = arith.constant 0 : index
      %parallel_loop3A_1670 = tpu.vector_load %arg14[%parallel_loop3A_1668, %parallel_loop3A_1669] {strides = array<i32>} : memref<100x16xf32, #tpu.memory_space<vmem>>, vector<16xf32>,
      %parallel_loop3A_1671 = arith.addf %parallel_loop3A_1666, %parallel_loop3A_1670 : vector<16xf32>
      %parallel_loop3A_1672 = arith.constant 66 : i32
      %parallel_loop3A_1673 = arith.index_cast %parallel_loop3A_1672 : i32 to index
      %parallel_loop3A_1674 = arith.index_cast %parallel_loop3A_824 : i32 to index
      %parallel_loop3A_1675 = tpu.vector_load %arg11[%parallel_loop3A_1673, %parallel_loop3A_1674] {strides = array<i32>} : memref<100x512xf32, #tpu.memory_space<vmem>>, vector<16xf32>,
      tpu.vector_store %arg11[%parallel_loop3A_1673, %parallel_loop3A_1674], %parallel_loop3A_1671 {strides = array<i32>} : memref<100x512xf32, #tpu.memory_space<vmem>>, vector<16xf32>,
      %parallel_loop3A_1676 = arith.addf %parallel_loop3A_994, %parallel_loop3A_939 : vector<16xf32>
      %parallel_loop3A_1677 = arith.constant 67 : i32
      %parallel_loop3A_1678 = arith.index_cast %parallel_loop3A_1677 : i32 to index
      %parallel_loop3A_1679 = arith.constant 0 : index
      %parallel_loop3A_1680 = tpu.vector_load %arg14[%parallel_loop3A_1678, %parallel_loop3A_1679] {strides = array<i32>} : memref<100x16xf32, #tpu.memory_space<vmem>>, vector<16xf32>,
      %parallel_loop3A_1681 = arith.addf %parallel_loop3A_1676, %parallel_loop3A_1680 : vector<16xf32>
      %parallel_loop3A_1682 = arith.constant 67 : i32
      %parallel_loop3A_1683 = arith.index_cast %parallel_loop3A_1682 : i32 to index
      %parallel_loop3A_1684 = arith.index_cast %parallel_loop3A_824 : i32 to index
      %parallel_loop3A_1685 = tpu.vector_load %arg11[%parallel_loop3A_1683, %parallel_loop3A_1684] {strides = array<i32>} : memref<100x512xf32, #tpu.memory_space<vmem>>, vector<16xf32>,
      tpu.vector_store %arg11[%parallel_loop3A_1683, %parallel_loop3A_1684], %parallel_loop3A_1681 {strides = array<i32>} : memref<100x512xf32, #tpu.memory_space<vmem>>, vector<16xf32>,
      %parallel_loop3A_1686 = arith.addf %parallel_loop3A_994, %parallel_loop3A_949 : vector<16xf32>
      %parallel_loop3A_1687 = arith.constant 68 : i32
      %parallel_loop3A_1688 = arith.index_cast %parallel_loop3A_1687 : i32 to index
      %parallel_loop3A_1689 = arith.constant 0 : index
      %parallel_loop3A_1690 = tpu.vector_load %arg14[%parallel_loop3A_1688, %parallel_loop3A_1689] {strides = array<i32>} : memref<100x16xf32, #tpu.memory_space<vmem>>, vector<16xf32>,
      %parallel_loop3A_1691 = arith.addf %parallel_loop3A_1686, %parallel_loop3A_1690 : vector<16xf32>
      %parallel_loop3A_1692 = arith.constant 68 : i32
      %parallel_loop3A_1693 = arith.index_cast %parallel_loop3A_1692 : i32 to index
      %parallel_loop3A_1694 = arith.index_cast %parallel_loop3A_824 : i32 to index
      %parallel_loop3A_1695 = tpu.vector_load %arg11[%parallel_loop3A_1693, %parallel_loop3A_1694] {strides = array<i32>} : memref<100x512xf32, #tpu.memory_space<vmem>>, vector<16xf32>,
      tpu.vector_store %arg11[%parallel_loop3A_1693, %parallel_loop3A_1694], %parallel_loop3A_1691 {strides = array<i32>} : memref<100x512xf32, #tpu.memory_space<vmem>>, vector<16xf32>,
      %parallel_loop3A_1696 = arith.addf %parallel_loop3A_994, %parallel_loop3A_969 : vector<16xf32>
      %parallel_loop3A_1697 = arith.constant 69 : i32
      %parallel_loop3A_1698 = arith.index_cast %parallel_loop3A_1697 : i32 to index
      %parallel_loop3A_1699 = arith.constant 0 : index
      %parallel_loop3A_1700 = tpu.vector_load %arg14[%parallel_loop3A_1698, %parallel_loop3A_1699] {strides = array<i32>} : memref<100x16xf32, #tpu.memory_space<vmem>>, vector<16xf32>,
      %parallel_loop3A_1701 = arith.addf %parallel_loop3A_1696, %parallel_loop3A_1700 : vector<16xf32>
      %parallel_loop3A_1702 = arith.constant 69 : i32
      %parallel_loop3A_1703 = arith.index_cast %parallel_loop3A_1702 : i32 to index
      %parallel_loop3A_1704 = arith.index_cast %parallel_loop3A_824 : i32 to index
      %parallel_loop3A_1705 = tpu.vector_load %arg11[%parallel_loop3A_1703, %parallel_loop3A_1704] {strides = array<i32>} : memref<100x512xf32, #tpu.memory_space<vmem>>, vector<16xf32>,
      tpu.vector_store %arg11[%parallel_loop3A_1703, %parallel_loop3A_1704], %parallel_loop3A_1701 {strides = array<i32>} : memref<100x512xf32, #tpu.memory_space<vmem>>, vector<16xf32>,
      %parallel_loop3A_1706 = arith.addf %parallel_loop3A_994, %parallel_loop3A_974 : vector<16xf32>
      %parallel_loop3A_1707 = arith.constant 70 : i32
      %parallel_loop3A_1708 = arith.index_cast %parallel_loop3A_1707 : i32 to index
      %parallel_loop3A_1709 = arith.constant 0 : index
      %parallel_loop3A_1710 = tpu.vector_load %arg14[%parallel_loop3A_1708, %parallel_loop3A_1709] {strides = array<i32>} : memref<100x16xf32, #tpu.memory_space<vmem>>, vector<16xf32>,
      %parallel_loop3A_1711 = arith.addf %parallel_loop3A_1706, %parallel_loop3A_1710 : vector<16xf32>
      %parallel_loop3A_1712 = arith.constant 70 : i32
      %parallel_loop3A_1713 = arith.index_cast %parallel_loop3A_1712 : i32 to index
      %parallel_loop3A_1714 = arith.index_cast %parallel_loop3A_824 : i32 to index
      %parallel_loop3A_1715 = tpu.vector_load %arg11[%parallel_loop3A_1713, %parallel_loop3A_1714] {strides = array<i32>} : memref<100x512xf32, #tpu.memory_space<vmem>>, vector<16xf32>,
      tpu.vector_store %arg11[%parallel_loop3A_1713, %parallel_loop3A_1714], %parallel_loop3A_1711 {strides = array<i32>} : memref<100x512xf32, #tpu.memory_space<vmem>>, vector<16xf32>,
      %parallel_loop3A_1716 = arith.addf %parallel_loop3A_995, %parallel_loop3A_964 : vector<16xf32>
      %parallel_loop3A_1717 = arith.constant 71 : i32
      %parallel_loop3A_1718 = arith.index_cast %parallel_loop3A_1717 : i32 to index
      %parallel_loop3A_1719 = arith.constant 0 : index
      %parallel_loop3A_1720 = tpu.vector_load %arg14[%parallel_loop3A_1718, %parallel_loop3A_1719] {strides = array<i32>} : memref<100x16xf32, #tpu.memory_space<vmem>>, vector<16xf32>,
      %parallel_loop3A_1721 = arith.addf %parallel_loop3A_1716, %parallel_loop3A_1720 : vector<16xf32>
      %parallel_loop3A_1722 = arith.constant 71 : i32
      %parallel_loop3A_1723 = arith.index_cast %parallel_loop3A_1722 : i32 to index
      %parallel_loop3A_1724 = arith.index_cast %parallel_loop3A_824 : i32 to index
      %parallel_loop3A_1725 = tpu.vector_load %arg11[%parallel_loop3A_1723, %parallel_loop3A_1724] {strides = array<i32>} : memref<100x512xf32, #tpu.memory_space<vmem>>, vector<16xf32>,
      tpu.vector_store %arg11[%parallel_loop3A_1723, %parallel_loop3A_1724], %parallel_loop3A_1721 {strides = array<i32>} : memref<100x512xf32, #tpu.memory_space<vmem>>, vector<16xf32>,
      %parallel_loop3A_1726 = arith.addf %parallel_loop3A_996, %parallel_loop3A_949 : vector<16xf32>
      %parallel_loop3A_1727 = arith.constant 72 : i32
      %parallel_loop3A_1728 = arith.index_cast %parallel_loop3A_1727 : i32 to index
      %parallel_loop3A_1729 = arith.constant 0 : index
      %parallel_loop3A_1730 = tpu.vector_load %arg14[%parallel_loop3A_1728, %parallel_loop3A_1729] {strides = array<i32>} : memref<100x16xf32, #tpu.memory_space<vmem>>, vector<16xf32>,
      %parallel_loop3A_1731 = arith.addf %parallel_loop3A_1726, %parallel_loop3A_1730 : vector<16xf32>
      %parallel_loop3A_1732 = arith.constant 72 : i32
      %parallel_loop3A_1733 = arith.index_cast %parallel_loop3A_1732 : i32 to index
      %parallel_loop3A_1734 = arith.index_cast %parallel_loop3A_824 : i32 to index
      %parallel_loop3A_1735 = tpu.vector_load %arg11[%parallel_loop3A_1733, %parallel_loop3A_1734] {strides = array<i32>} : memref<100x512xf32, #tpu.memory_space<vmem>>, vector<16xf32>,
      tpu.vector_store %arg11[%parallel_loop3A_1733, %parallel_loop3A_1734], %parallel_loop3A_1731 {strides = array<i32>} : memref<100x512xf32, #tpu.memory_space<vmem>>, vector<16xf32>,
      %parallel_loop3A_1736 = arith.addf %parallel_loop3A_996, %parallel_loop3A_959 : vector<16xf32>
      %parallel_loop3A_1737 = arith.constant 73 : i32
      %parallel_loop3A_1738 = arith.index_cast %parallel_loop3A_1737 : i32 to index
      %parallel_loop3A_1739 = arith.constant 0 : index
      %parallel_loop3A_1740 = tpu.vector_load %arg14[%parallel_loop3A_1738, %parallel_loop3A_1739] {strides = array<i32>} : memref<100x16xf32, #tpu.memory_space<vmem>>, vector<16xf32>,
      %parallel_loop3A_1741 = arith.addf %parallel_loop3A_1736, %parallel_loop3A_1740 : vector<16xf32>
      %parallel_loop3A_1742 = arith.constant 73 : i32
      %parallel_loop3A_1743 = arith.index_cast %parallel_loop3A_1742 : i32 to index
      %parallel_loop3A_1744 = arith.index_cast %parallel_loop3A_824 : i32 to index
      %parallel_loop3A_1745 = tpu.vector_load %arg11[%parallel_loop3A_1743, %parallel_loop3A_1744] {strides = array<i32>} : memref<100x512xf32, #tpu.memory_space<vmem>>, vector<16xf32>,
      tpu.vector_store %arg11[%parallel_loop3A_1743, %parallel_loop3A_1744], %parallel_loop3A_1741 {strides = array<i32>} : memref<100x512xf32, #tpu.memory_space<vmem>>, vector<16xf32>,
      %parallel_loop3A_1746 = arith.addf %parallel_loop3A_997, %parallel_loop3A_944 : vector<16xf32>
      %parallel_loop3A_1747 = arith.constant 74 : i32
      %parallel_loop3A_1748 = arith.index_cast %parallel_loop3A_1747 : i32 to index
      %parallel_loop3A_1749 = arith.constant 0 : index
      %parallel_loop3A_1750 = tpu.vector_load %arg14[%parallel_loop3A_1748, %parallel_loop3A_1749] {strides = array<i32>} : memref<100x16xf32, #tpu.memory_space<vmem>>, vector<16xf32>,
      %parallel_loop3A_1751 = arith.addf %parallel_loop3A_1746, %parallel_loop3A_1750 : vector<16xf32>
      %parallel_loop3A_1752 = arith.constant 74 : i32
      %parallel_loop3A_1753 = arith.index_cast %parallel_loop3A_1752 : i32 to index
      %parallel_loop3A_1754 = arith.index_cast %parallel_loop3A_824 : i32 to index
      %parallel_loop3A_1755 = tpu.vector_load %arg11[%parallel_loop3A_1753, %parallel_loop3A_1754] {strides = array<i32>} : memref<100x512xf32, #tpu.memory_space<vmem>>, vector<16xf32>,
      tpu.vector_store %arg11[%parallel_loop3A_1753, %parallel_loop3A_1754], %parallel_loop3A_1751 {strides = array<i32>} : memref<100x512xf32, #tpu.memory_space<vmem>>, vector<16xf32>,
      %parallel_loop3A_1756 = arith.addf %parallel_loop3A_998, %parallel_loop3A_929 : vector<16xf32>
      %parallel_loop3A_1757 = arith.constant 75 : i32
      %parallel_loop3A_1758 = arith.index_cast %parallel_loop3A_1757 : i32 to index
      %parallel_loop3A_1759 = arith.constant 0 : index
      %parallel_loop3A_1760 = tpu.vector_load %arg14[%parallel_loop3A_1758, %parallel_loop3A_1759] {strides = array<i32>} : memref<100x16xf32, #tpu.memory_space<vmem>>, vector<16xf32>,
      %parallel_loop3A_1761 = arith.addf %parallel_loop3A_1756, %parallel_loop3A_1760 : vector<16xf32>
      %parallel_loop3A_1762 = arith.constant 75 : i32
      %parallel_loop3A_1763 = arith.index_cast %parallel_loop3A_1762 : i32 to index
      %parallel_loop3A_1764 = arith.index_cast %parallel_loop3A_824 : i32 to index
      %parallel_loop3A_1765 = tpu.vector_load %arg11[%parallel_loop3A_1763, %parallel_loop3A_1764] {strides = array<i32>} : memref<100x512xf32, #tpu.memory_space<vmem>>, vector<16xf32>,
      tpu.vector_store %arg11[%parallel_loop3A_1763, %parallel_loop3A_1764], %parallel_loop3A_1761 {strides = array<i32>} : memref<100x512xf32, #tpu.memory_space<vmem>>, vector<16xf32>,
      %parallel_loop3A_1766 = arith.addf %parallel_loop3A_998, %parallel_loop3A_934 : vector<16xf32>
      %parallel_loop3A_1767 = arith.constant 76 : i32
      %parallel_loop3A_1768 = arith.index_cast %parallel_loop3A_1767 : i32 to index
      %parallel_loop3A_1769 = arith.constant 0 : index
      %parallel_loop3A_1770 = tpu.vector_load %arg14[%parallel_loop3A_1768, %parallel_loop3A_1769] {strides = array<i32>} : memref<100x16xf32, #tpu.memory_space<vmem>>, vector<16xf32>,
      %parallel_loop3A_1771 = arith.addf %parallel_loop3A_1766, %parallel_loop3A_1770 : vector<16xf32>
      %parallel_loop3A_1772 = arith.constant 76 : i32
      %parallel_loop3A_1773 = arith.index_cast %parallel_loop3A_1772 : i32 to index
      %parallel_loop3A_1774 = arith.index_cast %parallel_loop3A_824 : i32 to index
      %parallel_loop3A_1775 = tpu.vector_load %arg11[%parallel_loop3A_1773, %parallel_loop3A_1774] {strides = array<i32>} : memref<100x512xf32, #tpu.memory_space<vmem>>, vector<16xf32>,
      tpu.vector_store %arg11[%parallel_loop3A_1773, %parallel_loop3A_1774], %parallel_loop3A_1771 {strides = array<i32>} : memref<100x512xf32, #tpu.memory_space<vmem>>, vector<16xf32>,
      %parallel_loop3A_1776 = arith.addf %parallel_loop3A_998, %parallel_loop3A_939 : vector<16xf32>
      %parallel_loop3A_1777 = arith.constant 77 : i32
      %parallel_loop3A_1778 = arith.index_cast %parallel_loop3A_1777 : i32 to index
      %parallel_loop3A_1779 = arith.constant 0 : index
      %parallel_loop3A_1780 = tpu.vector_load %arg14[%parallel_loop3A_1778, %parallel_loop3A_1779] {strides = array<i32>} : memref<100x16xf32, #tpu.memory_space<vmem>>, vector<16xf32>,
      %parallel_loop3A_1781 = arith.addf %parallel_loop3A_1776, %parallel_loop3A_1780 : vector<16xf32>
      %parallel_loop3A_1782 = arith.constant 77 : i32
      %parallel_loop3A_1783 = arith.index_cast %parallel_loop3A_1782 : i32 to index
      %parallel_loop3A_1784 = arith.index_cast %parallel_loop3A_824 : i32 to index
      %parallel_loop3A_1785 = tpu.vector_load %arg11[%parallel_loop3A_1783, %parallel_loop3A_1784] {strides = array<i32>} : memref<100x512xf32, #tpu.memory_space<vmem>>, vector<16xf32>,
      tpu.vector_store %arg11[%parallel_loop3A_1783, %parallel_loop3A_1784], %parallel_loop3A_1781 {strides = array<i32>} : memref<100x512xf32, #tpu.memory_space<vmem>>, vector<16xf32>,
      %parallel_loop3A_1786 = arith.addf %parallel_loop3A_998, %parallel_loop3A_949 : vector<16xf32>
      %parallel_loop3A_1787 = arith.constant 78 : i32
      %parallel_loop3A_1788 = arith.index_cast %parallel_loop3A_1787 : i32 to index
      %parallel_loop3A_1789 = arith.constant 0 : index
      %parallel_loop3A_1790 = tpu.vector_load %arg14[%parallel_loop3A_1788, %parallel_loop3A_1789] {strides = array<i32>} : memref<100x16xf32, #tpu.memory_space<vmem>>, vector<16xf32>,
      %parallel_loop3A_1791 = arith.addf %parallel_loop3A_1786, %parallel_loop3A_1790 : vector<16xf32>
      %parallel_loop3A_1792 = arith.constant 78 : i32
      %parallel_loop3A_1793 = arith.index_cast %parallel_loop3A_1792 : i32 to index
      %parallel_loop3A_1794 = arith.index_cast %parallel_loop3A_824 : i32 to index
      %parallel_loop3A_1795 = tpu.vector_load %arg11[%parallel_loop3A_1793, %parallel_loop3A_1794] {strides = array<i32>} : memref<100x512xf32, #tpu.memory_space<vmem>>, vector<16xf32>,
      tpu.vector_store %arg11[%parallel_loop3A_1793, %parallel_loop3A_1794], %parallel_loop3A_1791 {strides = array<i32>} : memref<100x512xf32, #tpu.memory_space<vmem>>, vector<16xf32>,
      %parallel_loop3A_1796 = arith.addf %parallel_loop3A_998, %parallel_loop3A_969 : vector<16xf32>
      %parallel_loop3A_1797 = arith.constant 79 : i32
      %parallel_loop3A_1798 = arith.index_cast %parallel_loop3A_1797 : i32 to index
      %parallel_loop3A_1799 = arith.constant 0 : index
      %parallel_loop3A_1800 = tpu.vector_load %arg14[%parallel_loop3A_1798, %parallel_loop3A_1799] {strides = array<i32>} : memref<100x16xf32, #tpu.memory_space<vmem>>, vector<16xf32>,
      %parallel_loop3A_1801 = arith.addf %parallel_loop3A_1796, %parallel_loop3A_1800 : vector<16xf32>
      %parallel_loop3A_1802 = arith.constant 79 : i32
      %parallel_loop3A_1803 = arith.index_cast %parallel_loop3A_1802 : i32 to index
      %parallel_loop3A_1804 = arith.index_cast %parallel_loop3A_824 : i32 to index
      %parallel_loop3A_1805 = tpu.vector_load %arg11[%parallel_loop3A_1803, %parallel_loop3A_1804] {strides = array<i32>} : memref<100x512xf32, #tpu.memory_space<vmem>>, vector<16xf32>,
      tpu.vector_store %arg11[%parallel_loop3A_1803, %parallel_loop3A_1804], %parallel_loop3A_1801 {strides = array<i32>} : memref<100x512xf32, #tpu.memory_space<vmem>>, vector<16xf32>,
      %parallel_loop3A_1806 = arith.addf %parallel_loop3A_999, %parallel_loop3A_909 : vector<16xf32>
      %parallel_loop3A_1807 = arith.constant 80 : i32
      %parallel_loop3A_1808 = arith.index_cast %parallel_loop3A_1807 : i32 to index
      %parallel_loop3A_1809 = arith.constant 0 : index
      %parallel_loop3A_1810 = tpu.vector_load %arg14[%parallel_loop3A_1808, %parallel_loop3A_1809] {strides = array<i32>} : memref<100x16xf32, #tpu.memory_space<vmem>>, vector<16xf32>,
      %parallel_loop3A_1811 = arith.addf %parallel_loop3A_1806, %parallel_loop3A_1810 : vector<16xf32>
      %parallel_loop3A_1812 = arith.constant 80 : i32
      %parallel_loop3A_1813 = arith.index_cast %parallel_loop3A_1812 : i32 to index
      %parallel_loop3A_1814 = arith.index_cast %parallel_loop3A_824 : i32 to index
      %parallel_loop3A_1815 = tpu.vector_load %arg11[%parallel_loop3A_1813, %parallel_loop3A_1814] {strides = array<i32>} : memref<100x512xf32, #tpu.memory_space<vmem>>, vector<16xf32>,
      tpu.vector_store %arg11[%parallel_loop3A_1813, %parallel_loop3A_1814], %parallel_loop3A_1811 {strides = array<i32>} : memref<100x512xf32, #tpu.memory_space<vmem>>, vector<16xf32>,
      %parallel_loop3A_1816 = arith.addf %parallel_loop3A_999, %parallel_loop3A_934 : vector<16xf32>
      %parallel_loop3A_1817 = arith.constant 81 : i32
      %parallel_loop3A_1818 = arith.index_cast %parallel_loop3A_1817 : i32 to index
      %parallel_loop3A_1819 = arith.constant 0 : index
      %parallel_loop3A_1820 = tpu.vector_load %arg14[%parallel_loop3A_1818, %parallel_loop3A_1819] {strides = array<i32>} : memref<100x16xf32, #tpu.memory_space<vmem>>, vector<16xf32>,
      %parallel_loop3A_1821 = arith.addf %parallel_loop3A_1816, %parallel_loop3A_1820 : vector<16xf32>
      %parallel_loop3A_1822 = arith.constant 81 : i32
      %parallel_loop3A_1823 = arith.index_cast %parallel_loop3A_1822 : i32 to index
      %parallel_loop3A_1824 = arith.index_cast %parallel_loop3A_824 : i32 to index
      %parallel_loop3A_1825 = tpu.vector_load %arg11[%parallel_loop3A_1823, %parallel_loop3A_1824] {strides = array<i32>} : memref<100x512xf32, #tpu.memory_space<vmem>>, vector<16xf32>,
      tpu.vector_store %arg11[%parallel_loop3A_1823, %parallel_loop3A_1824], %parallel_loop3A_1821 {strides = array<i32>} : memref<100x512xf32, #tpu.memory_space<vmem>>, vector<16xf32>,
      %parallel_loop3A_1826 = arith.addf %parallel_loop3A_999, %parallel_loop3A_959 : vector<16xf32>
      %parallel_loop3A_1827 = arith.constant 82 : i32
      %parallel_loop3A_1828 = arith.index_cast %parallel_loop3A_1827 : i32 to index
      %parallel_loop3A_1829 = arith.constant 0 : index
      %parallel_loop3A_1830 = tpu.vector_load %arg14[%parallel_loop3A_1828, %parallel_loop3A_1829] {strides = array<i32>} : memref<100x16xf32, #tpu.memory_space<vmem>>, vector<16xf32>,
      %parallel_loop3A_1831 = arith.addf %parallel_loop3A_1826, %parallel_loop3A_1830 : vector<16xf32>
      %parallel_loop3A_1832 = arith.constant 82 : i32
      %parallel_loop3A_1833 = arith.index_cast %parallel_loop3A_1832 : i32 to index
      %parallel_loop3A_1834 = arith.index_cast %parallel_loop3A_824 : i32 to index
      %parallel_loop3A_1835 = tpu.vector_load %arg11[%parallel_loop3A_1833, %parallel_loop3A_1834] {strides = array<i32>} : memref<100x512xf32, #tpu.memory_space<vmem>>, vector<16xf32>,
      tpu.vector_store %arg11[%parallel_loop3A_1833, %parallel_loop3A_1834], %parallel_loop3A_1831 {strides = array<i32>} : memref<100x512xf32, #tpu.memory_space<vmem>>, vector<16xf32>,
      %parallel_loop3A_1836 = arith.addf %parallel_loop3A_1000, %parallel_loop3A_964 : vector<16xf32>
      %parallel_loop3A_1837 = arith.constant 83 : i32
      %parallel_loop3A_1838 = arith.index_cast %parallel_loop3A_1837 : i32 to index
      %parallel_loop3A_1839 = arith.constant 0 : index
      %parallel_loop3A_1840 = tpu.vector_load %arg14[%parallel_loop3A_1838, %parallel_loop3A_1839] {strides = array<i32>} : memref<100x16xf32, #tpu.memory_space<vmem>>, vector<16xf32>,
      %parallel_loop3A_1841 = arith.addf %parallel_loop3A_1836, %parallel_loop3A_1840 : vector<16xf32>
      %parallel_loop3A_1842 = arith.constant 83 : i32
      %parallel_loop3A_1843 = arith.index_cast %parallel_loop3A_1842 : i32 to index
      %parallel_loop3A_1844 = arith.index_cast %parallel_loop3A_824 : i32 to index
      %parallel_loop3A_1845 = tpu.vector_load %arg11[%parallel_loop3A_1843, %parallel_loop3A_1844] {strides = array<i32>} : memref<100x512xf32, #tpu.memory_space<vmem>>, vector<16xf32>,
      tpu.vector_store %arg11[%parallel_loop3A_1843, %parallel_loop3A_1844], %parallel_loop3A_1841 {strides = array<i32>} : memref<100x512xf32, #tpu.memory_space<vmem>>, vector<16xf32>,
      %parallel_loop3A_1846 = arith.addf %parallel_loop3A_1001, %parallel_loop3A_949 : vector<16xf32>
      %parallel_loop3A_1847 = arith.constant 84 : i32
      %parallel_loop3A_1848 = arith.index_cast %parallel_loop3A_1847 : i32 to index
      %parallel_loop3A_1849 = arith.constant 0 : index
      %parallel_loop3A_1850 = tpu.vector_load %arg14[%parallel_loop3A_1848, %parallel_loop3A_1849] {strides = array<i32>} : memref<100x16xf32, #tpu.memory_space<vmem>>, vector<16xf32>,
      %parallel_loop3A_1851 = arith.addf %parallel_loop3A_1846, %parallel_loop3A_1850 : vector<16xf32>
      %parallel_loop3A_1852 = arith.constant 84 : i32
      %parallel_loop3A_1853 = arith.index_cast %parallel_loop3A_1852 : i32 to index
      %parallel_loop3A_1854 = arith.index_cast %parallel_loop3A_824 : i32 to index
      %parallel_loop3A_1855 = tpu.vector_load %arg11[%parallel_loop3A_1853, %parallel_loop3A_1854] {strides = array<i32>} : memref<100x512xf32, #tpu.memory_space<vmem>>, vector<16xf32>,
      tpu.vector_store %arg11[%parallel_loop3A_1853, %parallel_loop3A_1854], %parallel_loop3A_1851 {strides = array<i32>} : memref<100x512xf32, #tpu.memory_space<vmem>>, vector<16xf32>,
      %parallel_loop3A_1856 = arith.addf %parallel_loop3A_1001, %parallel_loop3A_959 : vector<16xf32>
      %parallel_loop3A_1857 = arith.constant 85 : i32
      %parallel_loop3A_1858 = arith.index_cast %parallel_loop3A_1857 : i32 to index
      %parallel_loop3A_1859 = arith.constant 0 : index
      %parallel_loop3A_1860 = tpu.vector_load %arg14[%parallel_loop3A_1858, %parallel_loop3A_1859] {strides = array<i32>} : memref<100x16xf32, #tpu.memory_space<vmem>>, vector<16xf32>,
      %parallel_loop3A_1861 = arith.addf %parallel_loop3A_1856, %parallel_loop3A_1860 : vector<16xf32>
      %parallel_loop3A_1862 = arith.constant 85 : i32
      %parallel_loop3A_1863 = arith.index_cast %parallel_loop3A_1862 : i32 to index
      %parallel_loop3A_1864 = arith.index_cast %parallel_loop3A_824 : i32 to index
      %parallel_loop3A_1865 = tpu.vector_load %arg11[%parallel_loop3A_1863, %parallel_loop3A_1864] {strides = array<i32>} : memref<100x512xf32, #tpu.memory_space<vmem>>, vector<16xf32>,
      tpu.vector_store %arg11[%parallel_loop3A_1863, %parallel_loop3A_1864], %parallel_loop3A_1861 {strides = array<i32>} : memref<100x512xf32, #tpu.memory_space<vmem>>, vector<16xf32>,
      %parallel_loop3A_1866 = arith.addf %parallel_loop3A_1001, %parallel_loop3A_969 : vector<16xf32>
      %parallel_loop3A_1867 = arith.constant 86 : i32
      %parallel_loop3A_1868 = arith.index_cast %parallel_loop3A_1867 : i32 to index
      %parallel_loop3A_1869 = arith.constant 0 : index
      %parallel_loop3A_1870 = tpu.vector_load %arg14[%parallel_loop3A_1868, %parallel_loop3A_1869] {strides = array<i32>} : memref<100x16xf32, #tpu.memory_space<vmem>>, vector<16xf32>,
      %parallel_loop3A_1871 = arith.addf %parallel_loop3A_1866, %parallel_loop3A_1870 : vector<16xf32>
      %parallel_loop3A_1872 = arith.constant 86 : i32
      %parallel_loop3A_1873 = arith.index_cast %parallel_loop3A_1872 : i32 to index
      %parallel_loop3A_1874 = arith.index_cast %parallel_loop3A_824 : i32 to index
      %parallel_loop3A_1875 = tpu.vector_load %arg11[%parallel_loop3A_1873, %parallel_loop3A_1874] {strides = array<i32>} : memref<100x512xf32, #tpu.memory_space<vmem>>, vector<16xf32>,
      tpu.vector_store %arg11[%parallel_loop3A_1873, %parallel_loop3A_1874], %parallel_loop3A_1871 {strides = array<i32>} : memref<100x512xf32, #tpu.memory_space<vmem>>, vector<16xf32>,
      %parallel_loop3A_1876 = arith.addf %parallel_loop3A_1002, %parallel_loop3A_969 : vector<16xf32>
      %parallel_loop3A_1877 = arith.constant 87 : i32
      %parallel_loop3A_1878 = arith.index_cast %parallel_loop3A_1877 : i32 to index
      %parallel_loop3A_1879 = arith.constant 0 : index
      %parallel_loop3A_1880 = tpu.vector_load %arg14[%parallel_loop3A_1878, %parallel_loop3A_1879] {strides = array<i32>} : memref<100x16xf32, #tpu.memory_space<vmem>>, vector<16xf32>,
      %parallel_loop3A_1881 = arith.addf %parallel_loop3A_1876, %parallel_loop3A_1880 : vector<16xf32>
      %parallel_loop3A_1882 = arith.constant 87 : i32
      %parallel_loop3A_1883 = arith.index_cast %parallel_loop3A_1882 : i32 to index
      %parallel_loop3A_1884 = arith.index_cast %parallel_loop3A_824 : i32 to index
      %parallel_loop3A_1885 = tpu.vector_load %arg11[%parallel_loop3A_1883, %parallel_loop3A_1884] {strides = array<i32>} : memref<100x512xf32, #tpu.memory_space<vmem>>, vector<16xf32>,
      tpu.vector_store %arg11[%parallel_loop3A_1883, %parallel_loop3A_1884], %parallel_loop3A_1881 {strides = array<i32>} : memref<100x512xf32, #tpu.memory_space<vmem>>, vector<16xf32>,
      %parallel_loop3A_1886 = arith.addf %parallel_loop3A_1003, %parallel_loop3A_914 : vector<16xf32>
      %parallel_loop3A_1887 = arith.constant 88 : i32
      %parallel_loop3A_1888 = arith.index_cast %parallel_loop3A_1887 : i32 to index
      %parallel_loop3A_1889 = arith.constant 0 : index
      %parallel_loop3A_1890 = tpu.vector_load %arg14[%parallel_loop3A_1888, %parallel_loop3A_1889] {strides = array<i32>} : memref<100x16xf32, #tpu.memory_space<vmem>>, vector<16xf32>,
      %parallel_loop3A_1891 = arith.addf %parallel_loop3A_1886, %parallel_loop3A_1890 : vector<16xf32>
      %parallel_loop3A_1892 = arith.constant 88 : i32
      %parallel_loop3A_1893 = arith.index_cast %parallel_loop3A_1892 : i32 to index
      %parallel_loop3A_1894 = arith.index_cast %parallel_loop3A_824 : i32 to index
      %parallel_loop3A_1895 = tpu.vector_load %arg11[%parallel_loop3A_1893, %parallel_loop3A_1894] {strides = array<i32>} : memref<100x512xf32, #tpu.memory_space<vmem>>, vector<16xf32>,
      tpu.vector_store %arg11[%parallel_loop3A_1893, %parallel_loop3A_1894], %parallel_loop3A_1891 {strides = array<i32>} : memref<100x512xf32, #tpu.memory_space<vmem>>, vector<16xf32>,
      %parallel_loop3A_1896 = arith.addf %parallel_loop3A_1003, %parallel_loop3A_919 : vector<16xf32>
      %parallel_loop3A_1897 = arith.constant 89 : i32
      %parallel_loop3A_1898 = arith.index_cast %parallel_loop3A_1897 : i32 to index
      %parallel_loop3A_1899 = arith.constant 0 : index
      %parallel_loop3A_1900 = tpu.vector_load %arg14[%parallel_loop3A_1898, %parallel_loop3A_1899] {strides = array<i32>} : memref<100x16xf32, #tpu.memory_space<vmem>>, vector<16xf32>,
      %parallel_loop3A_1901 = arith.addf %parallel_loop3A_1896, %parallel_loop3A_1900 : vector<16xf32>
      %parallel_loop3A_1902 = arith.constant 89 : i32
      %parallel_loop3A_1903 = arith.index_cast %parallel_loop3A_1902 : i32 to index
      %parallel_loop3A_1904 = arith.index_cast %parallel_loop3A_824 : i32 to index
      %parallel_loop3A_1905 = tpu.vector_load %arg11[%parallel_loop3A_1903, %parallel_loop3A_1904] {strides = array<i32>} : memref<100x512xf32, #tpu.memory_space<vmem>>, vector<16xf32>,
      tpu.vector_store %arg11[%parallel_loop3A_1903, %parallel_loop3A_1904], %parallel_loop3A_1901 {strides = array<i32>} : memref<100x512xf32, #tpu.memory_space<vmem>>, vector<16xf32>,
      %parallel_loop3A_1906 = arith.addf %parallel_loop3A_1003, %parallel_loop3A_924 : vector<16xf32>
      %parallel_loop3A_1907 = arith.constant 90 : i32
      %parallel_loop3A_1908 = arith.index_cast %parallel_loop3A_1907 : i32 to index
      %parallel_loop3A_1909 = arith.constant 0 : index
      %parallel_loop3A_1910 = tpu.vector_load %arg14[%parallel_loop3A_1908, %parallel_loop3A_1909] {strides = array<i32>} : memref<100x16xf32, #tpu.memory_space<vmem>>, vector<16xf32>,
      %parallel_loop3A_1911 = arith.addf %parallel_loop3A_1906, %parallel_loop3A_1910 : vector<16xf32>
      %parallel_loop3A_1912 = arith.constant 90 : i32
      %parallel_loop3A_1913 = arith.index_cast %parallel_loop3A_1912 : i32 to index
      %parallel_loop3A_1914 = arith.index_cast %parallel_loop3A_824 : i32 to index
      %parallel_loop3A_1915 = tpu.vector_load %arg11[%parallel_loop3A_1913, %parallel_loop3A_1914] {strides = array<i32>} : memref<100x512xf32, #tpu.memory_space<vmem>>, vector<16xf32>,
      tpu.vector_store %arg11[%parallel_loop3A_1913, %parallel_loop3A_1914], %parallel_loop3A_1911 {strides = array<i32>} : memref<100x512xf32, #tpu.memory_space<vmem>>, vector<16xf32>,
      %parallel_loop3A_1916 = arith.addf %parallel_loop3A_1003, %parallel_loop3A_929 : vector<16xf32>
      %parallel_loop3A_1917 = arith.constant 91 : i32
      %parallel_loop3A_1918 = arith.index_cast %parallel_loop3A_1917 : i32 to index
      %parallel_loop3A_1919 = arith.constant 0 : index
      %parallel_loop3A_1920 = tpu.vector_load %arg14[%parallel_loop3A_1918, %parallel_loop3A_1919] {strides = array<i32>} : memref<100x16xf32, #tpu.memory_space<vmem>>, vector<16xf32>,
      %parallel_loop3A_1921 = arith.addf %parallel_loop3A_1916, %parallel_loop3A_1920 : vector<16xf32>
      %parallel_loop3A_1922 = arith.constant 91 : i32
      %parallel_loop3A_1923 = arith.index_cast %parallel_loop3A_1922 : i32 to index
      %parallel_loop3A_1924 = arith.index_cast %parallel_loop3A_824 : i32 to index
      %parallel_loop3A_1925 = tpu.vector_load %arg11[%parallel_loop3A_1923, %parallel_loop3A_1924] {strides = array<i32>} : memref<100x512xf32, #tpu.memory_space<vmem>>, vector<16xf32>,
      tpu.vector_store %arg11[%parallel_loop3A_1923, %parallel_loop3A_1924], %parallel_loop3A_1921 {strides = array<i32>} : memref<100x512xf32, #tpu.memory_space<vmem>>, vector<16xf32>,
      %parallel_loop3A_1926 = arith.addf %parallel_loop3A_1003, %parallel_loop3A_939 : vector<16xf32>
      %parallel_loop3A_1927 = arith.constant 92 : i32
      %parallel_loop3A_1928 = arith.index_cast %parallel_loop3A_1927 : i32 to index
      %parallel_loop3A_1929 = arith.constant 0 : index
      %parallel_loop3A_1930 = tpu.vector_load %arg14[%parallel_loop3A_1928, %parallel_loop3A_1929] {strides = array<i32>} : memref<100x16xf32, #tpu.memory_space<vmem>>, vector<16xf32>,
      %parallel_loop3A_1931 = arith.addf %parallel_loop3A_1926, %parallel_loop3A_1930 : vector<16xf32>
      %parallel_loop3A_1932 = arith.constant 92 : i32
      %parallel_loop3A_1933 = arith.index_cast %parallel_loop3A_1932 : i32 to index
      %parallel_loop3A_1934 = arith.index_cast %parallel_loop3A_824 : i32 to index
      %parallel_loop3A_1935 = tpu.vector_load %arg11[%parallel_loop3A_1933, %parallel_loop3A_1934] {strides = array<i32>} : memref<100x512xf32, #tpu.memory_space<vmem>>, vector<16xf32>,
      tpu.vector_store %arg11[%parallel_loop3A_1933, %parallel_loop3A_1934], %parallel_loop3A_1931 {strides = array<i32>} : memref<100x512xf32, #tpu.memory_space<vmem>>, vector<16xf32>,
      %parallel_loop3A_1936 = arith.addf %parallel_loop3A_1003, %parallel_loop3A_959 : vector<16xf32>
      %parallel_loop3A_1937 = arith.constant 93 : i32
      %parallel_loop3A_1938 = arith.index_cast %parallel_loop3A_1937 : i32 to index
      %parallel_loop3A_1939 = arith.constant 0 : index
      %parallel_loop3A_1940 = tpu.vector_load %arg14[%parallel_loop3A_1938, %parallel_loop3A_1939] {strides = array<i32>} : memref<100x16xf32, #tpu.memory_space<vmem>>, vector<16xf32>,
      %parallel_loop3A_1941 = arith.addf %parallel_loop3A_1936, %parallel_loop3A_1940 : vector<16xf32>
      %parallel_loop3A_1942 = arith.constant 93 : i32
      %parallel_loop3A_1943 = arith.index_cast %parallel_loop3A_1942 : i32 to index
      %parallel_loop3A_1944 = arith.index_cast %parallel_loop3A_824 : i32 to index
      %parallel_loop3A_1945 = tpu.vector_load %arg11[%parallel_loop3A_1943, %parallel_loop3A_1944] {strides = array<i32>} : memref<100x512xf32, #tpu.memory_space<vmem>>, vector<16xf32>,
      tpu.vector_store %arg11[%parallel_loop3A_1943, %parallel_loop3A_1944], %parallel_loop3A_1941 {strides = array<i32>} : memref<100x512xf32, #tpu.memory_space<vmem>>, vector<16xf32>,
      %parallel_loop3A_1946 = arith.addf %parallel_loop3A_1003, %parallel_loop3A_969 : vector<16xf32>
      %parallel_loop3A_1947 = arith.constant 94 : i32
      %parallel_loop3A_1948 = arith.index_cast %parallel_loop3A_1947 : i32 to index
      %parallel_loop3A_1949 = arith.constant 0 : index
      %parallel_loop3A_1950 = tpu.vector_load %arg14[%parallel_loop3A_1948, %parallel_loop3A_1949] {strides = array<i32>} : memref<100x16xf32, #tpu.memory_space<vmem>>, vector<16xf32>,
      %parallel_loop3A_1951 = arith.addf %parallel_loop3A_1946, %parallel_loop3A_1950 : vector<16xf32>
      %parallel_loop3A_1952 = arith.constant 94 : i32
      %parallel_loop3A_1953 = arith.index_cast %parallel_loop3A_1952 : i32 to index
      %parallel_loop3A_1954 = arith.index_cast %parallel_loop3A_824 : i32 to index
      %parallel_loop3A_1955 = tpu.vector_load %arg11[%parallel_loop3A_1953, %parallel_loop3A_1954] {strides = array<i32>} : memref<100x512xf32, #tpu.memory_space<vmem>>, vector<16xf32>,
      tpu.vector_store %arg11[%parallel_loop3A_1953, %parallel_loop3A_1954], %parallel_loop3A_1951 {strides = array<i32>} : memref<100x512xf32, #tpu.memory_space<vmem>>, vector<16xf32>,
      %parallel_loop3A_1956 = arith.addf %parallel_loop3A_1003, %parallel_loop3A_974 : vector<16xf32>
      %parallel_loop3A_1957 = arith.constant 95 : i32
      %parallel_loop3A_1958 = arith.index_cast %parallel_loop3A_1957 : i32 to index
      %parallel_loop3A_1959 = arith.constant 0 : index
      %parallel_loop3A_1960 = tpu.vector_load %arg14[%parallel_loop3A_1958, %parallel_loop3A_1959] {strides = array<i32>} : memref<100x16xf32, #tpu.memory_space<vmem>>, vector<16xf32>,
      %parallel_loop3A_1961 = arith.addf %parallel_loop3A_1956, %parallel_loop3A_1960 : vector<16xf32>
      %parallel_loop3A_1962 = arith.constant 95 : i32
      %parallel_loop3A_1963 = arith.index_cast %parallel_loop3A_1962 : i32 to index
      %parallel_loop3A_1964 = arith.index_cast %parallel_loop3A_824 : i32 to index
      %parallel_loop3A_1965 = tpu.vector_load %arg11[%parallel_loop3A_1963, %parallel_loop3A_1964] {strides = array<i32>} : memref<100x512xf32, #tpu.memory_space<vmem>>, vector<16xf32>,
      tpu.vector_store %arg11[%parallel_loop3A_1963, %parallel_loop3A_1964], %parallel_loop3A_1961 {strides = array<i32>} : memref<100x512xf32, #tpu.memory_space<vmem>>, vector<16xf32>,
      %parallel_loop3A_1966 = arith.addf %parallel_loop3A_1004, %parallel_loop3A_939 : vector<16xf32>
      %parallel_loop3A_1967 = arith.constant 96 : i32
      %parallel_loop3A_1968 = arith.index_cast %parallel_loop3A_1967 : i32 to index
      %parallel_loop3A_1969 = arith.constant 0 : index
      %parallel_loop3A_1970 = tpu.vector_load %arg14[%parallel_loop3A_1968, %parallel_loop3A_1969] {strides = array<i32>} : memref<100x16xf32, #tpu.memory_space<vmem>>, vector<16xf32>,
      %parallel_loop3A_1971 = arith.addf %parallel_loop3A_1966, %parallel_loop3A_1970 : vector<16xf32>
      %parallel_loop3A_1972 = arith.constant 96 : i32
      %parallel_loop3A_1973 = arith.index_cast %parallel_loop3A_1972 : i32 to index
      %parallel_loop3A_1974 = arith.index_cast %parallel_loop3A_824 : i32 to index
      %parallel_loop3A_1975 = tpu.vector_load %arg11[%parallel_loop3A_1973, %parallel_loop3A_1974] {strides = array<i32>} : memref<100x512xf32, #tpu.memory_space<vmem>>, vector<16xf32>,
      tpu.vector_store %arg11[%parallel_loop3A_1973, %parallel_loop3A_1974], %parallel_loop3A_1971 {strides = array<i32>} : memref<100x512xf32, #tpu.memory_space<vmem>>, vector<16xf32>,
      %parallel_loop3A_1976 = arith.addf %parallel_loop3A_1004, %parallel_loop3A_949 : vector<16xf32>
      %parallel_loop3A_1977 = arith.constant 97 : i32
      %parallel_loop3A_1978 = arith.index_cast %parallel_loop3A_1977 : i32 to index
      %parallel_loop3A_1979 = arith.constant 0 : index
      %parallel_loop3A_1980 = tpu.vector_load %arg14[%parallel_loop3A_1978, %parallel_loop3A_1979] {strides = array<i32>} : memref<100x16xf32, #tpu.memory_space<vmem>>, vector<16xf32>,
      %parallel_loop3A_1981 = arith.addf %parallel_loop3A_1976, %parallel_loop3A_1980 : vector<16xf32>
      %parallel_loop3A_1982 = arith.constant 97 : i32
      %parallel_loop3A_1983 = arith.index_cast %parallel_loop3A_1982 : i32 to index
      %parallel_loop3A_1984 = arith.index_cast %parallel_loop3A_824 : i32 to index
      %parallel_loop3A_1985 = tpu.vector_load %arg11[%parallel_loop3A_1983, %parallel_loop3A_1984] {strides = array<i32>} : memref<100x512xf32, #tpu.memory_space<vmem>>, vector<16xf32>,
      tpu.vector_store %arg11[%parallel_loop3A_1983, %parallel_loop3A_1984], %parallel_loop3A_1981 {strides = array<i32>} : memref<100x512xf32, #tpu.memory_space<vmem>>, vector<16xf32>,
      %parallel_loop3A_1986 = arith.addf %parallel_loop3A_1004, %parallel_loop3A_969 : vector<16xf32>
      %parallel_loop3A_1987 = arith.constant 98 : i32
      %parallel_loop3A_1988 = arith.index_cast %parallel_loop3A_1987 : i32 to index
      %parallel_loop3A_1989 = arith.constant 0 : index
      %parallel_loop3A_1990 = tpu.vector_load %arg14[%parallel_loop3A_1988, %parallel_loop3A_1989] {strides = array<i32>} : memref<100x16xf32, #tpu.memory_space<vmem>>, vector<16xf32>,
      %parallel_loop3A_1991 = arith.addf %parallel_loop3A_1986, %parallel_loop3A_1990 : vector<16xf32>
      %parallel_loop3A_1992 = arith.constant 98 : i32
      %parallel_loop3A_1993 = arith.index_cast %parallel_loop3A_1992 : i32 to index
      %parallel_loop3A_1994 = arith.index_cast %parallel_loop3A_824 : i32 to index
      %parallel_loop3A_1995 = tpu.vector_load %arg11[%parallel_loop3A_1993, %parallel_loop3A_1994] {strides = array<i32>} : memref<100x512xf32, #tpu.memory_space<vmem>>, vector<16xf32>,
      tpu.vector_store %arg11[%parallel_loop3A_1993, %parallel_loop3A_1994], %parallel_loop3A_1991 {strides = array<i32>} : memref<100x512xf32, #tpu.memory_space<vmem>>, vector<16xf32>,
      %parallel_loop3A_1996 = arith.addf %parallel_loop3A_1005, %parallel_loop3A_964 : vector<16xf32>
      %parallel_loop3A_1997 = arith.constant 99 : i32
      %parallel_loop3A_1998 = arith.index_cast %parallel_loop3A_1997 : i32 to index
      %parallel_loop3A_1999 = arith.constant 0 : index
      %parallel_loop3A_2000 = tpu.vector_load %arg14[%parallel_loop3A_1998, %parallel_loop3A_1999] {strides = array<i32>} : memref<100x16xf32, #tpu.memory_space<vmem>>, vector<16xf32>,
      %parallel_loop3A_2001 = arith.addf %parallel_loop3A_1996, %parallel_loop3A_2000 : vector<16xf32>
      %parallel_loop3A_2002 = arith.constant 99 : i32
      %parallel_loop3A_2003 = arith.index_cast %parallel_loop3A_2002 : i32 to index
      %parallel_loop3A_2004 = arith.index_cast %parallel_loop3A_824 : i32 to index
      %parallel_loop3A_2005 = tpu.vector_load %arg11[%parallel_loop3A_2003, %parallel_loop3A_2004] {strides = array<i32>} : memref<100x512xf32, #tpu.memory_space<vmem>>, vector<16xf32>,
      tpu.vector_store %arg11[%parallel_loop3A_2003, %parallel_loop3A_2004], %parallel_loop3A_2001 {strides = array<i32>} : memref<100x512xf32, #tpu.memory_space<vmem>>, vector<16xf32>,
    } {sc.loop_unroll_factor = 2 : i64, sc.parallel_access}
    "tpu.region"() ({
      %run_scoped3A = tpu.sem_alloc : memref<!tpu.dma_semaphore, #tpu.memory_space<semaphore_mem>>
      %dma_start3A = arith.constant 0 : i32
      %dma_start3A_822 = tpu.memref_slice %arg7[%dma_start3A, %mul3A_2] : memref<100x16384xf32, #tpu.memory_space<hbm>> -> memref<100x512xf32, #tpu.memory_space<hbm>>
      %dma_start3A_823 = arith.constant 0 : i32
      %dma_start3A_824 = tpu.memref_slice %arg7[%dma_start3A_823, %mul3A_2] : memref<100x16384xf32, #tpu.memory_space<hbm>> -> memref<100x512xf32, #tpu.memory_space<hbm>>
      tpu.enqueue_dma source(%arg11 : memref<100x512xf32, #tpu.memory_space<vmem>>) target(%dma_start3A_824 : memref<100x512xf32, #tpu.memory_space<hbm>>) target_semaphore(%run_scoped3A : memref<!tpu.dma_semaphore, #tpu.memory_space<semaphore_mem>>)
      %dma_wait3A = arith.constant 0 : i32
      %dma_wait3A_825 = tpu.memref_slice %arg7[%dma_wait3A, %mul3A_2] : memref<100x16384xf32, #tpu.memory_space<hbm>> -> memref<100x512xf32, #tpu.memory_space<hbm>>
      %dma_wait3A_826 = arith.constant 0 : i32
      %dma_wait3A_827 = tpu.memref_slice %arg7[%dma_wait3A_826, %mul3A_2] : memref<100x16384xf32, #tpu.memory_space<hbm>> -> memref<100x512xf32, #tpu.memory_space<hbm>>
      tpu.wait_dma2 semaphore(%run_scoped3A : memref<!tpu.dma_semaphore, #tpu.memory_space<semaphore_mem>>) src(%arg11 : memref<100x512xf32, #tpu.memory_space<vmem>>) dst(%dma_wait3A_827 : memref<100x512xf32, #tpu.memory_space<hbm>>)
      tpu.yield
    }) : () -> ()
    return
  }
}

</mosaic_0001>

<sc_bundles>
// kernel: kernel.3.cloned.1.call-start
scs
__scs_entry_jumppad:
0x0: {  	(pc) =	sbr.rel $0x88, $3  }
0x1: {  	(tag) =	ssettag $0x0;
	lr =	simm.s32 $0x1  }
0x2: {  	[smem:$0x3F9C] =	sst lr;
	_ =	strace $0xD0000000  }
0x3: {  	_ = 	snop  }
0x4: {  	_ = 	snop  }
0x5: {  	_ = 	snop  }
0x6: {  	_ = 	snop  }
0x7: {  	_ = 	snop  }
__scs_overlays_trampoline_lowered:
0x8: {  	[smem:$0x3FAB] =	sst s0  }
0x9: {  	[smem:$0x3FAC] =	sst s1  }
0xa: {  	[smem:$0x3FAD] =	sst s2  }
0xb: {  	[smem:$0x3FAE] =	sst s3  }
0xc: {  	[smem:$0x3FAF] =	sst s4  }
0xd: {  	[smem:$0x3FB0] =	sst s5  }
0xe: {  	[smem:$0x3FB1] =	sst s6  }
0xf: {  	[smem:$0x3FB2] =	sst s7  }
0x10: {  	[smem:$0x3FB3] =	sst s8  }
0x11: {  	[smem:$0x3FB4] =	sst s9;
	s0 =	simm.s32 @!p0 $0x0  }
0x12: {  	s1 =	sld [smem:$0x3F9A];
	s0 =	simm.s32 @p0 $0x1  }
0x13: {  	[smem:$0x3FB5] =	sst s0;
	s0 =	simm.s32 @!p1 $0x0  }
0x14: {  	s2 =	sld [smem:$0x3F99];
	s0 =	simm.s32 @p1 $0x1  }
0x15: {  	[smem:$0x3FB6] =	sst s0;
	s0 =	simm.s32 @!p2 $0x0  }
0x16: {  	s3 =	sld [smem:$0x3FDB];
	s0 =	simm.s32 @p2 $0x1  }
0x17: {  	s4 =	simm.s32 $0x1BF5;
	[smem:$0x3FB8] =	sst s0  }
0x18: {  	s0 =	sld [smem:$0x3F9B];
	_ =	swait.ge [sflag:s4], $0x0  }
0x19: {  	s7 =	sld [smem:$0x3F9C]  }
0x1a: {  	s8 =	sadd.s32 $0xFFFFE003, lr  }
0x1b: {  	s9 =	sadd.s32 $0xFFFFFEF7, lr;
	s5 =	simm.s32 $0xFFFFFFFF;
	p2 =	slt.u32 s8, $0xFFFFF086  }
0x1c: {  	p1 =	slt.u32 s9, $0xF7A;
	s5 =	simm.s32 @!p2 $0x0  }
0x1d: {  	s5 =	simm.s32 @p1 $0x1;
	p0 =	seq.s32 s7, s2  }
0x1e: {  	s7 =	smul.u32 @!p0 $0xF7A, s2;
	p2 =	seq.s32 @!p0 s5, $0x0  }
0x1f: {  	s9 =	smul.u32 $0xF7A, s1;
	s8 =	simm.s32 @!p0 $0x1BF5;
	p2 =	por !p2, p0  }
0x20: {  	[sflag:s8] =	ssyncset.s32 @!p0 $0xFFFFF086;
	s6 =	sadd.s32 @!p0 s3, s7;
	s7 =	simm.s32 @!p0 $0x108  }
0x21: {  	s3 =	sadd.s32 s3, s9;
	s6 =	sadd.s32 @!p0 $0x88, s6;
	s7 =	simm.s32 @p2 $0x1082  }
0x22: {  	[simem:s7], [sflag:s8] =	dma.local @!p0 [hbm:s6], $0xF7A  }
0x23: {  	s9 =	sor.u32 $0xD0000000, s2;
	s6 =	simm.s32 $0x108;
	_ =	swait.ge @!p0 [sflag:s8], $0x0  }
0x24: {  	s3 =	sadd.s32 $0x88, s3;
	s6 =	simm.s32 @!p1 $0x1082;
	[sflag:s4] =	ssyncset.s32 $0xFFFFF086  }
0x25: {  	[simem:s6], [sflag:s4] =	dma.local [hbm:s3], $0xF7A  }
0x26: {  	[smem:$0x3F9C] =	sst s1;
	(tag) =	ssettag s2;
	_ =	strace s9  }
0x27: {  	s1 =	sld [smem:$0x3FAC]  }
0x28: {  	s2 =	sld [smem:$0x3FAD]  }
0x29: {  	s4 =	sld [smem:$0x3FAF]  }
0x2a: {  	p0 =	seq.s32 s5, $0x0;
	s5 =	sld [smem:$0x3FB0]  }
0x2b: {  	s6 =	sld [smem:$0x3FB1]  }
0x2c: {  	s7 =	sld [smem:$0x3FB2]  }
0x2d: {  	s3 =	simm.s32 $0x108;
	s8 =	sld [smem:$0x3FB3]  }
0x2e: {  	s3 =	simm.s32 @!p0 $0x1082;
	s9 =	sld [smem:$0x3FB4]  }
0x2f: {  	lr =	sadd.s32 s0, s3;
	s0 =	sld [smem:$0x3FAB]  }
0x30: {  	s3 =	sld [smem:$0x3FAE]  }
0x31: {  	[smem:$0x3FB7] =	sst s10  }
0x32: {  	s10 =	sld [smem:$0x3FB5];
	_ =	sdelay $0x3  }
0x33: {  	p0 =	seq.s32 s10, $0x1;
	s10 =	sld [smem:$0x3FB7];
	_ =	sdelay $0x3  }
0x34: {  	[smem:$0x3FB7] =	sst s10  }
0x35: {  	s10 =	sld [smem:$0x3FB6];
	_ =	sdelay $0x3  }
0x36: {  	p1 =	seq.s32 s10, $0x1;
	s10 =	sld [smem:$0x3FB7];
	_ =	sdelay $0x3  }
0x37: {  	[smem:$0x3FB7] =	sst s10  }
0x38: {  	s10 =	sld [smem:$0x3FB8]  }
0x39: {  	_ = 	snop;
	(pc) =	sbr.ind lr, $3  }
0x3a: {  	_ = 	snop  }
0x3b: {  	_ = 	snop  }
0x3c: {  	p2 =	seq.s32 s10, $0x1;
	s10 =	sld [smem:$0x3FB7]  }
0x3d: {  	_ =	shalt  }
0x3e: {  	_ =	shalt  }
0x3f: {  	_ =	shalt  }
0x40: {  	_ =	shalt  }
0x41: {  	_ =	shalt  }
0x42: {  	_ =	shalt  }
0x43: {  	_ =	shalt  }
0x44: {  	_ =	shalt  }
0x45: {  	_ =	shalt  }
0x46: {  	_ =	shalt  }
0x47: {  	_ =	shalt  }
0x48: {  	_ =	shalt  }
0x49: {  	_ =	shalt  }
0x4a: {  	_ =	shalt  }
0x4b: {  	_ =	shalt  }
0x4c: {  	_ =	shalt  }
0x4d: {  	_ =	shalt  }
0x4e: {  	_ =	shalt  }
0x4f: {  	_ =	shalt  }
0x50: {  	_ =	shalt  }
0x51: {  	_ =	shalt  }
0x52: {  	_ =	shalt  }
0x53: {  	_ =	shalt  }
0x54: {  	_ =	shalt  }
0x55: {  	_ =	shalt  }
0x56: {  	_ =	shalt  }
0x57: {  	_ =	shalt  }
0x58: {  	_ =	shalt  }
0x59: {  	_ =	shalt  }
0x5a: {  	_ =	shalt  }
0x5b: {  	_ =	shalt  }
0x5c: {  	_ =	shalt  }
0x5d: {  	_ =	shalt  }
0x5e: {  	_ =	shalt  }
0x5f: {  	_ =	shalt  }
0x60: {  	_ =	shalt  }
0x61: {  	_ =	shalt  }
0x62: {  	_ =	shalt  }
0x63: {  	_ =	shalt  }
0x64: {  	_ =	shalt  }
0x65: {  	_ =	shalt  }
0x66: {  	_ =	shalt  }
0x67: {  	_ =	shalt  }
0x68: {  	_ =	shalt  }
0x69: {  	_ =	shalt  }
0x6a: {  	_ =	shalt  }
0x6b: {  	_ =	shalt  }
0x6c: {  	_ =	shalt  }
0x6d: {  	_ =	shalt  }
0x6e: {  	_ =	shalt  }
0x6f: {  	_ =	shalt  }
0x70: {  	_ =	shalt  }
0x71: {  	_ =	shalt  }
0x72: {  	_ =	shalt  }
0x73: {  	_ =	shalt  }
0x74: {  	_ =	shalt  }
0x75: {  	_ =	shalt  }
0x76: {  	_ =	shalt  }
0x77: {  	_ =	shalt  }
0x78: {  	_ =	shalt  }
0x79: {  	_ =	shalt  }
0x7a: {  	_ =	shalt  }
0x7b: {  	_ =	shalt  }
0x7c: {  	_ =	shalt  }
0x7d: {  	_ =	shalt  }
0x7e: {  	_ =	shalt  }
0x7f: {  	_ =	shalt  }
0x80: {  	_ =	shalt  }
0x81: {  	_ =	shalt  }
0x82: {  	_ =	shalt  }
0x83: {  	_ =	shalt  }
0x84: {  	_ =	shalt  }
0x85: {  	_ =	shalt  }
0x86: {  	_ =	shalt  }
0x87: {  	_ =	shalt  }
.Lfunc_end0:
.L_simem_size_0:
called_computation_lowered:
.L_overlay_start_0:
0x88: {  	s2 =	sld [smem:$0x3FD9]  }
0x89: {  	s3 =	sld [smem:$0x3FFE];
	_ =	sdelay $0x1  }
0x8a: {  	s1 =	srdreg.scid  }
0x8b: {  	s0 =	sand.u32 $0x1, s1  }
0x8c: {  	s18 =	sshll.u32 s0, $0xA;
	s2 =	sadd.s32 s3, s2  }
0x8d: {  	s2 =	sadd.s32 s2, s18  }
0x8e: {  	[smem:$0x3FC3] =	sst s2  }
0x8f: {  	_ = 	snop  }
0x90: {  	s2 =	sld [smem:$0x3FC9]  }
0x91: {  	s19 =	sld [smem:$0x3FC8]  }
0x92: {  	s4 =	sld [smem:$0x3FC7]  }
0x93: {  	s5 =	sld [smem:$0x3FC6]  }
0x94: {  	s6 =	sld [smem:$0x3FC5]  }
0x95: {  	s7 =	sld [smem:$0x3FD0];
	(tm) =	ssettm $0x1  }
0x96: {  	s8 =	sld [smem:$0x3FFB];
	_ =	sdelay $0x3  }
0x97: {  	_ =	strace s8  }
0x98: {  	s8 =	sld [smem:$0x3FFC];
	_ =	sdelay $0x3  }
0x99: {  	_ =	strace s8  }
0x9a: {  	s8 =	sld [smem:$0x3FFD];
	_ =	sdelay $0x3  }
0x9b: {  	_ =	strace s8  }
0x9c: {  	_ =	strace $0x8FFFFFFF  }
0x9d: {  	s20 =	sld [smem:$0x3FDB];
	_ =	sdelay $0x1  }
0x9e: {  	s9 =	simm.s32 $_scs_section_size  }
0x9f: {  	s10 =	simm.s32 $_size__tile_overlayer_lowered;
	s11 =	simm.s32 $_tile_overlayer_lowered  }
0xa0: {  	s23 =	simm.s32 $0x1BFF;
	s22 =	sshll.u32 s11, $0x1;
	s8 =	sadd.s32 s9, s20  }
0xa1: {  	s12 =	simm.s32 $0x0;
	s21 =	sshll.u32 s10, $0x1;
	s10 =	sadd.s32 s22, s8  }
0xa2: {  	[timem:s12], [sflag:s23] =	dma.local [hbm:s10], s21  }
0xa3: {  	_ =	swait.ge [sflag:s23], s21  }
0xa4: {  	s9 =	ssub.s32 $0x0, s21;
	[sflag:s23] =	ssyncset.done $0x0  }
0xa5: {  	[sflag:s23] =	ssyncadd.s32 s9;
	_ =	sdelay $0x1  }
0xa6: {  	s24 =	simm.s32 $0x1B8B  }
0xa7: {  	_ =	swait.ge [sflag:s24], $0x1  }
0xa8: {  	[sflag:s24] =	ssyncset.done $0x0  }
0xa9: {  	s25 =	simm.s32 $0x1B8E;
	[sflag:s24] =	ssyncadd.s32 $0xFFFFFFFF  }
0xaa: {  	s26 =	simm.s32 $execute0_lowered;
	[smem:$0x3FD2] =	sst s25  }
0xab: {  	s9 =	sshll.u32 s26, $0x1;
	_ =	strace $0x80000046;
	[dreg:$0x1] =	wrdreg $0xFFFFFFFF  }
0xac: {  	s28 =	simm.s32 $_size_execute0_lowered;
	s8 =	sadd.s32 s8, s9;
	[dreg:$0x0] =	wrdreg $0x0  }
0xad: {  	s9 =	sshll.u32 s28, $0x1;
	[dreg:$0x2] =	wrdreg s8  }
0xae: {  	[dreg:$0x3] =	wrdreg s9  }
0xaf: {  	[dreg:$0x4] =	wrdreg $0xC0  }
0xb0: {  	_ =	task [dreg:s12], $0x5FFFF  }
0xb1: {  	[dreg:$0x1] =	wrdreg $0xFFFFFFFF  }
0xb2: {  	[dreg:$0x0] =	wrdreg $0x60  }
0xb3: {  	[dreg:$0x2] =	wrdreg s2  }
0xb4: {  	[dreg:$0x3] =	wrdreg s19  }
0xb5: {  	[dreg:$0x4] =	wrdreg s4  }
0xb6: {  	[dreg:$0x5] =	wrdreg s5  }
0xb7: {  	[dreg:$0x6] =	wrdreg s6  }
0xb8: {  	[dreg:$0x7] =	wrdreg s7  }
0xb9: {  	[dreg:$0x8] =	wrdreg $0x9  }
0xba: {  	_ =	task.clear_ibuf [dreg:s12], $0x9FFFF;
	_ =	strace $0x90000046  }
0xbb: {  	s29 =	simm.s32 $0x9;
	_ =	strace $0x80000048  }
0xbc: {  	_ =	swait.ge [sflag:s29], $0x1  }
0xbd: {  	[sflag:s29] =	ssyncadd.s32 $0xFFFFFFFF  }
0xbe: {  	_ =	strace $0x90000048  }
0xbf: {  	_ =	sfence  }
0xc0: {  	s30 =	sld [smem:$0x0];
	_ =	sdelay $0x2  }
0xc1: {  	s31 =	sshll.u32 s1, $0xD;
	s1 =	sshrl.u32 s1, $0x2  }
0xc2: {  	s3 =	sand.u32 $0x4000, s31;
	s1 =	sadd.s32 s1, s30  }
0xc3: {  	s0 =	sor.u32 s3, s0;
	s1 =	sshll.u32 s1, $0x11  }
0xc4: {  	s0 =	sor.u32 s1, s0  }
0xc5: {  	s0 =	sadd.s32 $0x8F2B, s0  }
0xc6: {  	[sflag:s0] =	ssyncadd.remote.s32 $0x1  }
0xc7: {  	_ =	sfence.sel $0xFFFF  }
0xc8: {  	[dreg:$0x0] =	wrdreg $0xFFFFFFFF;
	(pc) =	sbr.abs _section_cstart, $3  }
0xc9: {  	[dreg:$0x1] =	wrdreg $0xFFFFFFFF  }
0xca: {  	_ =	task.clear_ibuf [dreg:s12], $0x2FFFF;
	_ =	strace $0x9FFFFFFF  }
0xcb: {  	(tm) =	ssettm $0x7FFFFFFF  }
tec
execute0_lowered:
.L_overlay_start_1:
0x0: {  	(tag) =	ssettag $0x1  }
0x1: {  	s0 =	rddreg [dreg:$0x0]  }
0x2: {  	s1 =	rddreg [dreg:$0x1]  }
0x3: {  	s2 =	rddreg [dreg:$0x2]  }
0x4: {  	s3 =	rddreg [dreg:$0x5];
	s5 =	srdreg.scid  }
0x5: {  	s4 =	simm.s32 $0x0;
	s7 =	stileid.u32;
	s11 =	simm.s32 $0x1  }
0x6: {  	s12 =	simm.s32 $0x12080;
	s13 =	simm.s32 $0x20000;
	s14 =	simm.s32 $0x1000  }
0x7: {  	s15 =	simm.s32 $0x3000;
	s16 =	simm.s32 $0x5000;
	s5 =	sand.u32 $0x1, s5  }
0x8: {  	s17 =	simm.s32 $0x0;
	s7 =	sshll.u32 s7, $0xA;
	s6 =	ssub.s32 $0x2, s5  }
0x9: {  	[smem:$0x7FF] =	sst s4;
	s5 =	sshll.u32 s5, $0x9;
	s8 =	sshrl.u32 s6, $0x1  }
0xa: {  	_ =	strace $0x80000047;
	s9 =	sor.u32 s5, s7;
	s10 =	ssub.s32 s6, s8  }
0xb: {  	s5 =	sadd.s32 s0, s9;
	s6 =	sadd.s32 s1, s9;
	s7 =	sadd.s32 s2, s9  }
0xc: {  	s8 =	sadd.s32 s3, s9;
	s9 =	smax.u32 s10, $0x1;
	s10 =	simm.s32 $0x12000  }
.LBB2_1:
0xd: {  	s0 =	rddreg [dreg:$0x3]  }
0xe: {  	[tilespmem:s10], [sflag:$0x1] =	stream.linear.gather [hbm4b:s0+s4], $0x80, $0x38;
	[tilespmem:$0x15500] =	vst v63  }
0xf: {  	_ =	swait.ge [sflag:s11], $0x80  }
0x10: {  	[sflag:s11] =	ssyncset.done $0x0  }
0x11: {  	[sflag:s11] =	ssyncadd.s32 $0xFFFFFF80  }
0x12: {  	s31 =	rddreg [dreg:$0x4]  }
0x13: {  	[tilespmem:s12], [sflag:$0x1] =	stream.linear.gather [hbm4b:s31+s4], $0x80, $0x38;
	[tilespmem:$0x15500] =	vst v63  }
0x14: {  	_ =	swait.ge [sflag:s11], $0x80  }
0x15: {  	[sflag:s11] =	ssyncset.done $0x0  }
0x16: {  	[sflag:s11] =	ssyncadd.s32 $0xFFFFFF80  }
0x17: {  	[tilespmem:s4], [sflag:$0x1] =	stream.linear.gather [hbm4b:s5+s4], $0x1000, $0x38;
	[tilespmem:$0x15500] =	vst v63  }
0x18: {  	_ =	swait.ge [sflag:s11], $0x1000  }
0x19: {  	[sflag:s11] =	ssyncset.done $0x0  }
0x1a: {  	[sflag:s11] =	ssyncadd.s32 $0xFFFFF000  }
0x1b: {  	[tilespmem:s14], [sflag:$0x1] =	stream.strided.gather [hbm4b:s6+s14], $0x2000, s13, s14, $0x38;
	[tilespmem:$0x15500] =	vst v63  }
0x1c: {  	_ =	swait.ge [sflag:s11], $0x2000  }
0x1d: {  	[sflag:s11] =	ssyncset.done $0x0  }
0x1e: {  	[sflag:s11] =	ssyncadd.s32 $0xFFFFE000  }
0x1f: {  	[tilespmem:s15], [sflag:$0x1] =	stream.strided.gather [hbm4b:s7+s14], $0x2000, s13, s14, $0x38;
	[tilespmem:$0x15500] =	vst v63  }
0x20: {  	_ =	swait.ge [sflag:s11], $0x2000  }
0x21: {  	[sflag:s11] =	ssyncset.done $0x0  }
0x22: {  	v4 =	vimm.s32 $0x1;
	[sflag:s11] =	ssyncadd.s32 $0xFFFFE000  }
0x23: {  	v5 =	vimm.s32 $0x2;
	v3 =	vld.msk [tilespmem:s10+$0x0], $0xffff;
	_ =	sdelay $0x2  }
0x24: {  	v2 =	vld.msk [tilespmem:s12+$0x0], $0xffff  }
0x25: {  	v1 =	vld.idx.msk [tilespmem:v4+s12+$0x0], $0xffff  }
0x26: {  	v0 =	vld.idx.msk [tilespmem:v5+s12+$0x0], $0xffff;
	[tilespmem:$0x12100] =	vst v3  }
0x27: {  	v3 =	vld.idx.msk [tilespmem:v4+s10+$0x0], $0xffff;
	_ =	sdelay $0x4  }
0x28: {  	[tilespmem:$0x12180] =	vst v3  }
0x29: {  	v3 =	vld.idx.msk [tilespmem:v5+s10+$0x0], $0xffff  }
0x2a: {  	v20 =	vimm.s32 $0x3;
	_ =	sdelay $0x3  }
0x2b: {  	[tilespmem:$0x12200] =	vst v3  }
0x2c: {  	v3 =	vld.idx.msk [tilespmem:v20+s10+$0x0], $0xffff  }
0x2d: {  	v21 =	vimm.s32 $0x4;
	_ =	sdelay $0x3  }
0x2e: {  	[tilespmem:$0x12280] =	vst v3  }
0x2f: {  	v3 =	vld.idx.msk [tilespmem:v21+s10+$0x0], $0xffff  }
0x30: {  	v22 =	vimm.s32 $0x5;
	_ =	sdelay $0x3  }
0x31: {  	[tilespmem:$0x12300] =	vst v3  }
0x32: {  	v3 =	vld.idx.msk [tilespmem:v22+s10+$0x0], $0xffff  }
0x33: {  	v23 =	vimm.s32 $0x6;
	_ =	sdelay $0x3  }
0x34: {  	[tilespmem:$0x12380] =	vst v3  }
0x35: {  	v3 =	vld.idx.msk [tilespmem:v23+s10+$0x0], $0xffff  }
0x36: {  	v24 =	vimm.s32 $0x7;
	_ =	sdelay $0x3  }
0x37: {  	[tilespmem:$0x12400] =	vst v3  }
0x38: {  	v3 =	vld.idx.msk [tilespmem:v24+s10+$0x0], $0xffff  }
0x39: {  	v25 =	vimm.s32 $0x8;
	_ =	sdelay $0x3  }
0x3a: {  	[tilespmem:$0x12480] =	vst v3  }
0x3b: {  	v3 =	vld.idx.msk [tilespmem:v25+s10+$0x0], $0xffff  }
0x3c: {  	v26 =	vimm.s32 $0x9;
	_ =	sdelay $0x3  }
0x3d: {  	[tilespmem:$0x12500] =	vst v3  }
0x3e: {  	v3 =	vld.idx.msk [tilespmem:v26+s10+$0x0], $0xffff  }
0x3f: {  	v27 =	vimm.s32 $0xA;
	_ =	sdelay $0x3  }
0x40: {  	[tilespmem:$0x12580] =	vst v3  }
0x41: {  	v3 =	vld.idx.msk [tilespmem:v27+s10+$0x0], $0xffff  }
0x42: {  	v28 =	vimm.s32 $0xB;
	_ =	sdelay $0x3  }
0x43: {  	[tilespmem:$0x12600] =	vst v3  }
0x44: {  	v3 =	vld.idx.msk [tilespmem:v28+s10+$0x0], $0xffff  }
0x45: {  	v29 =	vimm.s32 $0xC;
	_ =	sdelay $0x3  }
0x46: {  	[tilespmem:$0x12680] =	vst v3  }
0x47: {  	v3 =	vld.idx.msk [tilespmem:v29+s10+$0x0], $0xffff  }
0x48: {  	v30 =	vimm.s32 $0xD;
	_ =	sdelay $0x3  }
0x49: {  	[tilespmem:$0x12700] =	vst v3  }
0x4a: {  	v3 =	vld.idx.msk [tilespmem:v30+s10+$0x0], $0xffff  }
0x4b: {  	v31 =	vimm.s32 $0xE;
	_ =	sdelay $0x3  }
0x4c: {  	[tilespmem:$0x12780] =	vst v3  }
0x4d: {  	v3 =	vld.idx.msk [tilespmem:v31+s10+$0x0], $0xffff  }
0x4e: {  	v32 =	vimm.s32 $0xF;
	_ =	sdelay $0x3  }
0x4f: {  	[tilespmem:$0x12800] =	vst v3  }
0x50: {  	v3 =	vld.idx.msk [tilespmem:v32+s10+$0x0], $0xffff  }
0x51: {  	v33 =	vimm.s32 $0x10;
	_ =	sdelay $0x3  }
0x52: {  	[tilespmem:$0x12880] =	vst v3  }
0x53: {  	v3 =	vld.idx.msk [tilespmem:v33+s10+$0x0], $0xffff  }
0x54: {  	v34 =	vimm.s32 $0x11;
	_ =	sdelay $0x3  }
0x55: {  	[tilespmem:$0x12900] =	vst v3  }
0x56: {  	v3 =	vld.idx.msk [tilespmem:v34+s10+$0x0], $0xffff  }
0x57: {  	v35 =	vimm.s32 $0x12;
	_ =	sdelay $0x3  }
0x58: {  	[tilespmem:$0x12980] =	vst v3  }
0x59: {  	v3 =	vld.idx.msk [tilespmem:v35+s10+$0x0], $0xffff  }
0x5a: {  	v36 =	vimm.s32 $0x13;
	_ =	sdelay $0x3  }
0x5b: {  	[tilespmem:$0x12A00] =	vst v3  }
0x5c: {  	v3 =	vld.idx.msk [tilespmem:v36+s10+$0x0], $0xffff  }
0x5d: {  	v37 =	vimm.s32 $0x14;
	_ =	sdelay $0x3  }
0x5e: {  	[tilespmem:$0x12A80] =	vst v3  }
0x5f: {  	v3 =	vld.idx.msk [tilespmem:v37+s10+$0x0], $0xffff  }
0x60: {  	v38 =	vimm.s32 $0x15;
	_ =	sdelay $0x3  }
0x61: {  	[tilespmem:$0x12B00] =	vst v3  }
0x62: {  	v3 =	vld.idx.msk [tilespmem:v38+s10+$0x0], $0xffff  }
0x63: {  	v39 =	vimm.s32 $0x16;
	_ =	sdelay $0x3  }
0x64: {  	[tilespmem:$0x12B80] =	vst v3  }
0x65: {  	v3 =	vld.idx.msk [tilespmem:v39+s10+$0x0], $0xffff  }
0x66: {  	v40 =	vimm.s32 $0x17;
	_ =	sdelay $0x3  }
0x67: {  	[tilespmem:$0x12C00] =	vst v3  }
0x68: {  	v3 =	vld.idx.msk [tilespmem:v40+s10+$0x0], $0xffff  }
0x69: {  	v41 =	vimm.s32 $0x18;
	_ =	sdelay $0x3  }
0x6a: {  	[tilespmem:$0x12C80] =	vst v3  }
0x6b: {  	v3 =	vld.idx.msk [tilespmem:v41+s10+$0x0], $0xffff  }
0x6c: {  	v42 =	vimm.s32 $0x19;
	_ =	sdelay $0x3  }
0x6d: {  	[tilespmem:$0x12D00] =	vst v3  }
0x6e: {  	v3 =	vld.idx.msk [tilespmem:v42+s10+$0x0], $0xffff  }
0x6f: {  	v43 =	vimm.s32 $0x1A;
	_ =	sdelay $0x3  }
0x70: {  	[tilespmem:$0x12D80] =	vst v3  }
0x71: {  	v3 =	vld.idx.msk [tilespmem:v43+s10+$0x0], $0xffff  }
0x72: {  	v44 =	vimm.s32 $0x1B;
	_ =	sdelay $0x3  }
0x73: {  	[tilespmem:$0x12E00] =	vst v3  }
0x74: {  	v3 =	vld.idx.msk [tilespmem:v44+s10+$0x0], $0xffff  }
0x75: {  	v45 =	vimm.s32 $0x1C;
	_ =	sdelay $0x3  }
0x76: {  	[tilespmem:$0x12E80] =	vst v3  }
0x77: {  	v3 =	vld.idx.msk [tilespmem:v45+s10+$0x0], $0xffff  }
0x78: {  	v46 =	vimm.s32 $0x1D;
	_ =	sdelay $0x3  }
0x79: {  	[tilespmem:$0x12F00] =	vst v3  }
0x7a: {  	v3 =	vld.idx.msk [tilespmem:v46+s10+$0x0], $0xffff  }
0x7b: {  	v47 =	vimm.s32 $0x1E;
	_ =	sdelay $0x3  }
0x7c: {  	[tilespmem:$0x12F80] =	vst v3  }
0x7d: {  	v3 =	vld.idx.msk [tilespmem:v47+s10+$0x0], $0xffff  }
0x7e: {  	v48 =	vimm.s32 $0x1F;
	_ =	sdelay $0x3  }
0x7f: {  	[tilespmem:$0x13000] =	vst v3  }
0x80: {  	v3 =	vld.idx.msk [tilespmem:v48+s10+$0x0], $0xffff  }
0x81: {  	v49 =	vimm.s32 $0x20;
	_ =	sdelay $0x3  }
0x82: {  	[tilespmem:$0x13080] =	vst v3  }
0x83: {  	v3 =	vld.idx.msk [tilespmem:v49+s10+$0x0], $0xffff  }
0x84: {  	v50 =	vimm.s32 $0x21;
	_ =	sdelay $0x3  }
0x85: {  	[tilespmem:$0x13100] =	vst v3  }
0x86: {  	v3 =	vld.idx.msk [tilespmem:v50+s10+$0x0], $0xffff  }
0x87: {  	v51 =	vimm.s32 $0x22;
	_ =	sdelay $0x3  }
0x88: {  	[tilespmem:$0x13180] =	vst v3  }
0x89: {  	v3 =	vld.idx.msk [tilespmem:v51+s10+$0x0], $0xffff  }
0x8a: {  	v52 =	vimm.s32 $0x23;
	_ =	sdelay $0x3  }
0x8b: {  	[tilespmem:$0x13200] =	vst v3  }
0x8c: {  	v3 =	vld.idx.msk [tilespmem:v52+s10+$0x0], $0xffff  }
0x8d: {  	v53 =	vimm.s32 $0x24;
	_ =	sdelay $0x3  }
0x8e: {  	[tilespmem:$0x13280] =	vst v3  }
0x8f: {  	v3 =	vld.idx.msk [tilespmem:v53+s10+$0x0], $0xffff  }
0x90: {  	v54 =	vimm.s32 $0x25;
	_ =	sdelay $0x3  }
0x91: {  	[tilespmem:$0x13300] =	vst v3  }
0x92: {  	v3 =	vld.idx.msk [tilespmem:v54+s10+$0x0], $0xffff  }
0x93: {  	v55 =	vimm.s32 $0x26;
	_ =	sdelay $0x3  }
0x94: {  	[tilespmem:$0x13380] =	vst v3  }
0x95: {  	v3 =	vld.idx.msk [tilespmem:v55+s10+$0x0], $0xffff  }
0x96: {  	v56 =	vimm.s32 $0x27;
	_ =	sdelay $0x3  }
0x97: {  	[tilespmem:$0x13400] =	vst v3  }
0x98: {  	v3 =	vld.idx.msk [tilespmem:v56+s10+$0x0], $0xffff  }
0x99: {  	v57 =	vimm.s32 $0x28;
	_ =	sdelay $0x3  }
0x9a: {  	[tilespmem:$0x13480] =	vst v3  }
0x9b: {  	v3 =	vld.idx.msk [tilespmem:v57+s10+$0x0], $0xffff  }
0x9c: {  	v58 =	vimm.s32 $0x29;
	_ =	sdelay $0x3  }
0x9d: {  	[tilespmem:$0x13500] =	vst v3  }
0x9e: {  	v3 =	vld.idx.msk [tilespmem:v58+s10+$0x0], $0xffff  }
0x9f: {  	v59 =	vimm.s32 $0x2A;
	_ =	sdelay $0x3  }
0xa0: {  	[tilespmem:$0x13580] =	vst v3  }
0xa1: {  	v3 =	vld.idx.msk [tilespmem:v59+s10+$0x0], $0xffff  }
0xa2: {  	v60 =	vimm.s32 $0x2B;
	_ =	sdelay $0x3  }
0xa3: {  	[tilespmem:$0x13600] =	vst v3  }
0xa4: {  	v3 =	vld.idx.msk [tilespmem:v60+s10+$0x0], $0xffff  }
0xa5: {  	v61 =	vimm.s32 $0x2C;
	_ =	sdelay $0x3  }
0xa6: {  	[tilespmem:$0x13680] =	vst v3  }
0xa7: {  	v3 =	vld.idx.msk [tilespmem:v61+s10+$0x0], $0xffff  }
0xa8: {  	v62 =	vimm.s32 $0x2D;
	_ =	sdelay $0x3  }
0xa9: {  	[tilespmem:$0x13700] =	vst v3  }
0xaa: {  	v3 =	vld.idx.msk [tilespmem:v62+s10+$0x0], $0xffff  }
0xab: {  	v63 =	vimm.s32 $0x2E;
	_ =	sdelay $0x3  }
0xac: {  	[tilespmem:$0x13780] =	vst v3  }
0xad: {  	v3 =	vld.idx.msk [tilespmem:v63+s10+$0x0], $0xffff  }
0xae: {  	v6 =	vimm.s32 $0x2F;
	_ =	sdelay $0x3  }
0xaf: {  	[tilespmem:$0x13800] =	vst v3  }
0xb0: {  	v3 =	vld.idx.msk [tilespmem:v6+s10+$0x0], $0xffff  }
0xb1: {  	v7 =	vimm.s32 $0x30;
	_ =	sdelay $0x3  }
0xb2: {  	[tilespmem:$0x13880] =	vst v3  }
0xb3: {  	v3 =	vld.idx.msk [tilespmem:v7+s10+$0x0], $0xffff  }
0xb4: {  	v8 =	vimm.s32 $0x31;
	_ =	sdelay $0x3  }
0xb5: {  	[tilespmem:$0x13900] =	vst v3  }
0xb6: {  	v3 =	vld.idx.msk [tilespmem:v8+s10+$0x0], $0xffff  }
0xb7: {  	v9 =	vimm.s32 $0x32;
	_ =	sdelay $0x3  }
0xb8: {  	[tilespmem:$0x13980] =	vst v3  }
0xb9: {  	v3 =	vld.idx.msk [tilespmem:v9+s10+$0x0], $0xffff  }
0xba: {  	v10 =	vimm.s32 $0x33;
	_ =	sdelay $0x3  }
0xbb: {  	[tilespmem:$0x13A00] =	vst v3  }
0xbc: {  	v3 =	vld.idx.msk [tilespmem:v10+s10+$0x0], $0xffff  }
0xbd: {  	v11 =	vimm.s32 $0x34;
	_ =	sdelay $0x3  }
0xbe: {  	[tilespmem:$0x13A80] =	vst v3  }
0xbf: {  	v3 =	vld.idx.msk [tilespmem:v11+s10+$0x0], $0xffff  }
0xc0: {  	v12 =	vimm.s32 $0x35;
	_ =	sdelay $0x3  }
0xc1: {  	[tilespmem:$0x13B00] =	vst v3  }
0xc2: {  	v3 =	vld.idx.msk [tilespmem:v12+s10+$0x0], $0xffff  }
0xc3: {  	v13 =	vimm.s32 $0x36;
	_ =	sdelay $0x3  }
0xc4: {  	[tilespmem:$0x13B80] =	vst v3  }
0xc5: {  	v3 =	vld.idx.msk [tilespmem:v13+s10+$0x0], $0xffff  }
0xc6: {  	v14 =	vimm.s32 $0x37;
	_ =	sdelay $0x3  }
0xc7: {  	[tilespmem:$0x13C00] =	vst v3  }
0xc8: {  	v3 =	vld.idx.msk [tilespmem:v14+s10+$0x0], $0xffff  }
0xc9: {  	v15 =	vimm.s32 $0x38;
	_ =	sdelay $0x3  }
0xca: {  	[tilespmem:$0x13C80] =	vst v3  }
0xcb: {  	v3 =	vld.idx.msk [tilespmem:v15+s10+$0x0], $0xffff  }
0xcc: {  	v16 =	vimm.s32 $0x39;
	_ =	sdelay $0x3  }
0xcd: {  	[tilespmem:$0x13D00] =	vst v3  }
0xce: {  	v3 =	vld.idx.msk [tilespmem:v16+s10+$0x0], $0xffff  }
0xcf: {  	v17 =	vimm.s32 $0x3A;
	_ =	sdelay $0x3  }
0xd0: {  	[tilespmem:$0x13D80] =	vst v3  }
0xd1: {  	v3 =	vld.idx.msk [tilespmem:v17+s10+$0x0], $0xffff  }
0xd2: {  	v18 =	vimm.s32 $0x3B;
	_ =	sdelay $0x3  }
0xd3: {  	[tilespmem:$0x13E00] =	vst v3  }
0xd4: {  	v3 =	vld.idx.msk [tilespmem:v18+s10+$0x0], $0xffff  }
0xd5: {  	v19 =	vimm.s32 $0x3C;
	_ =	sdelay $0x3  }
0xd6: {  	[tilespmem:$0x13E80] =	vst v3  }
0xd7: {  	v3 =	vld.idx.msk [tilespmem:v19+s10+$0x0], $0xffff  }
0xd8: {  	v20 =	vimm.s32 $0x3D;
	_ =	sdelay $0x3  }
0xd9: {  	[tilespmem:$0x13F00] =	vst v3  }
0xda: {  	v3 =	vld.idx.msk [tilespmem:v20+s10+$0x0], $0xffff  }
0xdb: {  	v21 =	vimm.s32 $0x3E;
	_ =	sdelay $0x3  }
0xdc: {  	[tilespmem:$0x13F80] =	vst v3  }
0xdd: {  	v3 =	vld.idx.msk [tilespmem:v21+s10+$0x0], $0xffff  }
0xde: {  	v22 =	vimm.s32 $0x3F;
	_ =	sdelay $0x3  }
0xdf: {  	[tilespmem:$0x14000] =	vst v3  }
0xe0: {  	v3 =	vld.idx.msk [tilespmem:v22+s10+$0x0], $0xffff  }
0xe1: {  	v23 =	vimm.s32 $0x40;
	_ =	sdelay $0x3  }
0xe2: {  	[tilespmem:$0x14080] =	vst v3  }
0xe3: {  	v3 =	vld.idx.msk [tilespmem:v23+s10+$0x0], $0xffff  }
0xe4: {  	v24 =	vimm.s32 $0x41;
	_ =	sdelay $0x3  }
0xe5: {  	[tilespmem:$0x14100] =	vst v3  }
0xe6: {  	v3 =	vld.idx.msk [tilespmem:v24+s10+$0x0], $0xffff  }
0xe7: {  	v25 =	vimm.s32 $0x42;
	_ =	sdelay $0x3  }
0xe8: {  	[tilespmem:$0x14180] =	vst v3  }
0xe9: {  	v3 =	vld.idx.msk [tilespmem:v25+s10+$0x0], $0xffff  }
0xea: {  	v26 =	vimm.s32 $0x43;
	_ =	sdelay $0x3  }
0xeb: {  	[tilespmem:$0x14200] =	vst v3  }
0xec: {  	v3 =	vld.idx.msk [tilespmem:v26+s10+$0x0], $0xffff  }
0xed: {  	v27 =	vimm.s32 $0x44;
	_ =	sdelay $0x3  }
0xee: {  	[tilespmem:$0x14280] =	vst v3  }
0xef: {  	v3 =	vld.idx.msk [tilespmem:v27+s10+$0x0], $0xffff  }
0xf0: {  	v28 =	vimm.s32 $0x45;
	_ =	sdelay $0x3  }
0xf1: {  	[tilespmem:$0x14300] =	vst v3  }
0xf2: {  	v3 =	vld.idx.msk [tilespmem:v28+s10+$0x0], $0xffff  }
0xf3: {  	v29 =	vimm.s32 $0x46;
	_ =	sdelay $0x3  }
0xf4: {  	[tilespmem:$0x14380] =	vst v3  }
0xf5: {  	v3 =	vld.idx.msk [tilespmem:v29+s10+$0x0], $0xffff  }
0xf6: {  	v30 =	vimm.s32 $0x47;
	_ =	sdelay $0x3  }
0xf7: {  	[tilespmem:$0x14400] =	vst v3  }
0xf8: {  	v3 =	vld.idx.msk [tilespmem:v30+s10+$0x0], $0xffff  }
0xf9: {  	v31 =	vimm.s32 $0x48;
	_ =	sdelay $0x3  }
0xfa: {  	[tilespmem:$0x14480] =	vst v3  }
0xfb: {  	v3 =	vld.idx.msk [tilespmem:v31+s10+$0x0], $0xffff  }
0xfc: {  	v32 =	vimm.s32 $0x49;
	_ =	sdelay $0x3  }
0xfd: {  	[tilespmem:$0x14500] =	vst v3  }
0xfe: {  	v3 =	vld.idx.msk [tilespmem:v32+s10+$0x0], $0xffff  }
0xff: {  	v33 =	vimm.s32 $0x4A;
	_ =	sdelay $0x3  }
0x100: {  	[tilespmem:$0x14580] =	vst v3  }
0x101: {  	v3 =	vld.idx.msk [tilespmem:v33+s10+$0x0], $0xffff  }
0x102: {  	v34 =	vimm.s32 $0x4B;
	_ =	sdelay $0x3  }
0x103: {  	[tilespmem:$0x14600] =	vst v3  }
0x104: {  	v3 =	vld.idx.msk [tilespmem:v34+s10+$0x0], $0xffff  }
0x105: {  	v35 =	vimm.s32 $0x4C;
	_ =	sdelay $0x3  }
0x106: {  	[tilespmem:$0x14680] =	vst v3  }
0x107: {  	v3 =	vld.idx.msk [tilespmem:v35+s10+$0x0], $0xffff  }
0x108: {  	v36 =	vimm.s32 $0x4D;
	_ =	sdelay $0x3  }
0x109: {  	[tilespmem:$0x14700] =	vst v3  }
0x10a: {  	v3 =	vld.idx.msk [tilespmem:v36+s10+$0x0], $0xffff  }
0x10b: {  	v37 =	vimm.s32 $0x4E;
	_ =	sdelay $0x3  }
0x10c: {  	[tilespmem:$0x14780] =	vst v3  }
0x10d: {  	v3 =	vld.idx.msk [tilespmem:v37+s10+$0x0], $0xffff  }
0x10e: {  	v38 =	vimm.s32 $0x4F;
	_ =	sdelay $0x3  }
0x10f: {  	[tilespmem:$0x14800] =	vst v3  }
0x110: {  	v3 =	vld.idx.msk [tilespmem:v38+s10+$0x0], $0xffff  }
0x111: {  	v39 =	vimm.s32 $0x50;
	_ =	sdelay $0x3  }
0x112: {  	[tilespmem:$0x14880] =	vst v3  }
0x113: {  	v3 =	vld.idx.msk [tilespmem:v39+s10+$0x0], $0xffff  }
0x114: {  	v40 =	vimm.s32 $0x51;
	_ =	sdelay $0x3  }
0x115: {  	[tilespmem:$0x14900] =	vst v3  }
0x116: {  	v3 =	vld.idx.msk [tilespmem:v40+s10+$0x0], $0xffff  }
0x117: {  	v41 =	vimm.s32 $0x52;
	_ =	sdelay $0x3  }
0x118: {  	[tilespmem:$0x14980] =	vst v3  }
0x119: {  	v3 =	vld.idx.msk [tilespmem:v41+s10+$0x0], $0xffff  }
0x11a: {  	v42 =	vimm.s32 $0x53;
	_ =	sdelay $0x3  }
0x11b: {  	[tilespmem:$0x14A00] =	vst v3  }
0x11c: {  	v3 =	vld.idx.msk [tilespmem:v42+s10+$0x0], $0xffff  }
0x11d: {  	v43 =	vimm.s32 $0x54;
	_ =	sdelay $0x3  }
0x11e: {  	[tilespmem:$0x14A80] =	vst v3  }
0x11f: {  	v3 =	vld.idx.msk [tilespmem:v43+s10+$0x0], $0xffff  }
0x120: {  	v44 =	vimm.s32 $0x55;
	_ =	sdelay $0x3  }
0x121: {  	[tilespmem:$0x14B00] =	vst v3  }
0x122: {  	v3 =	vld.idx.msk [tilespmem:v44+s10+$0x0], $0xffff  }
0x123: {  	v45 =	vimm.s32 $0x56;
	_ =	sdelay $0x3  }
0x124: {  	[tilespmem:$0x14B80] =	vst v3  }
0x125: {  	v3 =	vld.idx.msk [tilespmem:v45+s10+$0x0], $0xffff  }
0x126: {  	v46 =	vimm.s32 $0x57;
	_ =	sdelay $0x3  }
0x127: {  	[tilespmem:$0x14C00] =	vst v3  }
0x128: {  	v3 =	vld.idx.msk [tilespmem:v46+s10+$0x0], $0xffff  }
0x129: {  	v47 =	vimm.s32 $0x58;
	_ =	sdelay $0x3  }
0x12a: {  	[tilespmem:$0x14C80] =	vst v3  }
0x12b: {  	v3 =	vld.idx.msk [tilespmem:v47+s10+$0x0], $0xffff  }
0x12c: {  	v48 =	vimm.s32 $0x59;
	_ =	sdelay $0x3  }
0x12d: {  	[tilespmem:$0x14D00] =	vst v3  }
0x12e: {  	v3 =	vld.idx.msk [tilespmem:v48+s10+$0x0], $0xffff  }
0x12f: {  	v49 =	vimm.s32 $0x5A;
	_ =	sdelay $0x3  }
0x130: {  	[tilespmem:$0x14D80] =	vst v3  }
0x131: {  	v3 =	vld.idx.msk [tilespmem:v49+s10+$0x0], $0xffff  }
0x132: {  	v50 =	vimm.s32 $0x5B;
	_ =	sdelay $0x3  }
0x133: {  	[tilespmem:$0x14E00] =	vst v3  }
0x134: {  	v3 =	vld.idx.msk [tilespmem:v50+s10+$0x0], $0xffff  }
0x135: {  	v51 =	vimm.s32 $0x5C;
	_ =	sdelay $0x3  }
0x136: {  	[tilespmem:$0x14E80] =	vst v3  }
0x137: {  	v3 =	vld.idx.msk [tilespmem:v51+s10+$0x0], $0xffff  }
0x138: {  	v52 =	vimm.s32 $0x5D;
	_ =	sdelay $0x3  }
0x139: {  	[tilespmem:$0x14F00] =	vst v3  }
0x13a: {  	v3 =	vld.idx.msk [tilespmem:v52+s10+$0x0], $0xffff  }
0x13b: {  	v53 =	vimm.s32 $0x5E;
	_ =	sdelay $0x3  }
0x13c: {  	[tilespmem:$0x14F80] =	vst v3  }
0x13d: {  	v3 =	vld.idx.msk [tilespmem:v53+s10+$0x0], $0xffff  }
0x13e: {  	v55 =	vimm.s32 $0x5F;
	_ =	sdelay $0x1  }
0x13f: {  	v54 =	vmax.f32 v2, v1  }
0x140: {  	v4 =	vmax.f32 v54, v0  }
0x141: {  	v2 =	vsub.f32 v2, v4;
	[tilespmem:$0x15000] =	vst v3  }
0x142: {  	v1 =	vsub.f32 v1, v4;
	v3 =	vld.idx.msk [tilespmem:v55+s10+$0x0], $0xffff  }
0x143: {  	v2 =	vmul.f32 $1.442695020e+00, v2;
	v56 =	vimm.s32 $0x60  }
0x144: {  	v0 =	vsub.f32 v0, v4;
	v1 =	vmul.f32 $1.442695020e+00, v1  }
0x145: {  	(erf) = vpow2.f32 v2  }
0x146: {  	v0 =	vmul.f32 $1.442695020e+00, v0;
	(erf) = vpow2.f32 v1  }
0x147: {  	[tilespmem:$0x15080] =	vst v3  }
0x148: {  	(erf) = vpow2.f32 v0;
	v0 =	vld.idx.msk [tilespmem:v56+s10+$0x0], $0xffff  }
0x149: {  	v58 =	vimm.s32 $0x61;
	_ =	sdelay $0x3  }
0x14a: {  	[tilespmem:$0x15100] =	vst v0  }
0x14b: {  	v57 =	vpop (erf);
	v1 =	vld.idx.msk [tilespmem:v58+s10+$0x0], $0xffff  }
0x14c: {  	v59 =	vpop (erf);
	v62 =	vimm.s32 $0x62  }
0x14d: {  	v60 =	vadd.f32 v59, v57  }
0x14e: {  	v61 =	vpop (erf)  }
0x14f: {  	v3 =	vadd.f32 v60, v61  }
0x150: {  	[tilespmem:$0x15180] =	vst v1  }
0x151: {  	(erf) = vrcp.f32 v3;
	v1 =	vld.idx.msk [tilespmem:v62+s10+$0x0], $0xffff  }
0x152: {  	v63 =	vimm.s32 $0x63;
	_ =	sdelay $0x3  }
0x153: {  	[tilespmem:$0x15200] =	vst v1  }
0x154: {  	v1 =	vld.idx.msk [tilespmem:v63+s10+$0x0], $0xffff;
	_ =	sdelay $0x2  }
0x155: {  	v3 =	vpop (erf)  }
0x156: {  	s18 =	simm.s32 $0xFFFFFFFE;
	v41 =	vmul.f32 v3, v57  }
0x157: {  	s19 =	simm.s32 $0x0;
	s20 =	simm.s32 $0x0;
	s21 =	simm.s32 $0x0;
	v38 =	vmul.f32 v3, v59;
	v39 =	vmul.f32 v3, v61;
	[tilespmem:$0x15280] =	vst v1  }
.LBB2_2:
0x158: {  	s22 =	sand.u32 $0x60, s19;
	s23 =	sand.u32 $0xC00, s21;
	v48 =	vld [tilespmem:$0x12100]  }
0x159: {  	v57 =	vld [tilespmem:$0x12100];
	s25 =	sor.u32 s22, s23  }
0x15a: {  	v0 =	vld [tilespmem:s25+$0x0]  }
0x15b: {  	v29 =	vld [tilespmem:s25+$0x80]  }
0x15c: {  	v27 =	vld [tilespmem:s25+$0x100]  }
0x15d: {  	v1 =	vld [tilespmem:s25+$0x200]  }
0x15e: {  	s24 =	sor.u32 s21, s19;
	v2 =	vld [tilespmem:s25+$0x1100]  }
0x15f: {  	s31 =	sor.u32 $0x380, s24;
	v3 =	vld [tilespmem:s25+$0x3000]  }
0x160: {  	s0 =	sand.u32 $0xFFFFFC00, s21;
	v14 =	vld [tilespmem:s31+$0x1000]  }
0x161: {  	s0 =	sadd.s32 s0, s19;
	v49 =	vld [tilespmem:s25+$0x3100]  }
0x162: {  	s1 =	sor.u32 $0x180, s0;
	v54 =	vld [tilespmem:s31+$0x3000]  }
0x163: {  	v21 =	vld [tilespmem:s1+$0x0]  }
0x164: {  	v18 =	vld [tilespmem:s1+$0x1000];
	v34 =	vmul.f32 v0, v41;
	v43 =	vmul.f32 v2, v38  }
0x165: {  	s24 =	sor.u32 $0x10, s22;
	s29 =	sor.u32 $0x1180, s0;
	v50 =	vld [tilespmem:s1+$0x3000]  }
0x166: {  	s2 =	sand.u32 $0x3, s20;
	s28 =	sor.u32 s23, s24;
	v5 =	vld [tilespmem:s29+$0x3000];
	v61 =	vmul.f32 v3, v39;
	v9 =	vadd.f32 v43, v34  }
0x167: {  	s2 =	sshll.u32 s2, $0x5;
	v55 =	vld [tilespmem:s28+$0x0]  }
0x168: {  	s3 =	sadd.s32 s2, s21;
	v10 =	vld [tilespmem:s28+$0x1100];
	v6 =	vadd.f32 v61, v9  }
0x169: {  	s2 =	sor.u32 $0x300, s3;
	v56 =	vld [tilespmem:s28+$0x3000]  }
0x16a: {  	v4 =	vld [tilespmem:s2+$0x1000];
	v6 =	vadd.f32 v48, v6  }
0x16b: {  	s26 =	sor.u32 $0x1300, s3;
	v13 =	vld [tilespmem:s2+$0x3000]  }
0x16c: {  	v7 =	vld [tilespmem:s26+$0x3000];
	[tilespmem:s25+$0x5000] =	vst v6  }
0x16d: {  	v42 =	vmul.f32 v49, v39;
	v6 =	vld [tilespmem:$0x12180]  }
0x16e: {  	v46 =	vld [tilespmem:s25+$0x280];
	v35 =	vmul.f32 v55, v41;
	v52 =	vmul.f32 v10, v38  }
0x16f: {  	v47 =	vld [tilespmem:s25+$0x1000]  }
0x170: {  	v30 =	vld [tilespmem:s25+$0x1080];
	s30 =	sadd.s32 $0x10, s3;
	v12 =	vmul.f32 v56, v39;
	v32 =	vadd.f32 v52, v35;
	v8 =	vadd.f32 v42, v9  }
0x171: {  	v59 =	vld [tilespmem:s28+$0x3100];
	s0 =	sor.u32 $0x300, s30  }
0x172: {  	v58 =	vld [tilespmem:s0+$0x1000];
	v6 =	vadd.f32 v6, v8;
	v8 =	vadd.f32 v12, v32  }
0x173: {  	s3 =	sor.u32 $0x380, s30;
	v22 =	vld [tilespmem:s0+$0x3000]  }
0x174: {  	s30 =	sor.u32 $0x1300, s30;
	v15 =	vld [tilespmem:s3+$0x3000];
	v2 =	vadd.f32 v57, v8  }
0x175: {  	v33 =	vld [tilespmem:s30+$0x3000];
	[tilespmem:s25+$0x5080] =	vst v6  }
0x176: {  	v6 =	vld [tilespmem:s3+$0x1000];
	[tilespmem:s28+$0x5000] =	vst v2  }
0x177: {  	v2 =	vld [tilespmem:$0x12180]  }
0x178: {  	v24 =	vld [tilespmem:s25+$0x2000];
	v51 =	vmul.f32 v59, v39  }
0x179: {  	v19 =	vld [tilespmem:s25+$0x2080]  }
0x17a: {  	v23 =	vld [tilespmem:s28+$0x3180];
	v3 =	vadd.f32 v51, v32  }
0x17b: {  	v17 =	vld [tilespmem:$0x12200]  }
0x17c: {  	v11 =	vld [tilespmem:s25+$0x3080];
	[tilespmem:$0x1FFA0] =	vst v47;
	v47 =	vmul.f32 v50, v39;
	v2 =	vadd.f32 v2, v3  }
0x17d: {  	v16 =	vld [tilespmem:s25+$0x3200]  }
0x17e: {  	v62 =	vld [tilespmem:s25+$0x3280];
	v20 =	vadd.f32 v47, v9;
	[tilespmem:s28+$0x5080] =	vst v2  }
0x17f: {  	v2 =	vld [tilespmem:$0x12200]  }
0x180: {  	v63 =	vld [tilespmem:s25+$0x4000];
	v53 =	vmul.f32 v23, v39;
	v60 =	vadd.f32 v17, v20  }
0x181: {  	v26 =	vld [tilespmem:s25+$0x4080]  }
0x182: {  	v40 =	vld [tilespmem:s28+$0x3200];
	v37 =	vadd.f32 v53, v32;
	[tilespmem:s25+$0x5100] =	vst v60  }
0x183: {  	v8 =	vld [tilespmem:$0x12280]  }
0x184: {  	[tilespmem:$0x1FF90] =	vst v1;
	v1 =	vld [tilespmem:s25+$0x1200];
	v48 =	vmul.f32 v16, v39;
	v2 =	vadd.f32 v2, v37  }
0x185: {  	[tilespmem:$0x1FFE0] =	vst v46;
	v49 =	vld [tilespmem:s25+$0x4100]  }
0x186: {  	v46 =	vld [tilespmem:s28+$0x3280];
	v16 =	vadd.f32 v48, v9;
	[tilespmem:s28+$0x5100] =	vst v2  }
0x187: {  	v2 =	vld [tilespmem:$0x12280]  }
0x188: {  	[tilespmem:$0x1FFB0] =	vst v54;
	v50 =	vld [tilespmem:s25+$0x4200];
	v54 =	vmul.f32 v40, v39;
	v36 =	vadd.f32 v8, v16  }
0x189: {  	v55 =	vld [tilespmem:s25+$0x4280];
	[tilespmem:$0x1FFC0] =	vst v4  }
0x18a: {  	v4 =	vld [tilespmem:s25+$0x1280];
	v44 =	vadd.f32 v54, v32;
	[tilespmem:s1+$0x5000] =	vst v36  }
0x18b: {  	v3 =	vld [tilespmem:$0x12300]  }
0x18c: {  	v8 =	vmul.f32 v62, v39;
	v2 =	vadd.f32 v2, v44;
	_ =	sdelay $0x1  }
0x18d: {  	v31 =	vld [tilespmem:s28+$0x100];
	v17 =	vadd.f32 v8, v9;
	[tilespmem:s28+$0x5180] =	vst v2  }
0x18e: {  	v2 =	vld [tilespmem:$0x12300]  }
0x18f: {  	v28 =	vld [tilespmem:s28+$0x4000];
	v40 =	vmul.f32 v13, v39;
	v13 =	vmul.f32 v46, v39;
	v3 =	vadd.f32 v3, v17  }
0x190: {  	v25 =	vld [tilespmem:s28+$0x2000];
	[tilespmem:$0x1FFD0] =	vst v58  }
0x191: {  	v0 =	vld [tilespmem:s28+$0x1200];
	v58 =	vadd.f32 v13, v32;
	[tilespmem:s25+$0x5200] =	vst v3  }
0x192: {  	v3 =	vld [tilespmem:$0x12380]  }
0x193: {  	v23 =	vld [tilespmem:s28+$0x180];
	v2 =	vadd.f32 v2, v58  }
0x194: {  	v59 =	vld [tilespmem:s28+$0x280]  }
0x195: {  	v45 =	vadd.f32 v40, v9;
	v46 =	vmul.f32 v28, v39;
	v28 =	vld [tilespmem:s28+$0x4080];
	[tilespmem:s28+$0x5200] =	vst v2  }
0x196: {  	v2 =	vld [tilespmem:$0x12380]  }
0x197: {  	v57 =	vld [tilespmem:s28+$0x4100];
	v3 =	vadd.f32 v3, v45;
	v45 =	vmul.f32 v22, v39  }
0x198: {  	v16 =	vld [tilespmem:s28+$0x200]  }
0x199: {  	v36 =	vld [tilespmem:s28+$0x80];
	v60 =	vadd.f32 v45, v32  }
0x19a: {  	v37 =	vld [tilespmem:s28+$0x1280]  }
0x19b: {  	v17 =	vld [tilespmem:s28+$0x1000];
	[tilespmem:s25+$0x5280] =	vst v3;
	v10 =	vadd.f32 v2, v60  }
0x19c: {  	v56 =	vld [tilespmem:$0x12400]  }
0x19d: {  	v44 =	vmul.f32 v63, v39;
	v63 =	vld [tilespmem:s28+$0x3080];
	[tilespmem:s28+$0x5280] =	vst v10  }
0x19e: {  	v10 =	vld [tilespmem:$0x12400]  }
0x19f: {  	v20 =	vadd.f32 v44, v9;
	v22 =	vld [tilespmem:s28+$0x1180]  }
0x1a0: {  	v3 =	vld [tilespmem:s28+$0x1080]  }
0x1a1: {  	v58 =	vadd.f32 v46, v32;
	v56 =	vadd.f32 v56, v20;
	v20 =	vld [tilespmem:s28+$0x4180]  }
0x1a2: {  	v2 =	vld [tilespmem:s28+$0x2080]  }
0x1a3: {  	[tilespmem:s2+$0x5000] =	vst v56;
	v56 =	vld [tilespmem:s28+$0x4280];
	v10 =	vadd.f32 v10, v58  }
0x1a4: {  	v58 =	vld [tilespmem:s28+$0x4200]  }
0x1a5: {  	[tilespmem:s0+$0x5000] =	vst v10;
	v10 =	vld [tilespmem:$0x12480]  }
0x1a6: {  	[tilespmem:$0x1FFF0] =	vst v59;
	v59 =	vmul.f32 v49, v39;
	v49 =	vld [tilespmem:$0x12480]  }
0x1a7: {  	v60 =	vmul.f32 v57, v39  }
0x1a8: {  	v57 =	vadd.f32 v59, v9  }
0x1a9: {  	v62 =	vadd.f32 v60, v32  }
0x1aa: {  	v10 =	vadd.f32 v10, v57  }
0x1ab: {  	v49 =	vadd.f32 v49, v62  }
0x1ac: {  	[tilespmem:s31+$0x5000] =	vst v10  }
0x1ad: {  	[tilespmem:s3+$0x5000] =	vst v49;
	v10 =	vld [tilespmem:$0x12500]  }
0x1ae: {  	v49 =	vmul.f32 v50, v39;
	v57 =	vld [tilespmem:$0x12500]  }
0x1af: {  	v50 =	vmul.f32 v58, v39  }
0x1b0: {  	v58 =	vadd.f32 v49, v9  }
0x1b1: {  	v62 =	vadd.f32 v50, v32  }
0x1b2: {  	v10 =	vadd.f32 v10, v58  }
0x1b3: {  	v57 =	vadd.f32 v57, v62  }
0x1b4: {  	[tilespmem:s25+$0x6000] =	vst v10  }
0x1b5: {  	[tilespmem:s28+$0x6000] =	vst v57;
	v10 =	vld [tilespmem:$0x12580]  }
0x1b6: {  	v57 =	vmul.f32 v55, v39;
	v62 =	vld [tilespmem:$0x12580]  }
0x1b7: {  	v58 =	vmul.f32 v56, v39  }
0x1b8: {  	v9 =	vadd.f32 v57, v9  }
0x1b9: {  	v32 =	vadd.f32 v58, v32  }
0x1ba: {  	v9 =	vadd.f32 v10, v9  }
0x1bb: {  	v62 =	vadd.f32 v62, v32  }
0x1bc: {  	v55 =	vmul.f32 v1, v38;
	[tilespmem:s25+$0x6080] =	vst v9  }
0x1bd: {  	v56 =	vmul.f32 v0, v38;
	v1 =	vld [tilespmem:$0x12600];
	[tilespmem:s28+$0x6080] =	vst v62  }
0x1be: {  	v0 =	vadd.f32 v55, v34;
	v10 =	vmul.f32 v11, v39;
	v9 =	vld [tilespmem:$0x12600]  }
0x1bf: {  	v11 =	vmul.f32 v63, v39;
	v32 =	vadd.f32 v56, v35  }
0x1c0: {  	v62 =	vadd.f32 v10, v0  }
0x1c1: {  	v63 =	vadd.f32 v11, v32  }
0x1c2: {  	v1 =	vadd.f32 v1, v62  }
0x1c3: {  	v9 =	vadd.f32 v9, v63  }
0x1c4: {  	[tilespmem:s25+$0x6100] =	vst v1  }
0x1c5: {  	[tilespmem:s28+$0x6100] =	vst v9;
	v1 =	vld [tilespmem:$0x12680]  }
0x1c6: {  	v9 =	vld [tilespmem:$0x12680];
	_ =	sdelay $0x1  }
0x1c7: {  	v62 =	vadd.f32 v47, v0  }
0x1c8: {  	v63 =	vadd.f32 v53, v32  }
0x1c9: {  	v1 =	vadd.f32 v1, v62  }
0x1ca: {  	v9 =	vadd.f32 v9, v63  }
0x1cb: {  	[tilespmem:s29+$0x5000] =	vst v1  }
0x1cc: {  	[tilespmem:s28+$0x6180] =	vst v9;
	v1 =	vld [tilespmem:$0x12700]  }
0x1cd: {  	v9 =	vld [tilespmem:$0x12700];
	_ =	sdelay $0x1  }
0x1ce: {  	v62 =	vadd.f32 v48, v0  }
0x1cf: {  	v63 =	vadd.f32 v54, v32  }
0x1d0: {  	v1 =	vadd.f32 v1, v62  }
0x1d1: {  	v9 =	vadd.f32 v9, v63  }
0x1d2: {  	[tilespmem:s25+$0x6200] =	vst v1  }
0x1d3: {  	[tilespmem:s28+$0x6200] =	vst v9;
	v1 =	vld [tilespmem:$0x12780]  }
0x1d4: {  	v9 =	vld [tilespmem:$0x12780];
	_ =	sdelay $0x1  }
0x1d5: {  	v62 =	vadd.f32 v40, v0  }
0x1d6: {  	v63 =	vadd.f32 v45, v32  }
0x1d7: {  	v1 =	vadd.f32 v1, v62  }
0x1d8: {  	v9 =	vadd.f32 v9, v63  }
0x1d9: {  	[tilespmem:s25+$0x6280] =	vst v1  }
0x1da: {  	[tilespmem:s28+$0x6280] =	vst v9;
	v1 =	vld [tilespmem:$0x12800]  }
0x1db: {  	v9 =	vld [tilespmem:$0x12800];
	_ =	sdelay $0x1  }
0x1dc: {  	v62 =	vadd.f32 v44, v0  }
0x1dd: {  	v63 =	vadd.f32 v46, v32  }
0x1de: {  	v1 =	vadd.f32 v1, v62  }
0x1df: {  	v9 =	vadd.f32 v9, v63  }
0x1e0: {  	[tilespmem:s26+$0x5000] =	vst v1  }
0x1e1: {  	[tilespmem:s30+$0x5000] =	vst v9;
	v1 =	vld [tilespmem:$0x12880]  }
0x1e2: {  	v9 =	vld [tilespmem:$0x12880];
	_ =	sdelay $0x1  }
0x1e3: {  	v0 =	vadd.f32 v49, v0  }
0x1e4: {  	v32 =	vadd.f32 v50, v32  }
0x1e5: {  	s30 =	sor.u32 $0x6380, s23;
	v0 =	vadd.f32 v1, v0  }
0x1e6: {  	s31 =	sor.u32 s22, s30;
	v9 =	vadd.f32 v9, v32  }
0x1e7: {  	s0 =	sor.u32 s24, s30;
	v1 =	vmul.f32 v4, v38;
	[tilespmem:s31+$0x0] =	vst v0  }
0x1e8: {  	v0 =	vmul.f32 v37, v38;
	v4 =	vld [tilespmem:$0x12900];
	[tilespmem:s0+$0x0] =	vst v9  }
0x1e9: {  	v9 =	vadd.f32 v1, v34;
	v32 =	vld [tilespmem:$0x12900]  }
0x1ea: {  	v37 =	vadd.f32 v0, v35  }
0x1eb: {  	v62 =	vadd.f32 v40, v9  }
0x1ec: {  	v63 =	vadd.f32 v45, v37  }
0x1ed: {  	s2 =	sor.u32 $0x7000, s23;
	v4 =	vadd.f32 v4, v62  }
0x1ee: {  	s3 =	sor.u32 s22, s2;
	v32 =	vadd.f32 v32, v63  }
0x1ef: {  	s0 =	sor.u32 s24, s2;
	[tilespmem:s3+$0x0] =	vst v4  }
0x1f0: {  	[tilespmem:s0+$0x0] =	vst v32;
	v4 =	vld [tilespmem:$0x12980]  }
0x1f1: {  	v32 =	vld [tilespmem:$0x12980];
	_ =	sdelay $0x1  }
0x1f2: {  	v62 =	vadd.f32 v59, v9  }
0x1f3: {  	v63 =	vadd.f32 v60, v37  }
0x1f4: {  	s25 =	sor.u32 $0x7080, s23;
	v4 =	vadd.f32 v4, v62  }
0x1f5: {  	s26 =	sor.u32 s22, s25;
	v32 =	vadd.f32 v32, v63  }
0x1f6: {  	s0 =	sor.u32 s24, s25;
	[tilespmem:s26+$0x0] =	vst v4  }
0x1f7: {  	[tilespmem:s0+$0x0] =	vst v32;
	v4 =	vld [tilespmem:$0x12A00]  }
0x1f8: {  	v32 =	vmul.f32 v7, v39;
	v63 =	vld [tilespmem:$0x12A00]  }
0x1f9: {  	v33 =	vmul.f32 v33, v39  }
0x1fa: {  	v9 =	vadd.f32 v32, v9  }
0x1fb: {  	v37 =	vadd.f32 v33, v37  }
0x1fc: {  	s28 =	sor.u32 $0x7100, s23;
	v4 =	vadd.f32 v4, v9  }
0x1fd: {  	s29 =	sor.u32 s22, s28;
	v37 =	vadd.f32 v63, v37  }
0x1fe: {  	s0 =	sor.u32 s24, s28;
	v9 =	vmul.f32 v14, v38;
	[tilespmem:s29+$0x0] =	vst v4  }
0x1ff: {  	v7 =	vmul.f32 v6, v38;
	v14 =	vld [tilespmem:$0x12A80];
	[tilespmem:s0+$0x0] =	vst v37  }
0x200: {  	v4 =	vmul.f32 v5, v39;
	v62 =	vadd.f32 v9, v34;
	v37 =	vld [tilespmem:$0x12A80]  }
0x201: {  	v6 =	vmul.f32 v20, v39;
	v63 =	vadd.f32 v7, v35  }
0x202: {  	v5 =	vadd.f32 v4, v62  }
0x203: {  	v20 =	vadd.f32 v6, v63  }
0x204: {  	s30 =	sor.u32 $0x7180, s23;
	v5 =	vadd.f32 v14, v5  }
0x205: {  	s31 =	sor.u32 s22, s30;
	v37 =	vadd.f32 v37, v20  }
0x206: {  	v19 =	vmul.f32 v19, v38;
	s0 =	sor.u32 s24, s30;
	[tilespmem:s31+$0x0] =	vst v5  }
0x207: {  	v20 =	vmul.f32 v2, v38;
	v5 =	vld [tilespmem:$0x12B00];
	[tilespmem:s0+$0x0] =	vst v37  }
0x208: {  	v2 =	vadd.f32 v19, v34;
	v14 =	vld [tilespmem:$0x12B00]  }
0x209: {  	v34 =	vadd.f32 v20, v35  }
0x20a: {  	v62 =	vadd.f32 v48, v2  }
0x20b: {  	v63 =	vadd.f32 v54, v34  }
0x20c: {  	s2 =	sor.u32 $0x7200, s23;
	v5 =	vadd.f32 v5, v62  }
0x20d: {  	s3 =	sor.u32 s22, s2;
	v14 =	vadd.f32 v14, v63  }
0x20e: {  	s0 =	sor.u32 s24, s2;
	[tilespmem:s3+$0x0] =	vst v5  }
0x20f: {  	v5 =	vld [tilespmem:$0x12B80];
	[tilespmem:s0+$0x0] =	vst v14  }
0x210: {  	v14 =	vld [tilespmem:$0x12B80];
	_ =	sdelay $0x1  }
0x211: {  	v62 =	vadd.f32 v8, v2  }
0x212: {  	v63 =	vadd.f32 v13, v34  }
0x213: {  	s25 =	sor.u32 $0x7280, s23;
	v5 =	vadd.f32 v5, v62  }
0x214: {  	s26 =	sor.u32 s22, s25;
	v14 =	vadd.f32 v14, v63  }
0x215: {  	s0 =	sor.u32 s24, s25;
	[tilespmem:s26+$0x0] =	vst v5  }
0x216: {  	v5 =	vld [tilespmem:$0x12C00];
	[tilespmem:s0+$0x0] =	vst v14  }
0x217: {  	v14 =	vld [tilespmem:$0x12C00];
	_ =	sdelay $0x1  }
0x218: {  	v62 =	vadd.f32 v44, v2  }
0x219: {  	v63 =	vadd.f32 v46, v34  }
0x21a: {  	s28 =	sor.u32 $0x7300, s23;
	v5 =	vadd.f32 v5, v62  }
0x21b: {  	s29 =	sor.u32 s22, s28;
	v14 =	vadd.f32 v14, v63  }
0x21c: {  	s0 =	sor.u32 s24, s28;
	[tilespmem:s29+$0x0] =	vst v5  }
0x21d: {  	v5 =	vld [tilespmem:$0x12C80];
	[tilespmem:s0+$0x0] =	vst v14  }
0x21e: {  	v14 =	vld [tilespmem:$0x12C80];
	_ =	sdelay $0x1  }
0x21f: {  	v62 =	vadd.f32 v59, v2  }
0x220: {  	v63 =	vadd.f32 v60, v34  }
0x221: {  	s30 =	sor.u32 $0x7380, s23;
	v5 =	vadd.f32 v5, v62  }
0x222: {  	s31 =	sor.u32 s22, s30;
	v14 =	vadd.f32 v14, v63  }
0x223: {  	s0 =	sor.u32 s24, s30;
	[tilespmem:s31+$0x0] =	vst v5  }
0x224: {  	v5 =	vld [tilespmem:$0x12D00];
	[tilespmem:s0+$0x0] =	vst v14  }
0x225: {  	v14 =	vld [tilespmem:$0x12D00];
	_ =	sdelay $0x1  }
0x226: {  	v2 =	vadd.f32 v49, v2  }
0x227: {  	v34 =	vadd.f32 v50, v34  }
0x228: {  	s2 =	sor.u32 $0x8000, s23;
	v2 =	vadd.f32 v5, v2  }
0x229: {  	s3 =	sor.u32 s22, s2;
	v37 =	vadd.f32 v14, v34  }
0x22a: {  	v62 =	vmul.f32 v30, v38;
	s0 =	sor.u32 s24, s2;
	v14 =	vmul.f32 v29, v41;
	[tilespmem:s3+$0x0] =	vst v2  }
0x22b: {  	v3 =	vmul.f32 v3, v38;
	v30 =	vmul.f32 v36, v41;
	v2 =	vld [tilespmem:$0x12D80];
	[tilespmem:s0+$0x0] =	vst v37  }
0x22c: {  	v5 =	vadd.f32 v62, v14;
	v63 =	vld [tilespmem:$0x12D80]  }
0x22d: {  	v3 =	vadd.f32 v3, v30  }
0x22e: {  	v36 =	vadd.f32 v42, v5  }
0x22f: {  	v37 =	vadd.f32 v51, v3  }
0x230: {  	s25 =	sor.u32 $0x8080, s23;
	v2 =	vadd.f32 v2, v36  }
0x231: {  	s26 =	sor.u32 s22, s25;
	v29 =	vadd.f32 v63, v37  }
0x232: {  	s0 =	sor.u32 s24, s25;
	[tilespmem:s26+$0x0] =	vst v2  }
0x233: {  	v2 =	vld [tilespmem:$0x12E00];
	[tilespmem:s0+$0x0] =	vst v29  }
0x234: {  	v29 =	vld [tilespmem:$0x12E00];
	_ =	sdelay $0x1  }
0x235: {  	v62 =	vadd.f32 v47, v5  }
0x236: {  	v63 =	vadd.f32 v53, v3  }
0x237: {  	s28 =	sor.u32 $0x8100, s23;
	v2 =	vadd.f32 v2, v62  }
0x238: {  	s29 =	sor.u32 s22, s28;
	v29 =	vadd.f32 v29, v63  }
0x239: {  	s0 =	sor.u32 s24, s28;
	[tilespmem:s29+$0x0] =	vst v2  }
0x23a: {  	v2 =	vld [tilespmem:$0x12E80];
	[tilespmem:s0+$0x0] =	vst v29  }
0x23b: {  	v29 =	vld [tilespmem:$0x12E80];
	_ =	sdelay $0x1  }
0x23c: {  	v36 =	vadd.f32 v48, v5  }
0x23d: {  	v37 =	vadd.f32 v54, v3  }
0x23e: {  	s30 =	sor.u32 $0x8180, s23;
	v2 =	vadd.f32 v2, v36  }
0x23f: {  	s31 =	sor.u32 s22, s30;
	v29 =	vadd.f32 v29, v37  }
0x240: {  	s0 =	sor.u32 s24, s30;
	[tilespmem:s31+$0x0] =	vst v2  }
0x241: {  	v2 =	vld [tilespmem:$0x12F00];
	[tilespmem:s0+$0x0] =	vst v29  }
0x242: {  	v29 =	vld [tilespmem:$0x12F00];
	_ =	sdelay $0x1  }
0x243: {  	v62 =	vadd.f32 v8, v5  }
0x244: {  	v63 =	vadd.f32 v13, v3  }
0x245: {  	s2 =	sor.u32 $0x8200, s23;
	v2 =	vadd.f32 v2, v62  }
0x246: {  	s3 =	sor.u32 s22, s2;
	v29 =	vadd.f32 v29, v63  }
0x247: {  	s0 =	sor.u32 s24, s2;
	[tilespmem:s3+$0x0] =	vst v2  }
0x248: {  	v2 =	vld [tilespmem:$0x12F80];
	[tilespmem:s0+$0x0] =	vst v29  }
0x249: {  	v29 =	vld [tilespmem:$0x12F80];
	_ =	sdelay $0x1  }
0x24a: {  	v5 =	vadd.f32 v40, v5  }
0x24b: {  	v3 =	vadd.f32 v45, v3  }
0x24c: {  	s25 =	sor.u32 $0x8280, s23;
	v2 =	vadd.f32 v2, v5  }
0x24d: {  	s26 =	sor.u32 s22, s25;
	v3 =	vadd.f32 v29, v3  }
0x24e: {  	s0 =	sor.u32 s24, s25;
	[tilespmem:s26+$0x0] =	vst v2  }
0x24f: {  	v2 =	vld [tilespmem:$0x13000];
	[tilespmem:s0+$0x0] =	vst v3  }
0x250: {  	v29 =	vadd.f32 v9, v14;
	v34 =	vld [tilespmem:$0x13000]  }
0x251: {  	v35 =	vadd.f32 v7, v30  }
0x252: {  	v3 =	vadd.f32 v4, v29  }
0x253: {  	v14 =	vadd.f32 v6, v35  }
0x254: {  	s28 =	sor.u32 $0x8300, s23;
	v3 =	vadd.f32 v2, v3  }
0x255: {  	s29 =	sor.u32 s22, s28;
	v5 =	vadd.f32 v34, v14  }
0x256: {  	s0 =	sor.u32 s24, s28;
	v2 =	vmul.f32 v27, v41;
	[tilespmem:s29+$0x0] =	vst v3  }
0x257: {  	v27 =	vmul.f32 v31, v41;
	v3 =	vld [tilespmem:$0x13080];
	[tilespmem:s0+$0x0] =	vst v5  }
0x258: {  	v5 =	vadd.f32 v55, v2;
	v36 =	vld [tilespmem:$0x13080]  }
0x259: {  	v37 =	vadd.f32 v56, v27  }
0x25a: {  	v62 =	vadd.f32 v40, v5  }
0x25b: {  	v63 =	vadd.f32 v45, v37  }
0x25c: {  	s30 =	sor.u32 $0x8380, s23;
	v3 =	vadd.f32 v3, v62  }
0x25d: {  	s31 =	sor.u32 s22, s30;
	v14 =	vadd.f32 v36, v63  }
0x25e: {  	s0 =	sor.u32 s24, s30;
	[tilespmem:s31+$0x0] =	vst v3  }
0x25f: {  	v3 =	vld [tilespmem:$0x13100];
	[tilespmem:s0+$0x0] =	vst v14  }
0x260: {  	v14 =	vld [tilespmem:$0x13100];
	_ =	sdelay $0x1  }
0x261: {  	v34 =	vadd.f32 v44, v5  }
0x262: {  	v35 =	vadd.f32 v46, v37  }
0x263: {  	s2 =	sor.u32 $0x9000, s23;
	v3 =	vadd.f32 v3, v34  }
0x264: {  	s3 =	sor.u32 s22, s2;
	v14 =	vadd.f32 v14, v35  }
0x265: {  	s0 =	sor.u32 s24, s2;
	[tilespmem:s3+$0x0] =	vst v3  }
0x266: {  	v3 =	vld [tilespmem:$0x13180];
	[tilespmem:s0+$0x0] =	vst v14  }
0x267: {  	v14 =	vld [tilespmem:$0x13180];
	_ =	sdelay $0x1  }
0x268: {  	v5 =	vadd.f32 v49, v5  }
0x269: {  	v29 =	vadd.f32 v50, v37  }
0x26a: {  	s25 =	sor.u32 $0x9080, s23;
	v3 =	vadd.f32 v3, v5  }
0x26b: {  	s26 =	sor.u32 s22, s25;
	v36 =	vadd.f32 v14, v29  }
0x26c: {  	s0 =	sor.u32 s24, s25;
	[tilespmem:s26+$0x0] =	vst v3  }
0x26d: {  	v3 =	vld [tilespmem:$0x13200];
	[tilespmem:s0+$0x0] =	vst v36  }
0x26e: {  	v5 =	vadd.f32 v1, v2;
	v37 =	vld [tilespmem:$0x13200]  }
0x26f: {  	v14 =	vadd.f32 v0, v27  }
0x270: {  	v62 =	vadd.f32 v47, v5  }
0x271: {  	v63 =	vadd.f32 v53, v14  }
0x272: {  	s28 =	sor.u32 $0x9100, s23;
	v0 =	vadd.f32 v3, v62  }
0x273: {  	s29 =	sor.u32 s22, s28;
	v1 =	vadd.f32 v37, v63  }
0x274: {  	s0 =	sor.u32 s24, s28;
	[tilespmem:s29+$0x0] =	vst v0  }
0x275: {  	v0 =	vld [tilespmem:$0x13280];
	[tilespmem:s0+$0x0] =	vst v1  }
0x276: {  	v1 =	vld [tilespmem:$0x13280];
	_ =	sdelay $0x1  }
0x277: {  	v34 =	vadd.f32 v48, v5  }
0x278: {  	v35 =	vadd.f32 v54, v14  }
0x279: {  	s30 =	sor.u32 $0x9180, s23;
	v0 =	vadd.f32 v0, v34  }
0x27a: {  	s31 =	sor.u32 s22, s30;
	v1 =	vadd.f32 v1, v35  }
0x27b: {  	s0 =	sor.u32 s24, s30;
	[tilespmem:s31+$0x0] =	vst v0  }
0x27c: {  	v0 =	vld [tilespmem:$0x13300];
	[tilespmem:s0+$0x0] =	vst v1  }
0x27d: {  	v1 =	vld [tilespmem:$0x13300];
	_ =	sdelay $0x1  }
0x27e: {  	v36 =	vadd.f32 v8, v5  }
0x27f: {  	v37 =	vadd.f32 v13, v14  }
0x280: {  	s2 =	sor.u32 $0x9200, s23;
	v0 =	vadd.f32 v0, v36  }
0x281: {  	s3 =	sor.u32 s22, s2;
	v1 =	vadd.f32 v1, v37  }
0x282: {  	s0 =	sor.u32 s24, s2;
	[tilespmem:s3+$0x0] =	vst v0  }
0x283: {  	v0 =	vld [tilespmem:$0x13380];
	[tilespmem:s0+$0x0] =	vst v1  }
0x284: {  	v1 =	vld [tilespmem:$0x13380];
	_ =	sdelay $0x1  }
0x285: {  	v62 =	vadd.f32 v40, v5  }
0x286: {  	v63 =	vadd.f32 v45, v14  }
0x287: {  	s25 =	sor.u32 $0x9280, s23;
	v0 =	vadd.f32 v0, v62  }
0x288: {  	s26 =	sor.u32 s22, s25;
	v1 =	vadd.f32 v1, v63  }
0x289: {  	s0 =	sor.u32 s24, s25;
	[tilespmem:s26+$0x0] =	vst v0  }
0x28a: {  	v0 =	vld [tilespmem:$0x13400];
	[tilespmem:s0+$0x0] =	vst v1  }
0x28b: {  	v1 =	vld [tilespmem:$0x13400];
	_ =	sdelay $0x1  }
0x28c: {  	v34 =	vadd.f32 v44, v5  }
0x28d: {  	v35 =	vadd.f32 v46, v14  }
0x28e: {  	s28 =	sor.u32 $0x9300, s23;
	v0 =	vadd.f32 v0, v34  }
0x28f: {  	s29 =	sor.u32 s22, s28;
	v1 =	vadd.f32 v1, v35  }
0x290: {  	s0 =	sor.u32 s24, s28;
	[tilespmem:s29+$0x0] =	vst v0  }
0x291: {  	v36 =	vld [tilespmem:$0x13480];
	[tilespmem:s0+$0x0] =	vst v1  }
0x292: {  	v0 =	vmul.f32 v26, v39;
	v37 =	vld [tilespmem:$0x13480]  }
0x293: {  	v1 =	vmul.f32 v28, v39  }
0x294: {  	v62 =	vadd.f32 v0, v5  }
0x295: {  	v63 =	vadd.f32 v1, v14  }
0x296: {  	s30 =	sor.u32 $0x9380, s23;
	v3 =	vadd.f32 v36, v62  }
0x297: {  	s31 =	sor.u32 s22, s30;
	v26 =	vadd.f32 v37, v63  }
0x298: {  	s0 =	sor.u32 s24, s30;
	[tilespmem:s31+$0x0] =	vst v3  }
0x299: {  	v3 =	vld [tilespmem:$0x13500];
	[tilespmem:s0+$0x0] =	vst v26  }
0x29a: {  	v26 =	vld [tilespmem:$0x13500];
	_ =	sdelay $0x1  }
0x29b: {  	v34 =	vadd.f32 v59, v5  }
0x29c: {  	v35 =	vadd.f32 v60, v14  }
0x29d: {  	s2 =	sor.u32 $0xA000, s23;
	v3 =	vadd.f32 v3, v34  }
0x29e: {  	s3 =	sor.u32 s22, s2;
	v26 =	vadd.f32 v26, v35  }
0x29f: {  	s0 =	sor.u32 s24, s2;
	[tilespmem:s3+$0x0] =	vst v3  }
0x2a0: {  	v3 =	vld [tilespmem:$0x13580];
	[tilespmem:s0+$0x0] =	vst v26  }
0x2a1: {  	v26 =	vld [tilespmem:$0x13580];
	_ =	sdelay $0x1  }
0x2a2: {  	v36 =	vadd.f32 v49, v5  }
0x2a3: {  	v37 =	vadd.f32 v50, v14  }
0x2a4: {  	s25 =	sor.u32 $0xA080, s23;
	v3 =	vadd.f32 v3, v36  }
0x2a5: {  	s26 =	sor.u32 s22, s25;
	v26 =	vadd.f32 v26, v37  }
0x2a6: {  	s0 =	sor.u32 s24, s25;
	[tilespmem:s26+$0x0] =	vst v3  }
0x2a7: {  	v3 =	vld [tilespmem:$0x13600];
	[tilespmem:s0+$0x0] =	vst v26  }
0x2a8: {  	v26 =	vld [tilespmem:$0x13600];
	_ =	sdelay $0x1  }
0x2a9: {  	v62 =	vadd.f32 v57, v5  }
0x2aa: {  	v63 =	vadd.f32 v58, v14  }
0x2ab: {  	s28 =	sor.u32 $0xA100, s23;
	v3 =	vadd.f32 v3, v62  }
0x2ac: {  	s29 =	sor.u32 s22, s28;
	v26 =	vadd.f32 v26, v63  }
0x2ad: {  	s0 =	sor.u32 s24, s28;
	[tilespmem:s29+$0x0] =	vst v3  }
0x2ae: {  	v3 =	vld [tilespmem:$0x13680];
	[tilespmem:s0+$0x0] =	vst v26  }
0x2af: {  	v26 =	vld [tilespmem:$0x13680];
	_ =	sdelay $0x1  }
0x2b0: {  	v5 =	vadd.f32 v32, v5  }
0x2b1: {  	v14 =	vadd.f32 v33, v14  }
0x2b2: {  	s30 =	sor.u32 $0xA180, s23;
	v3 =	vadd.f32 v3, v5  }
0x2b3: {  	s31 =	sor.u32 s22, s30;
	v26 =	vadd.f32 v26, v14  }
0x2b4: {  	s0 =	sor.u32 s24, s30;
	[tilespmem:s31+$0x0] =	vst v3  }
0x2b5: {  	v3 =	vld [tilespmem:$0x13700];
	[tilespmem:s0+$0x0] =	vst v26  }
0x2b6: {  	v28 =	vadd.f32 v9, v2;
	v29 =	vld [tilespmem:$0x13700]  }
0x2b7: {  	v30 =	vadd.f32 v7, v27  }
0x2b8: {  	v5 =	vadd.f32 v4, v28  }
0x2b9: {  	v26 =	vadd.f32 v6, v30  }
0x2ba: {  	s2 =	sor.u32 $0xA200, s23;
	v3 =	vadd.f32 v3, v5  }
0x2bb: {  	s3 =	sor.u32 s22, s2;
	v31 =	vadd.f32 v29, v26  }
0x2bc: {  	v32 =	vmul.f32 v24, v38;
	s0 =	sor.u32 s24, s2;
	[tilespmem:s3+$0x0] =	vst v3  }
0x2bd: {  	v33 =	vmul.f32 v25, v38;
	v3 =	vld [tilespmem:$0x13780];
	[tilespmem:s0+$0x0] =	vst v31  }
0x2be: {  	v34 =	vadd.f32 v32, v2;
	v35 =	vld [tilespmem:$0x13780]  }
0x2bf: {  	v24 =	vadd.f32 v33, v27  }
0x2c0: {  	v5 =	vadd.f32 v44, v34  }
0x2c1: {  	v24 =	vadd.f32 v46, v24  }
0x2c2: {  	s25 =	sor.u32 $0xA280, s23;
	v3 =	vadd.f32 v3, v5  }
0x2c3: {  	s26 =	sor.u32 s22, s25;
	v36 =	vadd.f32 v35, v24  }
0x2c4: {  	s0 =	sor.u32 s24, s25;
	[tilespmem:s26+$0x0] =	vst v3  }
0x2c5: {  	v3 =	vld [tilespmem:$0x13800];
	[tilespmem:s0+$0x0] =	vst v36  }
0x2c6: {  	v2 =	vadd.f32 v19, v2;
	v5 =	vld [tilespmem:$0x13800]  }
0x2c7: {  	v14 =	vadd.f32 v20, v27  }
0x2c8: {  	v37 =	vadd.f32 v48, v2  }
0x2c9: {  	v62 =	vadd.f32 v54, v14  }
0x2ca: {  	s28 =	sor.u32 $0xA300, s23;
	v3 =	vadd.f32 v3, v37  }
0x2cb: {  	s29 =	sor.u32 s22, s28;
	v5 =	vadd.f32 v5, v62  }
0x2cc: {  	s0 =	sor.u32 s24, s28;
	[tilespmem:s29+$0x0] =	vst v3  }
0x2cd: {  	v3 =	vld [tilespmem:$0x13880];
	[tilespmem:s0+$0x0] =	vst v5  }
0x2ce: {  	v5 =	vld [tilespmem:$0x13880];
	_ =	sdelay $0x1  }
0x2cf: {  	v63 =	vadd.f32 v8, v2  }
0x2d0: {  	v28 =	vadd.f32 v13, v14  }
0x2d1: {  	s30 =	sor.u32 $0xA380, s23;
	v3 =	vadd.f32 v3, v63  }
0x2d2: {  	s31 =	sor.u32 s22, s30;
	v5 =	vadd.f32 v5, v28  }
0x2d3: {  	s0 =	sor.u32 s24, s30;
	[tilespmem:s31+$0x0] =	vst v3  }
0x2d4: {  	v3 =	vld [tilespmem:$0x13900];
	[tilespmem:s0+$0x0] =	vst v5  }
0x2d5: {  	v5 =	vld [tilespmem:$0x13900];
	_ =	sdelay $0x1  }
0x2d6: {  	v29 =	vadd.f32 v40, v2  }
0x2d7: {  	v30 =	vadd.f32 v45, v14  }
0x2d8: {  	s2 =	sor.u32 $0xB000, s23;
	v3 =	vadd.f32 v3, v29  }
0x2d9: {  	s3 =	sor.u32 s22, s2;
	v5 =	vadd.f32 v5, v30  }
0x2da: {  	s0 =	sor.u32 s24, s2;
	[tilespmem:s3+$0x0] =	vst v3  }
0x2db: {  	v3 =	vld [tilespmem:$0x13980];
	[tilespmem:s0+$0x0] =	vst v5  }
0x2dc: {  	v5 =	vld [tilespmem:$0x13980];
	_ =	sdelay $0x1  }
0x2dd: {  	v31 =	vadd.f32 v44, v2  }
0x2de: {  	v32 =	vadd.f32 v46, v14  }
0x2df: {  	s25 =	sor.u32 $0xB080, s23;
	v3 =	vadd.f32 v3, v31  }
0x2e0: {  	s26 =	sor.u32 s22, s25;
	v5 =	vadd.f32 v5, v32  }
0x2e1: {  	s0 =	sor.u32 s24, s25;
	[tilespmem:s26+$0x0] =	vst v3  }
0x2e2: {  	v3 =	vld [tilespmem:$0x13A00];
	[tilespmem:s0+$0x0] =	vst v5  }
0x2e3: {  	v5 =	vld [tilespmem:$0x13A00];
	_ =	sdelay $0x1  }
0x2e4: {  	v0 =	vadd.f32 v0, v2  }
0x2e5: {  	v1 =	vadd.f32 v1, v14  }
0x2e6: {  	s28 =	sor.u32 $0xB100, s23;
	v0 =	vadd.f32 v3, v0  }
0x2e7: {  	s29 =	sor.u32 s22, s28;
	v1 =	vadd.f32 v5, v1  }
0x2e8: {  	s0 =	sor.u32 s24, s28;
	[tilespmem:s29+$0x0] =	vst v0  }
0x2e9: {  	v0 =	vld [tilespmem:$0x13A80];
	[tilespmem:s0+$0x0] =	vst v1  }
0x2ea: {  	v1 =	vld [tilespmem:$0x13A80];
	_ =	sdelay $0x1  }
0x2eb: {  	v33 =	vadd.f32 v59, v2  }
0x2ec: {  	v34 =	vadd.f32 v60, v14  }
0x2ed: {  	s30 =	sor.u32 $0xB180, s23;
	v0 =	vadd.f32 v0, v33  }
0x2ee: {  	s31 =	sor.u32 s22, s30;
	v1 =	vadd.f32 v1, v34  }
0x2ef: {  	s0 =	sor.u32 s24, s30;
	[tilespmem:s31+$0x0] =	vst v0  }
0x2f0: {  	v0 =	vld [tilespmem:$0x13B00];
	[tilespmem:s0+$0x0] =	vst v1  }
0x2f1: {  	v1 =	vld [tilespmem:$0x13B00];
	_ =	sdelay $0x1  }
0x2f2: {  	v35 =	vadd.f32 v49, v2  }
0x2f3: {  	v36 =	vadd.f32 v50, v14  }
0x2f4: {  	s2 =	sor.u32 $0xB200, s23;
	v0 =	vadd.f32 v0, v35  }
0x2f5: {  	s3 =	sor.u32 s22, s2;
	v1 =	vadd.f32 v1, v36  }
0x2f6: {  	s0 =	sor.u32 s24, s2;
	[tilespmem:s3+$0x0] =	vst v0  }
0x2f7: {  	v0 =	vld [tilespmem:$0x13B80];
	[tilespmem:s0+$0x0] =	vst v1  }
0x2f8: {  	v1 =	vld [tilespmem:$0x13B80];
	_ =	sdelay $0x1  }
0x2f9: {  	v2 =	vadd.f32 v57, v2  }
0x2fa: {  	v37 =	vadd.f32 v58, v14  }
0x2fb: {  	s25 =	sor.u32 $0xB280, s23;
	v2 =	vadd.f32 v0, v2  }
0x2fc: {  	s26 =	sor.u32 s22, s25;
	v3 =	vadd.f32 v1, v37  }
0x2fd: {  	s0 =	sor.u32 s24, s25;
	v0 =	vmul.f32 v21, v41;
	[tilespmem:s26+$0x0] =	vst v2  }
0x2fe: {  	v1 =	vmul.f32 v23, v41;
	v2 =	vld [tilespmem:$0x13C00];
	[tilespmem:s0+$0x0] =	vst v3  }
0x2ff: {  	v3 =	vadd.f32 v43, v0;
	v62 =	vld [tilespmem:$0x13C00]  }
0x300: {  	v63 =	vadd.f32 v52, v1  }
0x301: {  	v24 =	vadd.f32 v42, v3  }
0x302: {  	v25 =	vadd.f32 v51, v63  }
0x303: {  	s28 =	sor.u32 $0xB300, s23;
	v2 =	vadd.f32 v2, v24  }
0x304: {  	s29 =	sor.u32 s22, s28;
	v5 =	vadd.f32 v62, v25  }
0x305: {  	s0 =	sor.u32 s24, s28;
	[tilespmem:s29+$0x0] =	vst v2  }
0x306: {  	v2 =	vld [tilespmem:$0x13C80];
	[tilespmem:s0+$0x0] =	vst v5  }
0x307: {  	v5 =	vld [tilespmem:$0x13C80];
	_ =	sdelay $0x1  }
0x308: {  	v26 =	vadd.f32 v47, v3  }
0x309: {  	v27 =	vadd.f32 v53, v63  }
0x30a: {  	s30 =	sor.u32 $0xB380, s23;
	v2 =	vadd.f32 v2, v26  }
0x30b: {  	s31 =	sor.u32 s22, s30;
	v5 =	vadd.f32 v5, v27  }
0x30c: {  	s0 =	sor.u32 s24, s30;
	[tilespmem:s31+$0x0] =	vst v2  }
0x30d: {  	v2 =	vld [tilespmem:$0x13D00];
	[tilespmem:s0+$0x0] =	vst v5  }
0x30e: {  	v5 =	vld [tilespmem:$0x13D00];
	_ =	sdelay $0x1  }
0x30f: {  	v28 =	vadd.f32 v48, v3  }
0x310: {  	v29 =	vadd.f32 v54, v63  }
0x311: {  	s2 =	sor.u32 $0xC000, s23;
	v2 =	vadd.f32 v2, v28  }
0x312: {  	s3 =	sor.u32 s22, s2;
	v5 =	vadd.f32 v5, v29  }
0x313: {  	s0 =	sor.u32 s24, s2;
	[tilespmem:s3+$0x0] =	vst v2  }
0x314: {  	v2 =	vld [tilespmem:$0x13D80];
	[tilespmem:s0+$0x0] =	vst v5  }
0x315: {  	v5 =	vld [tilespmem:$0x13D80];
	_ =	sdelay $0x1  }
0x316: {  	v30 =	vadd.f32 v8, v3  }
0x317: {  	v31 =	vadd.f32 v13, v63  }
0x318: {  	s25 =	sor.u32 $0xC080, s23;
	v2 =	vadd.f32 v2, v30  }
0x319: {  	s26 =	sor.u32 s22, s25;
	v5 =	vadd.f32 v5, v31  }
0x31a: {  	s0 =	sor.u32 s24, s25;
	[tilespmem:s26+$0x0] =	vst v2  }
0x31b: {  	v2 =	vld [tilespmem:$0x13E00];
	[tilespmem:s0+$0x0] =	vst v5  }
0x31c: {  	v5 =	vld [tilespmem:$0x13E00];
	_ =	sdelay $0x1  }
0x31d: {  	v32 =	vadd.f32 v40, v3  }
0x31e: {  	v33 =	vadd.f32 v45, v63  }
0x31f: {  	s28 =	sor.u32 $0xC100, s23;
	v2 =	vadd.f32 v2, v32  }
0x320: {  	s29 =	sor.u32 s22, s28;
	v5 =	vadd.f32 v5, v33  }
0x321: {  	s0 =	sor.u32 s24, s28;
	[tilespmem:s29+$0x0] =	vst v2  }
0x322: {  	v2 =	vld [tilespmem:$0x13E80];
	[tilespmem:s0+$0x0] =	vst v5  }
0x323: {  	v5 =	vld [tilespmem:$0x13E80];
	_ =	sdelay $0x1  }
0x324: {  	v34 =	vadd.f32 v44, v3  }
0x325: {  	v35 =	vadd.f32 v46, v63  }
0x326: {  	s30 =	sor.u32 $0xC180, s23;
	v2 =	vadd.f32 v2, v34  }
0x327: {  	s31 =	sor.u32 s22, s30;
	v5 =	vadd.f32 v5, v35  }
0x328: {  	s0 =	sor.u32 s24, s30;
	[tilespmem:s31+$0x0] =	vst v2  }
0x329: {  	v2 =	vld [tilespmem:$0x13F00];
	[tilespmem:s0+$0x0] =	vst v5  }
0x32a: {  	v5 =	vld [tilespmem:$0x13F00];
	_ =	sdelay $0x1  }
0x32b: {  	v36 =	vadd.f32 v59, v3  }
0x32c: {  	v37 =	vadd.f32 v60, v63  }
0x32d: {  	s2 =	sor.u32 $0xC200, s23;
	v2 =	vadd.f32 v2, v36  }
0x32e: {  	s3 =	sor.u32 s22, s2;
	v5 =	vadd.f32 v5, v37  }
0x32f: {  	s0 =	sor.u32 s24, s2;
	[tilespmem:s3+$0x0] =	vst v2  }
0x330: {  	v2 =	vld [tilespmem:$0x13F80];
	[tilespmem:s0+$0x0] =	vst v5  }
0x331: {  	v5 =	vld [tilespmem:$0x13F80];
	_ =	sdelay $0x1  }
0x332: {  	v3 =	vadd.f32 v49, v3  }
0x333: {  	v14 =	vadd.f32 v50, v63  }
0x334: {  	s25 =	sor.u32 $0xC280, s23;
	v2 =	vadd.f32 v2, v3  }
0x335: {  	s26 =	sor.u32 s22, s25;
	v62 =	vadd.f32 v5, v14  }
0x336: {  	v18 =	vmul.f32 v18, v38;
	s0 =	sor.u32 s24, s25;
	[tilespmem:s26+$0x0] =	vst v2  }
0x337: {  	v21 =	vmul.f32 v22, v38;
	v2 =	vld [tilespmem:$0x14000];
	[tilespmem:s0+$0x0] =	vst v62  }
0x338: {  	v63 =	vadd.f32 v18, v0;
	v24 =	vld [tilespmem:$0x14000]  }
0x339: {  	v25 =	vadd.f32 v21, v1  }
0x33a: {  	v26 =	vadd.f32 v42, v63  }
0x33b: {  	v27 =	vadd.f32 v51, v25  }
0x33c: {  	s28 =	sor.u32 $0xC300, s23;
	v2 =	vadd.f32 v2, v26  }
0x33d: {  	s29 =	sor.u32 s22, s28;
	v5 =	vadd.f32 v24, v27  }
0x33e: {  	s0 =	sor.u32 s24, s28;
	[tilespmem:s29+$0x0] =	vst v2  }
0x33f: {  	v2 =	vld [tilespmem:$0x14080];
	[tilespmem:s0+$0x0] =	vst v5  }
0x340: {  	v5 =	vld [tilespmem:$0x14080];
	_ =	sdelay $0x1  }
0x341: {  	v3 =	vadd.f32 v57, v63  }
0x342: {  	v14 =	vadd.f32 v58, v25  }
0x343: {  	s30 =	sor.u32 $0xC380, s23;
	v2 =	vadd.f32 v2, v3  }
0x344: {  	s31 =	sor.u32 s22, s30;
	v28 =	vadd.f32 v5, v14  }
0x345: {  	s0 =	sor.u32 s24, s30;
	[tilespmem:s31+$0x0] =	vst v2  }
0x346: {  	v2 =	vld [tilespmem:$0x14100];
	[tilespmem:s0+$0x0] =	vst v28  }
0x347: {  	v29 =	vadd.f32 v55, v0;
	v30 =	vld [tilespmem:$0x14100]  }
0x348: {  	v31 =	vadd.f32 v56, v1  }
0x349: {  	v32 =	vadd.f32 v42, v29  }
0x34a: {  	v33 =	vadd.f32 v51, v31  }
0x34b: {  	s2 =	sor.u32 $0xD000, s23;
	v2 =	vadd.f32 v2, v32  }
0x34c: {  	s3 =	sor.u32 s22, s2;
	v5 =	vadd.f32 v30, v33  }
0x34d: {  	s0 =	sor.u32 s24, s2;
	[tilespmem:s3+$0x0] =	vst v2  }
0x34e: {  	v2 =	vld [tilespmem:$0x14180];
	[tilespmem:s0+$0x0] =	vst v5  }
0x34f: {  	v5 =	vld [tilespmem:$0x14180];
	_ =	sdelay $0x1  }
0x350: {  	v34 =	vadd.f32 v47, v29  }
0x351: {  	v35 =	vadd.f32 v53, v31  }
0x352: {  	s25 =	sor.u32 $0xD080, s23;
	v2 =	vadd.f32 v2, v34  }
0x353: {  	s26 =	sor.u32 s22, s25;
	v5 =	vadd.f32 v5, v35  }
0x354: {  	s0 =	sor.u32 s24, s25;
	[tilespmem:s26+$0x0] =	vst v2  }
0x355: {  	v2 =	vld [tilespmem:$0x14200];
	[tilespmem:s0+$0x0] =	vst v5  }
0x356: {  	v5 =	vld [tilespmem:$0x14200];
	_ =	sdelay $0x1  }
0x357: {  	v36 =	vadd.f32 v48, v29  }
0x358: {  	v37 =	vadd.f32 v54, v31  }
0x359: {  	s28 =	sor.u32 $0xD100, s23;
	v2 =	vadd.f32 v2, v36  }
0x35a: {  	s29 =	sor.u32 s22, s28;
	v5 =	vadd.f32 v5, v37  }
0x35b: {  	s0 =	sor.u32 s24, s28;
	[tilespmem:s29+$0x0] =	vst v2  }
0x35c: {  	v2 =	vld [tilespmem:$0x14280];
	[tilespmem:s0+$0x0] =	vst v5  }
0x35d: {  	v5 =	vld [tilespmem:$0x14280];
	_ =	sdelay $0x1  }
0x35e: {  	v62 =	vadd.f32 v40, v29  }
0x35f: {  	v63 =	vadd.f32 v45, v31  }
0x360: {  	s30 =	sor.u32 $0xD180, s23;
	v2 =	vadd.f32 v2, v62  }
0x361: {  	s31 =	sor.u32 s22, s30;
	v5 =	vadd.f32 v5, v63  }
0x362: {  	s0 =	sor.u32 s24, s30;
	[tilespmem:s31+$0x0] =	vst v2  }
0x363: {  	v2 =	vld [tilespmem:$0x14300];
	[tilespmem:s0+$0x0] =	vst v5  }
0x364: {  	v5 =	vld [tilespmem:$0x14300];
	_ =	sdelay $0x1  }
0x365: {  	v24 =	vadd.f32 v44, v29  }
0x366: {  	v25 =	vadd.f32 v46, v31  }
0x367: {  	s2 =	sor.u32 $0xD200, s23;
	v2 =	vadd.f32 v2, v24  }
0x368: {  	s3 =	sor.u32 s22, s2;
	v5 =	vadd.f32 v5, v25  }
0x369: {  	s0 =	sor.u32 s24, s2;
	[tilespmem:s3+$0x0] =	vst v2  }
0x36a: {  	v2 =	vld [tilespmem:$0x14380];
	[tilespmem:s0+$0x0] =	vst v5  }
0x36b: {  	v5 =	vld [tilespmem:$0x14380];
	_ =	sdelay $0x1  }
0x36c: {  	v26 =	vadd.f32 v49, v29  }
0x36d: {  	v27 =	vadd.f32 v50, v31  }
0x36e: {  	s25 =	sor.u32 $0xD280, s23;
	v2 =	vadd.f32 v2, v26  }
0x36f: {  	s26 =	sor.u32 s22, s25;
	v5 =	vadd.f32 v5, v27  }
0x370: {  	s0 =	sor.u32 s24, s25;
	[tilespmem:s26+$0x0] =	vst v2  }
0x371: {  	v2 =	vld [tilespmem:$0x14400];
	[tilespmem:s0+$0x0] =	vst v5  }
0x372: {  	v5 =	vld [tilespmem:$0x14400];
	_ =	sdelay $0x1  }
0x373: {  	v3 =	vadd.f32 v57, v29  }
0x374: {  	v14 =	vadd.f32 v58, v31  }
0x375: {  	s28 =	sor.u32 $0xD300, s23;
	v2 =	vadd.f32 v2, v3  }
0x376: {  	s29 =	sor.u32 s22, s28;
	v28 =	vadd.f32 v5, v14  }
0x377: {  	s0 =	sor.u32 s24, s28;
	[tilespmem:s29+$0x0] =	vst v2  }
0x378: {  	v2 =	vld [tilespmem:$0x14480];
	[tilespmem:s0+$0x0] =	vst v28  }
0x379: {  	v29 =	vadd.f32 v9, v0;
	v30 =	vld [tilespmem:$0x14480]  }
0x37a: {  	v31 =	vadd.f32 v7, v1  }
0x37b: {  	v3 =	vadd.f32 v4, v29  }
0x37c: {  	v14 =	vadd.f32 v6, v31  }
0x37d: {  	s30 =	sor.u32 $0xD380, s23;
	v2 =	vadd.f32 v2, v3  }
0x37e: {  	s31 =	sor.u32 s22, s30;
	v32 =	vadd.f32 v30, v14  }
0x37f: {  	s0 =	sor.u32 s24, s30;
	[tilespmem:s31+$0x0] =	vst v2  }
0x380: {  	v2 =	vld [tilespmem:$0x14500];
	[tilespmem:s0+$0x0] =	vst v32  }
0x381: {  	v0 =	vadd.f32 v19, v0;
	v3 =	vld [tilespmem:$0x14500]  }
0x382: {  	v1 =	vadd.f32 v20, v1  }
0x383: {  	v33 =	vadd.f32 v44, v0  }
0x384: {  	v34 =	vadd.f32 v46, v1  }
0x385: {  	s2 =	sor.u32 $0xE000, s23;
	v2 =	vadd.f32 v2, v33  }
0x386: {  	s3 =	sor.u32 s22, s2;
	v3 =	vadd.f32 v3, v34  }
0x387: {  	v35 =	vld [tilespmem:$0x1FF90];
	s0 =	sor.u32 s24, s2;
	[tilespmem:s3+$0x0] =	vst v2  }
0x388: {  	v2 =	vld [tilespmem:$0x14580];
	[tilespmem:s0+$0x0] =	vst v3  }
0x389: {  	v3 =	vld [tilespmem:$0x14580]  }
0x38a: {  	v36 =	vld [tilespmem:$0x1FFA0]  }
0x38b: {  	v0 =	vadd.f32 v59, v0  }
0x38c: {  	v1 =	vadd.f32 v60, v1;
	v62 =	vld [tilespmem:$0x1FFB0]  }
0x38d: {  	s25 =	sor.u32 $0xE080, s23;
	v2 =	vadd.f32 v2, v0  }
0x38e: {  	s26 =	sor.u32 s22, s25;
	v1 =	vadd.f32 v3, v1  }
0x38f: {  	s0 =	sor.u32 s24, s25;
	v0 =	vmul.f32 v35, v41;
	v3 =	vmul.f32 v36, v38;
	[tilespmem:s26+$0x0] =	vst v2  }
0x390: {  	v37 =	vmul.f32 v17, v38;
	v5 =	vmul.f32 v16, v41;
	v2 =	vld [tilespmem:$0x14600];
	[tilespmem:s0+$0x0] =	vst v1  }
0x391: {  	v1 =	vmul.f32 v62, v39;
	v3 =	vadd.f32 v3, v0;
	v63 =	vld [tilespmem:$0x14600]  }
0x392: {  	v15 =	vmul.f32 v15, v39;
	v14 =	vadd.f32 v37, v5  }
0x393: {  	v1 =	vadd.f32 v1, v3  }
0x394: {  	v15 =	vadd.f32 v15, v14  }
0x395: {  	s28 =	sor.u32 $0xE100, s23;
	v1 =	vadd.f32 v2, v1  }
0x396: {  	s29 =	sor.u32 s22, s28;
	v17 =	vadd.f32 v63, v15  }
0x397: {  	s0 =	sor.u32 s24, s28;
	[tilespmem:s29+$0x0] =	vst v1  }
0x398: {  	v1 =	vld [tilespmem:$0x14680];
	[tilespmem:s0+$0x0] =	vst v17  }
0x399: {  	v22 =	vadd.f32 v55, v0;
	v23 =	vld [tilespmem:$0x14680]  }
0x39a: {  	v24 =	vadd.f32 v56, v5  }
0x39b: {  	v25 =	vadd.f32 v48, v22  }
0x39c: {  	v26 =	vadd.f32 v54, v24  }
0x39d: {  	s30 =	sor.u32 $0xE180, s23;
	v1 =	vadd.f32 v1, v25  }
0x39e: {  	s31 =	sor.u32 s22, s30;
	v3 =	vadd.f32 v23, v26  }
0x39f: {  	s0 =	sor.u32 s24, s30;
	[tilespmem:s31+$0x0] =	vst v1  }
0x3a0: {  	v1 =	vld [tilespmem:$0x14700];
	[tilespmem:s0+$0x0] =	vst v3  }
0x3a1: {  	v3 =	vld [tilespmem:$0x14700];
	_ =	sdelay $0x1  }
0x3a2: {  	v27 =	vadd.f32 v8, v22  }
0x3a3: {  	v28 =	vadd.f32 v13, v24  }
0x3a4: {  	s2 =	sor.u32 $0xE200, s23;
	v1 =	vadd.f32 v1, v27  }
0x3a5: {  	s3 =	sor.u32 s22, s2;
	v3 =	vadd.f32 v3, v28  }
0x3a6: {  	s0 =	sor.u32 s24, s2;
	[tilespmem:s3+$0x0] =	vst v1  }
0x3a7: {  	v1 =	vld [tilespmem:$0x14780];
	[tilespmem:s0+$0x0] =	vst v3  }
0x3a8: {  	v3 =	vld [tilespmem:$0x14780];
	_ =	sdelay $0x1  }
0x3a9: {  	v29 =	vadd.f32 v40, v22  }
0x3aa: {  	v30 =	vadd.f32 v45, v24  }
0x3ab: {  	s25 =	sor.u32 $0xE280, s23;
	v1 =	vadd.f32 v1, v29  }
0x3ac: {  	s26 =	sor.u32 s22, s25;
	v3 =	vadd.f32 v3, v30  }
0x3ad: {  	s0 =	sor.u32 s24, s25;
	[tilespmem:s26+$0x0] =	vst v1  }
0x3ae: {  	v1 =	vld [tilespmem:$0x14800];
	[tilespmem:s0+$0x0] =	vst v3  }
0x3af: {  	v3 =	vld [tilespmem:$0x14800];
	_ =	sdelay $0x1  }
0x3b0: {  	v31 =	vadd.f32 v44, v22  }
0x3b1: {  	v32 =	vadd.f32 v46, v24  }
0x3b2: {  	s28 =	sor.u32 $0xE300, s23;
	v1 =	vadd.f32 v1, v31  }
0x3b3: {  	s29 =	sor.u32 s22, s28;
	v3 =	vadd.f32 v3, v32  }
0x3b4: {  	s0 =	sor.u32 s24, s28;
	[tilespmem:s29+$0x0] =	vst v1  }
0x3b5: {  	v1 =	vld [tilespmem:$0x14880];
	[tilespmem:s0+$0x0] =	vst v3  }
0x3b6: {  	v3 =	vld [tilespmem:$0x14880]  }
0x3b7: {  	v34 =	vld [tilespmem:$0x1FFC0]  }
0x3b8: {  	v35 =	vld [tilespmem:$0x1FFD0];
	v2 =	vadd.f32 v49, v22  }
0x3b9: {  	v14 =	vadd.f32 v50, v24  }
0x3ba: {  	s30 =	sor.u32 $0xE380, s23;
	v1 =	vadd.f32 v1, v2  }
0x3bb: {  	s31 =	sor.u32 s22, s30;
	v33 =	vadd.f32 v3, v14  }
0x3bc: {  	s0 =	sor.u32 s24, s30;
	v3 =	vmul.f32 v34, v38;
	[tilespmem:s31+$0x0] =	vst v1  }
0x3bd: {  	v14 =	vmul.f32 v35, v38;
	v1 =	vld [tilespmem:$0x14900];
	[tilespmem:s0+$0x0] =	vst v33  }
0x3be: {  	v36 =	vadd.f32 v3, v0;
	v37 =	vld [tilespmem:$0x14900]  }
0x3bf: {  	v14 =	vadd.f32 v14, v5  }
0x3c0: {  	v61 =	vadd.f32 v61, v36  }
0x3c1: {  	v12 =	vadd.f32 v12, v14  }
0x3c2: {  	s2 =	sor.u32 $0xF000, s23;
	v1 =	vadd.f32 v1, v61  }
0x3c3: {  	s3 =	sor.u32 s22, s2;
	v3 =	vadd.f32 v37, v12  }
0x3c4: {  	s0 =	sor.u32 s24, s2;
	[tilespmem:s3+$0x0] =	vst v1  }
0x3c5: {  	v1 =	vld [tilespmem:$0x14980];
	[tilespmem:s0+$0x0] =	vst v3  }
0x3c6: {  	v3 =	vld [tilespmem:$0x14980];
	_ =	sdelay $0x1  }
0x3c7: {  	v8 =	vadd.f32 v8, v36  }
0x3c8: {  	v62 =	vadd.f32 v13, v14  }
0x3c9: {  	s25 =	sor.u32 $0xF080, s23;
	v1 =	vadd.f32 v1, v8  }
0x3ca: {  	s26 =	sor.u32 s22, s25;
	v3 =	vadd.f32 v3, v62  }
0x3cb: {  	s0 =	sor.u32 s24, s25;
	[tilespmem:s26+$0x0] =	vst v1  }
0x3cc: {  	v1 =	vld [tilespmem:$0x14A00];
	[tilespmem:s0+$0x0] =	vst v3  }
0x3cd: {  	v3 =	vld [tilespmem:$0x14A00];
	_ =	sdelay $0x1  }
0x3ce: {  	v2 =	vadd.f32 v59, v36  }
0x3cf: {  	v63 =	vadd.f32 v60, v14  }
0x3d0: {  	s28 =	sor.u32 $0xF100, s23;
	v1 =	vadd.f32 v1, v2  }
0x3d1: {  	s29 =	sor.u32 s22, s28;
	v8 =	vadd.f32 v3, v63  }
0x3d2: {  	s0 =	sor.u32 s24, s28;
	[tilespmem:s29+$0x0] =	vst v1  }
0x3d3: {  	v1 =	vld [tilespmem:$0x14A80];
	[tilespmem:s0+$0x0] =	vst v8  }
0x3d4: {  	v12 =	vadd.f32 v9, v0;
	v13 =	vld [tilespmem:$0x14A80]  }
0x3d5: {  	v14 =	vadd.f32 v7, v5  }
0x3d6: {  	v2 =	vadd.f32 v4, v12  }
0x3d7: {  	v8 =	vadd.f32 v6, v14  }
0x3d8: {  	s30 =	sor.u32 $0xF180, s23;
	v1 =	vadd.f32 v1, v2  }
0x3d9: {  	s31 =	sor.u32 s22, s30;
	v15 =	vadd.f32 v13, v8  }
0x3da: {  	s0 =	sor.u32 s24, s30;
	[tilespmem:s31+$0x0] =	vst v1  }
0x3db: {  	v1 =	vld [tilespmem:$0x14B00];
	[tilespmem:s0+$0x0] =	vst v15  }
0x3dc: {  	v0 =	vadd.f32 v19, v0;
	v2 =	vld [tilespmem:$0x14B00]  }
0x3dd: {  	v16 =	vadd.f32 v20, v5  }
0x3de: {  	v17 =	vadd.f32 v44, v0  }
0x3df: {  	v19 =	vadd.f32 v46, v16  }
0x3e0: {  	s2 =	sor.u32 $0xF200, s23;
	v1 =	vadd.f32 v1, v17  }
0x3e1: {  	s3 =	sor.u32 s22, s2;
	v2 =	vadd.f32 v2, v19  }
0x3e2: {  	s0 =	sor.u32 s24, s2;
	[tilespmem:s3+$0x0] =	vst v1  }
0x3e3: {  	v1 =	vld [tilespmem:$0x14B80];
	[tilespmem:s0+$0x0] =	vst v2  }
0x3e4: {  	v2 =	vld [tilespmem:$0x14B80];
	_ =	sdelay $0x1  }
0x3e5: {  	v20 =	vadd.f32 v59, v0  }
0x3e6: {  	v22 =	vadd.f32 v60, v16  }
0x3e7: {  	s25 =	sor.u32 $0xF280, s23;
	v1 =	vadd.f32 v1, v20  }
0x3e8: {  	s26 =	sor.u32 s22, s25;
	v2 =	vadd.f32 v2, v22  }
0x3e9: {  	s0 =	sor.u32 s24, s25;
	[tilespmem:s26+$0x0] =	vst v1  }
0x3ea: {  	v1 =	vld [tilespmem:$0x14C00];
	[tilespmem:s0+$0x0] =	vst v2  }
0x3eb: {  	v2 =	vld [tilespmem:$0x14C00]  }
0x3ec: {  	v23 =	vld [tilespmem:$0x1FFE0]  }
0x3ed: {  	v25 =	vld [tilespmem:$0x1FFF0];
	v0 =	vadd.f32 v49, v0  }
0x3ee: {  	v3 =	vadd.f32 v50, v16  }
0x3ef: {  	s28 =	sor.u32 $0xF300, s23;
	v1 =	vadd.f32 v1, v0  }
0x3f0: {  	s29 =	sor.u32 s22, s28;
	v2 =	vadd.f32 v2, v3  }
0x3f1: {  	s0 =	sor.u32 s24, s28;
	v0 =	vmul.f32 v23, v41;
	[tilespmem:s29+$0x0] =	vst v1  }
0x3f2: {  	v1 =	vmul.f32 v25, v41;
	v24 =	vld [tilespmem:$0x14C80];
	[tilespmem:s0+$0x0] =	vst v2  }
0x3f3: {  	v26 =	vadd.f32 v43, v0;
	v27 =	vld [tilespmem:$0x14C80]  }
0x3f4: {  	v28 =	vadd.f32 v52, v1  }
0x3f5: {  	v2 =	vadd.f32 v49, v26  }
0x3f6: {  	v8 =	vadd.f32 v50, v28  }
0x3f7: {  	s30 =	sor.u32 $0xF380, s23;
	v2 =	vadd.f32 v24, v2  }
0x3f8: {  	s31 =	sor.u32 s22, s30;
	v29 =	vadd.f32 v27, v8  }
0x3f9: {  	s0 =	sor.u32 s24, s30;
	[tilespmem:s31+$0x0] =	vst v2  }
0x3fa: {  	v2 =	vld [tilespmem:$0x14D00];
	[tilespmem:s0+$0x0] =	vst v29  }
0x3fb: {  	v30 =	vadd.f32 v18, v0;
	v31 =	vld [tilespmem:$0x14D00]  }
0x3fc: {  	v32 =	vadd.f32 v21, v1  }
0x3fd: {  	v10 =	vadd.f32 v10, v30  }
0x3fe: {  	v11 =	vadd.f32 v11, v32  }
0x3ff: {  	s2 =	sor.u32 $0x10000, s23;
	v2 =	vadd.f32 v2, v10  }
0x400: {  	s3 =	sor.u32 s22, s2;
	v5 =	vadd.f32 v31, v11  }
0x401: {  	s0 =	sor.u32 s24, s2;
	[tilespmem:s3+$0x0] =	vst v2  }
0x402: {  	v2 =	vld [tilespmem:$0x14D80];
	[tilespmem:s0+$0x0] =	vst v5  }
0x403: {  	v5 =	vld [tilespmem:$0x14D80];
	_ =	sdelay $0x1  }
0x404: {  	v33 =	vadd.f32 v42, v30  }
0x405: {  	v34 =	vadd.f32 v51, v32  }
0x406: {  	s25 =	sor.u32 $0x10080, s23;
	v2 =	vadd.f32 v2, v33  }
0x407: {  	s26 =	sor.u32 s22, s25;
	v5 =	vadd.f32 v5, v34  }
0x408: {  	s0 =	sor.u32 s24, s25;
	[tilespmem:s26+$0x0] =	vst v2  }
0x409: {  	v2 =	vld [tilespmem:$0x14E00];
	[tilespmem:s0+$0x0] =	vst v5  }
0x40a: {  	v5 =	vld [tilespmem:$0x14E00];
	_ =	sdelay $0x1  }
0x40b: {  	v35 =	vadd.f32 v47, v30  }
0x40c: {  	v36 =	vadd.f32 v53, v32  }
0x40d: {  	s28 =	sor.u32 $0x10100, s23;
	v2 =	vadd.f32 v2, v35  }
0x40e: {  	s29 =	sor.u32 s22, s28;
	v5 =	vadd.f32 v5, v36  }
0x40f: {  	s0 =	sor.u32 s24, s28;
	[tilespmem:s29+$0x0] =	vst v2  }
0x410: {  	v2 =	vld [tilespmem:$0x14E80];
	[tilespmem:s0+$0x0] =	vst v5  }
0x411: {  	v5 =	vld [tilespmem:$0x14E80];
	_ =	sdelay $0x1  }
0x412: {  	v37 =	vadd.f32 v48, v30  }
0x413: {  	v42 =	vadd.f32 v54, v32  }
0x414: {  	s30 =	sor.u32 $0x10180, s23;
	v2 =	vadd.f32 v2, v37  }
0x415: {  	s31 =	sor.u32 s22, s30;
	v5 =	vadd.f32 v5, v42  }
0x416: {  	s0 =	sor.u32 s24, s30;
	[tilespmem:s31+$0x0] =	vst v2  }
0x417: {  	v2 =	vld [tilespmem:$0x14F00];
	[tilespmem:s0+$0x0] =	vst v5  }
0x418: {  	v5 =	vld [tilespmem:$0x14F00];
	_ =	sdelay $0x1  }
0x419: {  	v43 =	vadd.f32 v40, v30  }
0x41a: {  	v47 =	vadd.f32 v45, v32  }
0x41b: {  	s2 =	sor.u32 $0x10200, s23;
	v2 =	vadd.f32 v2, v43  }
0x41c: {  	s3 =	sor.u32 s22, s2;
	v5 =	vadd.f32 v5, v47  }
0x41d: {  	s0 =	sor.u32 s24, s2;
	[tilespmem:s3+$0x0] =	vst v2  }
0x41e: {  	v2 =	vld [tilespmem:$0x14F80];
	[tilespmem:s0+$0x0] =	vst v5  }
0x41f: {  	v5 =	vld [tilespmem:$0x14F80];
	_ =	sdelay $0x1  }
0x420: {  	v48 =	vadd.f32 v59, v30  }
0x421: {  	v51 =	vadd.f32 v60, v32  }
0x422: {  	s25 =	sor.u32 $0x10280, s23;
	v2 =	vadd.f32 v2, v48  }
0x423: {  	s26 =	sor.u32 s22, s25;
	v5 =	vadd.f32 v5, v51  }
0x424: {  	s0 =	sor.u32 s24, s25;
	[tilespmem:s26+$0x0] =	vst v2  }
0x425: {  	v2 =	vld [tilespmem:$0x15000];
	[tilespmem:s0+$0x0] =	vst v5  }
0x426: {  	v5 =	vld [tilespmem:$0x15000];
	_ =	sdelay $0x1  }
0x427: {  	v52 =	vadd.f32 v49, v30  }
0x428: {  	v53 =	vadd.f32 v50, v32  }
0x429: {  	s28 =	sor.u32 $0x10300, s23;
	v2 =	vadd.f32 v2, v52  }
0x42a: {  	s29 =	sor.u32 s22, s28;
	v5 =	vadd.f32 v5, v53  }
0x42b: {  	s0 =	sor.u32 s24, s28;
	[tilespmem:s29+$0x0] =	vst v2  }
0x42c: {  	v2 =	vld [tilespmem:$0x15080];
	[tilespmem:s0+$0x0] =	vst v5  }
0x42d: {  	v5 =	vld [tilespmem:$0x15080];
	_ =	sdelay $0x1  }
0x42e: {  	v3 =	vadd.f32 v57, v30  }
0x42f: {  	v8 =	vadd.f32 v58, v32  }
0x430: {  	s30 =	sor.u32 $0x10380, s23;
	v2 =	vadd.f32 v2, v3  }
0x431: {  	s31 =	sor.u32 s22, s30;
	v54 =	vadd.f32 v5, v8  }
0x432: {  	s0 =	sor.u32 s24, s30;
	[tilespmem:s31+$0x0] =	vst v2  }
0x433: {  	v2 =	vld [tilespmem:$0x15100];
	[tilespmem:s0+$0x0] =	vst v54  }
0x434: {  	v55 =	vadd.f32 v55, v0;
	v57 =	vld [tilespmem:$0x15100]  }
0x435: {  	v58 =	vadd.f32 v56, v1  }
0x436: {  	v59 =	vadd.f32 v40, v55  }
0x437: {  	v60 =	vadd.f32 v45, v58  }
0x438: {  	s2 =	sor.u32 $0x11000, s23;
	v2 =	vadd.f32 v2, v59  }
0x439: {  	s3 =	sor.u32 s22, s2;
	v5 =	vadd.f32 v57, v60  }
0x43a: {  	s0 =	sor.u32 s24, s2;
	[tilespmem:s3+$0x0] =	vst v2  }
0x43b: {  	v2 =	vld [tilespmem:$0x15180];
	[tilespmem:s0+$0x0] =	vst v5  }
0x43c: {  	v5 =	vld [tilespmem:$0x15180];
	_ =	sdelay $0x1  }
0x43d: {  	v61 =	vadd.f32 v44, v55  }
0x43e: {  	v62 =	vadd.f32 v46, v58  }
0x43f: {  	s25 =	sor.u32 $0x11080, s23;
	v2 =	vadd.f32 v2, v61  }
0x440: {  	s26 =	sor.u32 s22, s25;
	v5 =	vadd.f32 v5, v62  }
0x441: {  	s0 =	sor.u32 s24, s25;
	[tilespmem:s26+$0x0] =	vst v2  }
0x442: {  	v2 =	vld [tilespmem:$0x15200];
	[tilespmem:s0+$0x0] =	vst v5  }
0x443: {  	v5 =	vld [tilespmem:$0x15200];
	_ =	sdelay $0x1  }
0x444: {  	v3 =	vadd.f32 v49, v55  }
0x445: {  	v8 =	vadd.f32 v50, v58  }
0x446: {  	s28 =	sor.u32 $0x11100, s23;
	v2 =	vadd.f32 v2, v3  }
0x447: {  	s29 =	sor.u32 s22, s28;
	v63 =	vadd.f32 v5, v8  }
0x448: {  	s0 =	sor.u32 s24, s28;
	[tilespmem:s29+$0x0] =	vst v2  }
0x449: {  	[tilespmem:s0+$0x0] =	vst v63;
	v2 =	vld [tilespmem:$0x15280]  }
0x44a: {  	v0 =	vadd.f32 v9, v0;
	v3 =	vld [tilespmem:$0x15280]  }
0x44b: {  	s18 =	sadd.s32 $0x2, s18;
	v1 =	vadd.f32 v7, v1  }
0x44c: {  	p0 =	slt.u32 s18, $0x1E;
	v0 =	vadd.f32 v4, v0  }
.Ltmp0:
0x44d: {  	v1 =	vadd.f32 v6, v1;
	(pc) =	sbr.rel @p0 .LBB2_2-.Ltmp0, $4  }
0x44e: {  	s30 =	sor.u32 $0x11180, s23;
	v0 =	vadd.f32 v2, v0  }
0x44f: {  	s31 =	sor.u32 s22, s30;
	v1 =	vadd.f32 v3, v1  }
0x450: {  	s0 =	sor.u32 s24, s30;
	[tilespmem:s31+$0x0] =	vst v0  }
0x451: {  	s20 =	sadd.s32 $0x1, s20;
	s19 =	sadd.s32 $0x20, s19;
	s21 =	sadd.s32 $0x100, s21;
	[tilespmem:s0+$0x0] =	vst v1  }
0x452: {  	s17 =	sadd.s32 $0x1, s17  }
0x453: {  	p0 =	sne.s32 s17, s9  }
.Ltmp1:
0x454: {  	_ = 	snop;
	(pc) =	sbr.rel @p0 .LBB2_1-.Ltmp1, $4  }
0x455: {  	[hbm4b:s8+s14] =	stream.strided.scatter [tilespmem:s16], [sflag:$0x1], $0xD000, s13, s14, $0x38;
	[tilespmem:$0x15500] =	vst v63  }
0x456: {  	_ =	swait.ge [sflag:s11], $0xD000  }
0x457: {  	[sflag:s11] =	ssyncset.done $0x0  }
0x458: {  	[sflag:s11] =	ssyncadd.s32 $0xFFFF3000  }
0x459: {  	_ =	sfence.sel $0x180000  }
0x45a: {  	[bflag:$0x0] =	sbarrier.arrive $0xFFFF  }
0x45b: {  	_ =	strace $0x90000047  }
0x45c: {  	s0 =	stileid.u32;
	[bflag:$0x2] =	sbarrier.arrive $0xFFFF  }
0x45d: {  	p0 =	sne.s32 s0, $0x0;
	s0 =	rddreg [dreg:$0x6]  }
0x45e: {  	s0 =	sadd.s32 @!p0 $0x100000, s0  }
0x45f: {  	[sflag:s0] =	ssyncadd.tile.s32 @!p0 $0x1;
	_ =	shalt  }
.Lfunc_end2:
_tile_overlayer_lowered:
.L_overlay_start_2:
0x460: {  	(tag) =	ssettag $0x2  }
0x461: {  	s0 =	rddreg [dreg:$0x0];
	s2 =	stileid.u32  }
0x462: {  	s1 =	rddreg [dreg:$0x1];
	p0 =	sne.s32 s2, $0x0  }
0x463: {  	s3 =	rddreg [dreg:$0x2];
	[bflag:$0x3] =	sbarrier.arrive $0xFFFF;
	s2 =	simm.s32 @!p0 $0x1C01  }
0x464: {  	[timem:s3], [sflag:s2] =	dma.local @!p0 [hbm:s0], s1  }
0x465: {  	s0 =	simm.s32 @!p0 $0x1  }
0x466: {  	_ =	swait.ge @!p0 [sflag:s0], s1  }
0x467: {  	s1 =	ssub.s32 @!p0 $0x0, s1;
	[sflag:s0] =	ssyncset.done @!p0 $0x0  }
0x468: {  	[sflag:s0] =	ssyncadd.s32 @!p0 s1  }
0x469: {  	[bflag:$0x3] =	sbarrier.arrive $0xFFFF  }
0x46a: {  	_ =	shalt  }

</sc_bundles>
